<compile_context>
chip_gen: v7x
topology: tpu7x:2x2x1
jax: 0.10.2.dev20260603
libtpu: 0.0.44.dev20260713+nightly
codegen_flags: <defaults>
</compile_context>

<pallas_src>
import functools

import jax
import jax.numpy as jnp
from jax import lax
from jax.experimental import pallas as pl
from jax.experimental.pallas import tpu as pltpu
from jax.experimental.pallas import tpu_sc as plsc

N_NODES = 10000
N_EDGES = 320000
IN_DIM = 128
HID_DIM = 256
OUT_DIM = 128
HEADS = 4

NP = 10240
E_REAL = N_EDGES + N_NODES
K = 288
NG = K // 16
CHUNKS_PER_TILE = 72
EP = 16 * CHUNKS_PER_TILE * K
ROWS_PER_TILE = NP // 16
FSZ = 64
BN = 1024
GRID_N = NP // BN



def _tc1_body(x_ref, w1_ref, wres_ref, a1a_ref, a1b_ref, bres_ref,
              tabA_ref, tabB_ref, adcA_ref, adcB_ref, res_ref):
    x = x_ref[...]
    h = jnp.dot(x, w1_ref[...], preferred_element_type=jnp.float32)
    tabA_ref[...] = h[:, :128]
    tabB_ref[...] = h[:, 128:]
    adcA_ref[...] = jnp.dot(h, a1a_ref[...], preferred_element_type=jnp.float32)
    adcB_ref[...] = jnp.dot(h, a1b_ref[...], preferred_element_type=jnp.float32)
    res_ref[...] = (jnp.dot(x, wres_ref[...], preferred_element_type=jnp.float32)
                    + bres_ref[...])


def _tc1(x_p, W1, Wres, A1a, A1b, bres2d):
    f32 = jnp.float32
    return pl.pallas_call(
        _tc1_body,
        grid=(GRID_N,),
        in_specs=[
            pl.BlockSpec((BN, IN_DIM), lambda i: (i, 0)),
            pl.BlockSpec((IN_DIM, HID_DIM), lambda i: (0, 0)),
            pl.BlockSpec((IN_DIM, OUT_DIM), lambda i: (0, 0)),
            pl.BlockSpec((HID_DIM, 4), lambda i: (0, 0)),
            pl.BlockSpec((HID_DIM, 4), lambda i: (0, 0)),
            pl.BlockSpec((1, OUT_DIM), lambda i: (0, 0)),
        ],
        out_specs=[
            pl.BlockSpec((BN, 128), lambda i: (i, 0)),
            pl.BlockSpec((BN, 128), lambda i: (i, 0)),
            pl.BlockSpec((BN, 4), lambda i: (i, 0)),
            pl.BlockSpec((BN, 4), lambda i: (i, 0)),
            pl.BlockSpec((BN, OUT_DIM), lambda i: (i, 0)),
        ],
        out_shape=[
            jax.ShapeDtypeStruct((NP, 128), f32),
            jax.ShapeDtypeStruct((NP, 128), f32),
            jax.ShapeDtypeStruct((NP, 4), f32),
            jax.ShapeDtypeStruct((NP, 4), f32),
            jax.ShapeDtypeStruct((NP, OUT_DIM), f32),
        ],
    )(x_p, W1, Wres, A1a, A1b, bres2d)


def _tc2_body(ha_ref, hb_ref, w2_ref, a2a_ref, a2b_ref,
              h2_ref, adcA_ref, adcB_ref):
    h2 = (jnp.dot(ha_ref[...], w2_ref[:128, :], preferred_element_type=jnp.float32)
          + jnp.dot(hb_ref[...], w2_ref[128:, :], preferred_element_type=jnp.float32))
    h2_ref[...] = h2
    adcA_ref[...] = jnp.dot(h2, a2a_ref[...], preferred_element_type=jnp.float32)
    adcB_ref[...] = jnp.dot(h2, a2b_ref[...], preferred_element_type=jnp.float32)


def _tc2(h1A, h1B, W2, A2a, A2b):
    f32 = jnp.float32
    return pl.pallas_call(
        _tc2_body,
        grid=(GRID_N,),
        in_specs=[
            pl.BlockSpec((BN, 128), lambda i: (i, 0)),
            pl.BlockSpec((BN, 128), lambda i: (i, 0)),
            pl.BlockSpec((HID_DIM, OUT_DIM), lambda i: (0, 0)),
            pl.BlockSpec((OUT_DIM, 4), lambda i: (0, 0)),
            pl.BlockSpec((OUT_DIM, 4), lambda i: (0, 0)),
        ],
        out_specs=[
            pl.BlockSpec((BN, 128), lambda i: (i, 0)),
            pl.BlockSpec((BN, 4), lambda i: (i, 0)),
            pl.BlockSpec((BN, 4), lambda i: (i, 0)),
        ],
        out_shape=[
            jax.ShapeDtypeStruct((NP, 128), f32),
            jax.ShapeDtypeStruct((NP, 4), f32),
            jax.ShapeDtypeStruct((NP, 4), f32),
        ],
    )(h1A, h1B, W2, A2a, A2b)



_MESH = dict(core_axis_name="c", subcore_axis_name="s",
             num_cores=2, num_subcores=16)
_NO_LAYOUT = pltpu.CompilerParams(needs_layout_passes=False)
_DEN = ROWS_PER_TILE * 2


KW = 576
CH_W = EP // 16 // KW
NG_W = KW // 16


@functools.lru_cache(maxsize=None)
def _make_sc_w():
    f32 = jnp.float32
    i32 = jnp.int32
    mesh = plsc.VectorSubcoreMesh(**_MESH)

    def body(sidx_h, didx_h, adcA_h, adcB_h, w_hbm, den_hbm,
             sidx, didx, adc, wq2, didx2, denb, den_sp):
        c = lax.axis_index("c")
        s = lax.axis_index("s")
        lane = lax.iota(i32, 16)
        zero16 = jnp.zeros((16,), f32)

        @pl.when(c == 0)
        def _():
            pltpu.sync_copy(adcA_h, adc)

        @pl.when(c == 1)
        def _():
            pltpu.sync_copy(adcB_h, adc)

        def zb(i, _):
            denb[pl.ds(16 * i, 16)] = zero16
            return 0
        lax.fori_loop(0, _DEN // 16, zb, 0)
        pltpu.sync_copy(denb, den_sp.at[pl.ds(s * _DEN, _DEN)])
        plsc.subcore_barrier()

        ebase = s * (CH_W * KW)

        def chunk(i, _):
            base = ebase + i * KW
            pltpu.sync_copy(sidx_h.at[pl.ds(base, KW)], sidx)
            pltpu.sync_copy(didx_h.at[pl.ds(base, KW)], didx)

            def grp(g, _):
                off = 16 * g
                sv = sidx[pl.ds(off, 16)]
                dv = didx[pl.ds(off, 16)]
                sv4 = sv * 4
                dv4 = dv * 4
                asA = plsc.load_gather(adc, [sv4])
                asB = plsc.load_gather(adc, [sv4 + 1])
                adA = plsc.load_gather(adc, [dv4 + 2])
                adB = plsc.load_gather(adc, [dv4 + 3])
                aA = asA + adA
                aB = asB + adB
                wA = jnp.exp(jnp.maximum(aA, 0.2 * aA))
                wB = jnp.exp(jnp.maximum(aB, 0.2 * aB))
                pos = lane * 2 + 32 * g
                dv2 = dv * 2
                plsc.store_scatter(wq2, [pos], wA)
                plsc.store_scatter(wq2, [pos + 1], wB)
                plsc.store_scatter(didx2, [pos], dv2)
                plsc.store_scatter(didx2, [pos + 1], dv2 + 1)
                return 0
            lax.fori_loop(0, NG_W, grp, 0)

            pltpu.sync_copy(wq2, den_sp.at[didx2], add=True)
            pltpu.sync_copy(wq2, w_hbm.at[pl.ds(c * (EP * 2) + base * 2, KW * 2)])
            return 0
        lax.fori_loop(0, CH_W, chunk, 0)
        plsc.subcore_barrier()

        pltpu.sync_copy(den_sp.at[pl.ds(s * _DEN, _DEN)], denb)
        pltpu.sync_copy(denb, den_hbm.at[pl.ds(c * (NP * 2) + s * _DEN, _DEN)])

    scratch = [
        pltpu.VMEM((KW,), i32),
        pltpu.VMEM((KW,), i32),
        pltpu.VMEM((NP * 4,), f32),
        pltpu.VMEM((KW * 2,), f32),
        pltpu.VMEM((KW * 2,), i32),
        pltpu.VMEM((_DEN,), f32),
        pltpu.VMEM_SHARED((NP * 2,), f32),
    ]
    out_type = (jax.ShapeDtypeStruct((2 * EP * 2,), f32),
                jax.ShapeDtypeStruct((2 * NP * 2,), f32))
    return pl.kernel(body, out_type=out_type, mesh=mesh, scratch_types=scratch,
                     compiler_params=_NO_LAYOUT)


@functools.lru_cache(maxsize=None)
def _make_sc_m(C_OUT, NVA, do_relu):
    f32 = jnp.float32
    i32 = jnp.int32
    NVOUT = C_OUT // 16
    mesh = plsc.VectorSubcoreMesh(**_MESH)

    def body(sidx_h, didx_h, tabA, tabB, w_hbm, den_hbm, bias_h,
             outA, outB,
             sidx, didx, wq2, grow, fout, bvec, denb, acc_sp, sem):
        c = lax.axis_index("c")
        s = lax.axis_index("s")
        row0 = s * ROWS_PER_TILE
        zero16 = jnp.zeros((16,), f32)

        pltpu.sync_copy(bias_h.at[pl.ds(8 * c, 8)], bvec)

        def zrow(e, _):
            for v in range(8):
                grow[e, pl.ds(16 * v, 16)] = zero16
            return 0
        lax.fori_loop(0, K, zrow, 0)
        pltpu.sync_copy(grow, acc_sp.at[pl.ds(row0, K)])
        pltpu.sync_copy(grow, acc_sp.at[pl.ds(row0 + K, K)])
        pltpu.sync_copy(grow.at[pl.ds(0, ROWS_PER_TILE - 2 * K)],
                        acc_sp.at[pl.ds(row0 + 2 * K, ROWS_PER_TILE - 2 * K)])
        plsc.subcore_barrier()

        ebase = s * (CHUNKS_PER_TILE * K)

        def chunk(i, _):
            base = ebase + i * K
            pltpu.sync_copy(sidx_h.at[pl.ds(base, K)], sidx)
            pltpu.sync_copy(didx_h.at[pl.ds(base, K)], didx)
            pltpu.sync_copy(w_hbm.at[pl.ds(c * (EP * 2) + base * 2, K * 2)],
                            wq2)

            @pl.when(c == 0)
            def _():
                pltpu.async_copy(tabA.at[sidx], grow, sem).wait()

            @pl.when(c == 1)
            def _():
                pltpu.async_copy(tabB.at[sidx], grow, sem).wait()

            def srow(e, _):
                e2 = jnp.full((16,), 0, i32) + 2 * e
                wa = plsc.load_gather(wq2, [e2])
                wb = plsc.load_gather(wq2, [e2 + 1])
                for v in range(8):
                    w = wa if v < NVA else wb
                    grow[e, pl.ds(16 * v, 16)] = grow[e, pl.ds(16 * v, 16)] * w
                return 0
            lax.fori_loop(0, K, srow, 0)

            pltpu.sync_copy(grow, acc_sp.at[didx], add=True)
            return 0
        lax.fori_loop(0, CHUNKS_PER_TILE, chunk, 0)
        plsc.subcore_barrier()

        def fin(half, _):
            r0 = row0 + half * FSZ
            pltpu.sync_copy(acc_sp.at[pl.ds(r0, FSZ)], grow.at[pl.ds(0, FSZ)])
            pltpu.sync_copy(
                den_hbm.at[pl.ds(c * (NP * 2) + r0 * 2, FSZ * 2)], denb)

            def frow(n, _):
                n2 = jnp.full((16,), 0, i32) + 2 * n
                da = plsc.load_gather(denb, [n2]) + 1e-16
                db = plsc.load_gather(denb, [n2 + 1]) + 1e-16
                for v in range(NVOUT):
                    d = da if v < NVA else db
                    xv = grow[n, pl.ds(16 * v, 16)] / d + bvec[0, pl.ds(16 * v, 16)]
                    if do_relu:
                        xv = jnp.maximum(xv, 0.0)
                    if C_OUT == 128:
                        grow[n, pl.ds(16 * v, 16)] = xv
                    else:
                        fout[n, pl.ds(16 * v, 16)] = xv
                return 0
            lax.fori_loop(0, FSZ, frow, 0)

            src = grow if C_OUT == 128 else fout

            @pl.when(c == 0)
            def _():
                pltpu.sync_copy(src.at[pl.ds(0, FSZ)], outA.at[pl.ds(r0, FSZ)])

            @pl.when(c == 1)
            def _():
                pltpu.sync_copy(src.at[pl.ds(0, FSZ)], outB.at[pl.ds(r0, FSZ)])
            return 0
        lax.fori_loop(0, ROWS_PER_TILE // FSZ, fin, 0)

    scratch = [
        pltpu.VMEM((K,), i32),
        pltpu.VMEM((K,), i32),
        pltpu.VMEM((K * 2,), f32),
        pltpu.VMEM((K, 128), f32),
        pltpu.VMEM((FSZ, C_OUT), f32) if C_OUT != 128
        else pltpu.VMEM((8, 128), f32),
        pltpu.VMEM((8, 128), f32),
        pltpu.VMEM((FSZ * 2,), f32),
        pltpu.VMEM_SHARED((NP, 128), f32),
        pltpu.SemaphoreType.DMA,
    ]
    out_type = (jax.ShapeDtypeStruct((NP, C_OUT), f32),
                jax.ShapeDtypeStruct((NP, C_OUT), f32))
    return pl.kernel(body, out_type=out_type, mesh=mesh, scratch_types=scratch,
                     compiler_params=_NO_LAYOUT)


CH_M2 = CHUNKS_PER_TILE // 2


@functools.lru_cache(maxsize=None)
def _make_sc_m2():
    f32 = jnp.float32
    i32 = jnp.int32
    mesh = plsc.VectorSubcoreMesh(**_MESH)

    def body(sidx_h, didx_h, tab, w_hbm, outX,
             sidx, didx, wqA, wqB, grow, acc_sp, sem):
        c = lax.axis_index("c")
        s = lax.axis_index("s")
        row0 = s * ROWS_PER_TILE
        zero16 = jnp.zeros((16,), f32)

        def zrow(e, _):
            for v in range(8):
                grow[e, pl.ds(16 * v, 16)] = zero16
            return 0
        lax.fori_loop(0, K, zrow, 0)
        pltpu.sync_copy(grow, acc_sp.at[pl.ds(row0, K)])
        pltpu.sync_copy(grow, acc_sp.at[pl.ds(row0 + K, K)])
        pltpu.sync_copy(grow.at[pl.ds(0, ROWS_PER_TILE - 2 * K)],
                        acc_sp.at[pl.ds(row0 + 2 * K, ROWS_PER_TILE - 2 * K)])
        plsc.subcore_barrier()

        ebase = (c * 16 + s) * (CH_M2 * K)

        def chunk(i, _):
            base = ebase + i * K
            pltpu.sync_copy(sidx_h.at[pl.ds(base, K)], sidx)
            pltpu.sync_copy(didx_h.at[pl.ds(base, K)], didx)
            pltpu.sync_copy(w_hbm.at[pl.ds(base * 2, K * 2)], wqA)
            pltpu.sync_copy(w_hbm.at[pl.ds(EP * 2 + base * 2, K * 2)], wqB)
            pltpu.async_copy(tab.at[sidx], grow, sem).wait()

            def srow(e, _):
                e2 = jnp.full((16,), 0, i32) + 2 * e
                w0 = plsc.load_gather(wqA, [e2])
                w1 = plsc.load_gather(wqA, [e2 + 1])
                w2 = plsc.load_gather(wqB, [e2])
                w3 = plsc.load_gather(wqB, [e2 + 1])
                ws = (w0, w0, w1, w1, w2, w2, w3, w3)
                for v in range(8):
                    grow[e, pl.ds(16 * v, 16)] = (
                        grow[e, pl.ds(16 * v, 16)] * ws[v])
                return 0
            lax.fori_loop(0, K, srow, 0)

            pltpu.sync_copy(grow, acc_sp.at[didx], add=True)
            return 0
        lax.fori_loop(0, CH_M2, chunk, 0)
        plsc.subcore_barrier()

        def fin(half, _):
            r0 = row0 + half * FSZ
            pltpu.sync_copy(acc_sp.at[pl.ds(r0, FSZ)], grow.at[pl.ds(0, FSZ)])
            pltpu.sync_copy(grow.at[pl.ds(0, FSZ)],
                            outX.at[pl.ds(c * NP + r0, FSZ)])
            return 0
        lax.fori_loop(0, ROWS_PER_TILE // FSZ, fin, 0)

    scratch = [
        pltpu.VMEM((K,), i32),
        pltpu.VMEM((K,), i32),
        pltpu.VMEM((K * 2,), f32),
        pltpu.VMEM((K * 2,), f32),
        pltpu.VMEM((K, 128), f32),
        pltpu.VMEM_SHARED((NP, 128), f32),
        pltpu.SemaphoreType.DMA,
    ]
    out_type = jax.ShapeDtypeStruct((2 * NP, 128), f32)
    return pl.kernel(body, out_type=out_type, mesh=mesh, scratch_types=scratch,
                     compiler_params=_NO_LAYOUT)



def _att_mat(att_s, att_d, width, g0):
    cols = []
    for att, g in ((att_s, g0), (att_s, g0 + 1), (att_d, g0), (att_d, g0 + 1)):
        sel = jnp.zeros((HEADS, 1), att.dtype).at[g, 0].set(1.0)
        cols.append((att[:, :, None] * sel[:, None, :]).reshape(width, 1))
    return jnp.concatenate(cols, axis=1)


def kernel(x, edge_index, W1, att_src1, att_dst1, b1, W2, att_src2, att_dst2,
           b2, Wres, bres):
    i32 = jnp.int32
    loop = jnp.arange(N_NODES, dtype=i32)
    pad = jnp.full((EP - E_REAL,), N_NODES, dtype=i32)
    src = jnp.concatenate([edge_index[0].astype(i32), loop, pad])
    dst = jnp.concatenate([edge_index[1].astype(i32), loop, pad])

    x_p = jnp.pad(x, ((0, NP - N_NODES), (0, 0)))
    A1a = _att_mat(att_src1, att_dst1, HID_DIM, 0)
    A1b = _att_mat(att_src1, att_dst1, HID_DIM, 2)
    A2a = _att_mat(att_src2, att_dst2, OUT_DIM, 0)
    A2b = _att_mat(att_src2, att_dst2, OUT_DIM, 2)

    b1p = jnp.zeros((16, 128), jnp.float32)
    b1p = b1p.at[0].set(b1[:128]).at[8].set(b1[128:])

    tabA, tabB, adc1A, adc1B, res = _tc1(
        x_p, W1, Wres, A1a, A1b, bres.reshape(1, OUT_DIM))
    w1, den1 = _make_sc_w()(src, dst, adc1A.reshape(-1), adc1B.reshape(-1))
    h1A, h1B = _make_sc_m(128, 4, True)(
        src, dst, tabA, tabB, w1, den1, b1p)
    h2, adc2A, adc2B = _tc2(h1A, h1B, W2, A2a, A2b)
    w2, den2 = _make_sc_w()(src, dst, adc2A.reshape(-1), adc2B.reshape(-1))
    acc2 = _make_sc_m2()(src, dst, h2, w2)
    acc = acc2[:N_NODES] + acc2[NP:NP + N_NODES]
    den = den2.reshape(2, NP, 2)
    den_nh = jnp.concatenate([den[0], den[1]], axis=1)[:N_NODES]
    dd = jnp.repeat(den_nh + 1e-16, OUT_DIM // 4, axis=1)
    return acc / dd + b2 + res[:N_NODES]

# --- scband reference (transcript-rebuilt; emitter-appended) ---
"""Pipeline reference for scband-gatlayer-32856499814920 (READ-ONLY COPY).

The authoritative reference and input builder live on the scoring server;
editing this copy changes nothing except your own understanding.
"""

import jax, jax.numpy as jnp
import numpy as np

N_NODES = 10000
N_EDGES = 320000
IN_DIM = 128
HID_DIM = 256
OUT_DIM = 128
HEADS = 4


def _gat_conv(x, edge_index, W, att_src, att_dst, bias, heads, ch):
    # PyG GATConv (add_self_loops=True, concat=True), eval mode (dropout off).
    N = x.shape[0]
    h = (x @ W).reshape(N, heads, ch)                      # [N, H, C]
    a_src = (h * att_src).sum(-1)                          # [N, H]
    a_dst = (h * att_dst).sum(-1)                          # [N, H]
    loop = jnp.arange(N, dtype=edge_index.dtype)
    src = jnp.concatenate([edge_index[0], loop])           # [E+N]
    dst = jnp.concatenate([edge_index[1], loop])           # [E+N]
    alpha = a_src[src] + a_dst[dst]                        # [E+N, H]
    alpha = jax.nn.leaky_relu(alpha, negative_slope=0.2)
    # segment softmax over incoming edges of each dst node
    amax = jax.ops.segment_max(alpha, dst, num_segments=N) # [N, H]
    alpha = jnp.exp(alpha - amax[dst])
    denom = jax.ops.segment_sum(alpha, dst, num_segments=N)
    alpha = alpha / (denom[dst] + 1e-16)
    msg = h[src] * alpha[:, :, None]                       # [E+N, H, C]
    out = jax.ops.segment_sum(msg, dst, num_segments=N)    # [N, H, C]
    return out.reshape(N, heads * ch) + bias


def setup_inputs(seed: int = 0) -> dict:
    key = jax.random.key(seed)
    ks = jax.random.split(key, 12)
    c1 = HID_DIM // HEADS
    c2 = OUT_DIM // HEADS
    x = jax.random.normal(ks[0], (N_NODES, IN_DIM), dtype=jnp.float32)
    edge_index = jax.random.randint(ks[1], (2, N_EDGES), 0, N_NODES, dtype=jnp.int64)
    s1 = 1.0 / np.sqrt(IN_DIM)
    s2 = 1.0 / np.sqrt(HID_DIM)
    return {
        "x": x,
        "edge_index": edge_index,
        "W1": jax.random.normal(ks[2], (IN_DIM, HID_DIM), dtype=jnp.float32) * s1,
        "att_src1": jax.random.normal(ks[3], (HEADS, c1), dtype=jnp.float32) * 0.1,
        "att_dst1": jax.random.normal(ks[4], (HEADS, c1), dtype=jnp.float32) * 0.1,
        "b1": jnp.zeros((HID_DIM,), dtype=jnp.float32),
        "W2": jax.random.normal(ks[5], (HID_DIM, OUT_DIM), dtype=jnp.float32) * s2,
        "att_src2": jax.random.normal(ks[6], (HEADS, c2), dtype=jnp.float32) * 0.1,
        "att_dst2": jax.random.normal(ks[7], (HEADS, c2), dtype=jnp.float32) * 0.1,
        "b2": jnp.zeros((OUT_DIM,), dtype=jnp.float32),
        "Wres": jax.random.normal(ks[8], (IN_DIM, OUT_DIM), dtype=jnp.float32) * s1,
        "bres": jnp.zeros((OUT_DIM,), dtype=jnp.float32),
    }


def reference(x, edge_index, W1, att_src1, att_dst1, b1, W2, att_src2, att_dst2, b2, Wres, bres):
    c1 = HID_DIM // HEADS
    c2 = OUT_DIM // HEADS
    h1 = _gat_conv(x, edge_index, W1, att_src1, att_dst1, b1, HEADS, c1)
    h1 = jax.nn.relu(h1)
    # dropout is identity in eval mode
    h2 = _gat_conv(h1, edge_index, W2, att_src2, att_dst2, b2, HEADS, c2)
    out = h2 + (x @ Wres + bres)
    return out

if __name__ == "__main__":
    import jax
    _d = setup_inputs()
    print(jax.jit(kernel)(*tuple(_d.values())))

</pallas_src>

<mosaic_0001>
#map = affine_map<(d0, d1) -> (0)>
#map1 = affine_map<(d0, d1) -> (0, 0)>
module attributes {stable_mosaic.version = 14 : i64} {
  func.func @body(%arg0: i32, %arg1: i32, %arg2: memref<331776xi32, #tpu.memory_space<hbm>>, %arg3: memref<331776xi32, #tpu.memory_space<hbm>>, %arg4: memref<10240x128xf32, #tpu.memory_space<hbm>>, %arg5: memref<10240x128xf32, #tpu.memory_space<hbm>>, %arg6: memref<1327104xf32, #tpu.memory_space<hbm>>, %arg7: memref<40960xf32, #tpu.memory_space<hbm>>, %arg8: memref<16x128xf32, #tpu.memory_space<hbm>>, %arg9: memref<10240x128xf32, #tpu.memory_space<hbm>>, %arg10: memref<10240x128xf32, #tpu.memory_space<hbm>>, %arg11: memref<288xi32, #tpu.memory_space<vmem>>, %arg12: memref<288xi32, #tpu.memory_space<vmem>>, %arg13: memref<576xf32, #tpu.memory_space<vmem>>, %arg14: memref<288x128xf32, #tpu.memory_space<vmem>>, %arg15: memref<8x128xf32, #tpu.memory_space<vmem>>, %arg16: memref<8x128xf32, #tpu.memory_space<vmem>>, %arg17: memref<128xf32, #tpu.memory_space<vmem>>, %arg18: memref<10240x128xf32, #tpu.memory_space<vmem_shared>>, %arg19: memref<!tpu.dma_semaphore, #tpu.memory_space<semaphore_mem>>) attributes {dimension_semantics = [#tpu.dimension_semantics<core_parallel>, #tpu.dimension_semantics<subcore_parallel>], iteration_bounds = array<i64: 2, 16>, scalar_prefetch = 0 : i64, scratch_operands = 9 : i64, tpu.core_type = #tpu.core_type<sc_vector_subcore>, window_params = [{transform_indices = #map}, {transform_indices = #map}, {transform_indices = #map1}, {transform_indices = #map1}, {transform_indices = #map}, {transform_indices = #map}, {transform_indices = #map1}, {transform_indices = #map1}, {transform_indices = #map1}]} {
    %mul3A = arith.constant 640 : i32
    %mul3A_0 = arith.muli %arg1, %mul3A : i32
    %broadcast_in_dim3A = arith.constant 0.000000e+00 : f32
    %broadcast_in_dim3A_1 = vector.broadcast %broadcast_in_dim3A : f32 to vector<16xf32>
    %mul3A_2 = arith.constant 8 : i32
    %mul3A_3 = arith.muli %mul3A_2, %arg0 : i32
    "tpu.region"() ({
      %run_scoped3A = tpu.sem_alloc : memref<!tpu.dma_semaphore, #tpu.memory_space<semaphore_mem>>
      %dma_start3A = arith.constant 0 : i32
      %dma_start3A_30 = tpu.memref_slice %arg8[%mul3A_3, %dma_start3A] : memref<16x128xf32, #tpu.memory_space<hbm>> -> memref<8x128xf32, #tpu.memory_space<hbm>>
      %dma_start3A_31 = arith.constant 0 : i32
      %dma_start3A_32 = tpu.memref_slice %arg8[%mul3A_3, %dma_start3A_31] : memref<16x128xf32, #tpu.memory_space<hbm>> -> memref<8x128xf32, #tpu.memory_space<hbm>>
      tpu.enqueue_dma source(%dma_start3A_32 : memref<8x128xf32, #tpu.memory_space<hbm>>) target(%arg16 : memref<8x128xf32, #tpu.memory_space<vmem>>) target_semaphore(%run_scoped3A : memref<!tpu.dma_semaphore, #tpu.memory_space<semaphore_mem>>)
      %dma_wait3A = arith.constant 0 : i32
      %dma_wait3A_33 = tpu.memref_slice %arg8[%mul3A_3, %dma_wait3A] : memref<16x128xf32, #tpu.memory_space<hbm>> -> memref<8x128xf32, #tpu.memory_space<hbm>>
      %dma_wait3A_34 = arith.constant 0 : i32
      %dma_wait3A_35 = tpu.memref_slice %arg8[%mul3A_3, %dma_wait3A_34] : memref<16x128xf32, #tpu.memory_space<hbm>> -> memref<8x128xf32, #tpu.memory_space<hbm>>
      tpu.wait_dma2 semaphore(%run_scoped3A : memref<!tpu.dma_semaphore, #tpu.memory_space<semaphore_mem>>) src(%dma_wait3A_35 : memref<8x128xf32, #tpu.memory_space<hbm>>) dst(%arg16 : memref<8x128xf32, #tpu.memory_space<vmem>>)
      tpu.yield
    }) : () -> ()
    %scan3A = arith.constant 0 : i32
    %scan3A_4 = arith.constant 0 : i32
    %scan3A_5 = arith.constant 288 : i32
    %scan3A_6 = arith.addi %scan3A_4, %scan3A_5 : i32
    %scan3A_7 = arith.constant 1 : i32
    %scan3A_8 = scf.for %scan3A_30 = %scan3A_4 to %scan3A_6 step %scan3A_7 iter_args(%scan3A_31 = %scan3A) -> (i32)  : i32 {
      %swap3A = arith.index_cast %scan3A_30 : i32 to index
      %swap3A_32 = arith.constant 0 : index
      %swap3A_33 = tpu.vector_load %arg14[%swap3A, %swap3A_32] {strides = array<i32>} : memref<288x128xf32, #tpu.memory_space<vmem>>, vector<16xf32>,
      tpu.vector_store %arg14[%swap3A, %swap3A_32], %broadcast_in_dim3A_1 {strides = array<i32>} : memref<288x128xf32, #tpu.memory_space<vmem>>, vector<16xf32>,
      %swap3A_34 = arith.index_cast %scan3A_30 : i32 to index
      %swap3A_35 = arith.constant 16 : index
      %swap3A_36 = tpu.vector_load %arg14[%swap3A_34, %swap3A_35] {strides = array<i32>} : memref<288x128xf32, #tpu.memory_space<vmem>>, vector<16xf32>,
      tpu.vector_store %arg14[%swap3A_34, %swap3A_35], %broadcast_in_dim3A_1 {strides = array<i32>} : memref<288x128xf32, #tpu.memory_space<vmem>>, vector<16xf32>,
      %swap3A_37 = arith.index_cast %scan3A_30 : i32 to index
      %swap3A_38 = arith.constant 32 : index
      %swap3A_39 = tpu.vector_load %arg14[%swap3A_37, %swap3A_38] {strides = array<i32>} : memref<288x128xf32, #tpu.memory_space<vmem>>, vector<16xf32>,
      tpu.vector_store %arg14[%swap3A_37, %swap3A_38], %broadcast_in_dim3A_1 {strides = array<i32>} : memref<288x128xf32, #tpu.memory_space<vmem>>, vector<16xf32>,
      %swap3A_40 = arith.index_cast %scan3A_30 : i32 to index
      %swap3A_41 = arith.constant 48 : index
      %swap3A_42 = tpu.vector_load %arg14[%swap3A_40, %swap3A_41] {strides = array<i32>} : memref<288x128xf32, #tpu.memory_space<vmem>>, vector<16xf32>,
      tpu.vector_store %arg14[%swap3A_40, %swap3A_41], %broadcast_in_dim3A_1 {strides = array<i32>} : memref<288x128xf32, #tpu.memory_space<vmem>>, vector<16xf32>,
      %swap3A_43 = arith.index_cast %scan3A_30 : i32 to index
      %swap3A_44 = arith.constant 64 : index
      %swap3A_45 = tpu.vector_load %arg14[%swap3A_43, %swap3A_44] {strides = array<i32>} : memref<288x128xf32, #tpu.memory_space<vmem>>, vector<16xf32>,
      tpu.vector_store %arg14[%swap3A_43, %swap3A_44], %broadcast_in_dim3A_1 {strides = array<i32>} : memref<288x128xf32, #tpu.memory_space<vmem>>, vector<16xf32>,
      %swap3A_46 = arith.index_cast %scan3A_30 : i32 to index
      %swap3A_47 = arith.constant 80 : index
      %swap3A_48 = tpu.vector_load %arg14[%swap3A_46, %swap3A_47] {strides = array<i32>} : memref<288x128xf32, #tpu.memory_space<vmem>>, vector<16xf32>,
      tpu.vector_store %arg14[%swap3A_46, %swap3A_47], %broadcast_in_dim3A_1 {strides = array<i32>} : memref<288x128xf32, #tpu.memory_space<vmem>>, vector<16xf32>,
      %swap3A_49 = arith.index_cast %scan3A_30 : i32 to index
      %swap3A_50 = arith.constant 96 : index
      %swap3A_51 = tpu.vector_load %arg14[%swap3A_49, %swap3A_50] {strides = array<i32>} : memref<288x128xf32, #tpu.memory_space<vmem>>, vector<16xf32>,
      tpu.vector_store %arg14[%swap3A_49, %swap3A_50], %broadcast_in_dim3A_1 {strides = array<i32>} : memref<288x128xf32, #tpu.memory_space<vmem>>, vector<16xf32>,
      %swap3A_52 = arith.index_cast %scan3A_30 : i32 to index
      %swap3A_53 = arith.constant 112 : index
      %swap3A_54 = tpu.vector_load %arg14[%swap3A_52, %swap3A_53] {strides = array<i32>} : memref<288x128xf32, #tpu.memory_space<vmem>>, vector<16xf32>,
      tpu.vector_store %arg14[%swap3A_52, %swap3A_53], %broadcast_in_dim3A_1 {strides = array<i32>} : memref<288x128xf32, #tpu.memory_space<vmem>>, vector<16xf32>,
      %scan3A_55 = arith.constant 0 : i32
      scf.yield %scan3A_55 : i32
    }
    %scan3A_9 = arith.constant 288 : i32
    "tpu.region"() ({
      %run_scoped3A = tpu.sem_alloc : memref<!tpu.dma_semaphore, #tpu.memory_space<semaphore_mem>>
      %dma_start3A = arith.constant 0 : i32
      %dma_start3A_30 = tpu.memref_slice %arg18[%mul3A_0, %dma_start3A] : memref<10240x128xf32, #tpu.memory_space<vmem_shared>> -> memref<288x128xf32, #tpu.memory_space<vmem_shared>>
      %dma_start3A_31 = arith.constant 0 : i32
      %dma_start3A_32 = tpu.memref_slice %arg18[%mul3A_0, %dma_start3A_31] : memref<10240x128xf32, #tpu.memory_space<vmem_shared>> -> memref<288x128xf32, #tpu.memory_space<vmem_shared>>
      tpu.enqueue_dma source(%arg14 : memref<288x128xf32, #tpu.memory_space<vmem>>) target(%dma_start3A_32 : memref<288x128xf32, #tpu.memory_space<vmem_shared>>) target_semaphore(%run_scoped3A : memref<!tpu.dma_semaphore, #tpu.memory_space<semaphore_mem>>)
      %dma_wait3A = arith.constant 0 : i32
      %dma_wait3A_33 = tpu.memref_slice %arg18[%mul3A_0, %dma_wait3A] : memref<10240x128xf32, #tpu.memory_space<vmem_shared>> -> memref<288x128xf32, #tpu.memory_space<vmem_shared>>
      %dma_wait3A_34 = arith.constant 0 : i32
      %dma_wait3A_35 = tpu.memref_slice %arg18[%mul3A_0, %dma_wait3A_34] : memref<10240x128xf32, #tpu.memory_space<vmem_shared>> -> memref<288x128xf32, #tpu.memory_space<vmem_shared>>
      tpu.wait_dma2 semaphore(%run_scoped3A : memref<!tpu.dma_semaphore, #tpu.memory_space<semaphore_mem>>) src(%arg14 : memref<288x128xf32, #tpu.memory_space<vmem>>) dst(%dma_wait3A_35 : memref<288x128xf32, #tpu.memory_space<vmem_shared>>)
      tpu.yield
    }) : () -> ()
    %add3A = arith.constant 288 : i32
    %add3A_10 = arith.addi %mul3A_0, %add3A : i32
    "tpu.region"() ({
      %run_scoped3A = tpu.sem_alloc : memref<!tpu.dma_semaphore, #tpu.memory_space<semaphore_mem>>
      %dma_start3A = arith.constant 0 : i32
      %dma_start3A_30 = tpu.memref_slice %arg18[%add3A_10, %dma_start3A] : memref<10240x128xf32, #tpu.memory_space<vmem_shared>> -> memref<288x128xf32, #tpu.memory_space<vmem_shared>>
      %dma_start3A_31 = arith.constant 0 : i32
      %dma_start3A_32 = tpu.memref_slice %arg18[%add3A_10, %dma_start3A_31] : memref<10240x128xf32, #tpu.memory_space<vmem_shared>> -> memref<288x128xf32, #tpu.memory_space<vmem_shared>>
      tpu.enqueue_dma source(%arg14 : memref<288x128xf32, #tpu.memory_space<vmem>>) target(%dma_start3A_32 : memref<288x128xf32, #tpu.memory_space<vmem_shared>>) target_semaphore(%run_scoped3A : memref<!tpu.dma_semaphore, #tpu.memory_space<semaphore_mem>>)
      %dma_wait3A = arith.constant 0 : i32
      %dma_wait3A_33 = tpu.memref_slice %arg18[%add3A_10, %dma_wait3A] : memref<10240x128xf32, #tpu.memory_space<vmem_shared>> -> memref<288x128xf32, #tpu.memory_space<vmem_shared>>
      %dma_wait3A_34 = arith.constant 0 : i32
      %dma_wait3A_35 = tpu.memref_slice %arg18[%add3A_10, %dma_wait3A_34] : memref<10240x128xf32, #tpu.memory_space<vmem_shared>> -> memref<288x128xf32, #tpu.memory_space<vmem_shared>>
      tpu.wait_dma2 semaphore(%run_scoped3A : memref<!tpu.dma_semaphore, #tpu.memory_space<semaphore_mem>>) src(%arg14 : memref<288x128xf32, #tpu.memory_space<vmem>>) dst(%dma_wait3A_35 : memref<288x128xf32, #tpu.memory_space<vmem_shared>>)
      tpu.yield
    }) : () -> ()
    %add3A_11 = arith.constant 576 : i32
    %add3A_12 = arith.addi %mul3A_0, %add3A_11 : i32
    "tpu.region"() ({
      %run_scoped3A = tpu.sem_alloc : memref<!tpu.dma_semaphore, #tpu.memory_space<semaphore_mem>>
      %dma_start3A = arith.constant 0 : i32
      %dma_start3A_30 = arith.constant 0 : i32
      %dma_start3A_31 = tpu.memref_slice %arg14[%dma_start3A, %dma_start3A_30] : memref<288x128xf32, #tpu.memory_space<vmem>> -> memref<64x128xf32, #tpu.memory_space<vmem>>
      %dma_start3A_32 = arith.constant 0 : i32
      %dma_start3A_33 = tpu.memref_slice %arg18[%add3A_12, %dma_start3A_32] : memref<10240x128xf32, #tpu.memory_space<vmem_shared>> -> memref<64x128xf32, #tpu.memory_space<vmem_shared>>
      %dma_start3A_34 = arith.constant 0 : i32
      %dma_start3A_35 = tpu.memref_slice %arg18[%add3A_12, %dma_start3A_34] : memref<10240x128xf32, #tpu.memory_space<vmem_shared>> -> memref<64x128xf32, #tpu.memory_space<vmem_shared>>
      %dma_start3A_36 = arith.constant 0 : i32
      %dma_start3A_37 = arith.constant 0 : i32
      %dma_start3A_38 = tpu.memref_slice %arg14[%dma_start3A_36, %dma_start3A_37] : memref<288x128xf32, #tpu.memory_space<vmem>> -> memref<64x128xf32, #tpu.memory_space<vmem>>
      tpu.enqueue_dma source(%dma_start3A_38 : memref<64x128xf32, #tpu.memory_space<vmem>>) target(%dma_start3A_35 : memref<64x128xf32, #tpu.memory_space<vmem_shared>>) target_semaphore(%run_scoped3A : memref<!tpu.dma_semaphore, #tpu.memory_space<semaphore_mem>>)
      %dma_wait3A = arith.constant 0 : i32
      %dma_wait3A_39 = arith.constant 0 : i32
      %dma_wait3A_40 = tpu.memref_slice %arg14[%dma_wait3A, %dma_wait3A_39] : memref<288x128xf32, #tpu.memory_space<vmem>> -> memref<64x128xf32, #tpu.memory_space<vmem>>
      %dma_wait3A_41 = arith.constant 0 : i32
      %dma_wait3A_42 = tpu.memref_slice %arg18[%add3A_12, %dma_wait3A_41] : memref<10240x128xf32, #tpu.memory_space<vmem_shared>> -> memref<64x128xf32, #tpu.memory_space<vmem_shared>>
      %dma_wait3A_43 = arith.constant 0 : i32
      %dma_wait3A_44 = tpu.memref_slice %arg18[%add3A_12, %dma_wait3A_43] : memref<10240x128xf32, #tpu.memory_space<vmem_shared>> -> memref<64x128xf32, #tpu.memory_space<vmem_shared>>
      %dma_wait3A_45 = arith.constant 0 : i32
      %dma_wait3A_46 = arith.constant 0 : i32
      %dma_wait3A_47 = tpu.memref_slice %arg14[%dma_wait3A_45, %dma_wait3A_46] : memref<288x128xf32, #tpu.memory_space<vmem>> -> memref<64x128xf32, #tpu.memory_space<vmem>>
      tpu.wait_dma2 semaphore(%run_scoped3A : memref<!tpu.dma_semaphore, #tpu.memory_space<semaphore_mem>>) src(%dma_wait3A_47 : memref<64x128xf32, #tpu.memory_space<vmem>>) dst(%dma_wait3A_44 : memref<64x128xf32, #tpu.memory_space<vmem_shared>>)
      tpu.yield
    }) : () -> ()
    %barrier3A = arith.constant 0 : index
    tpu.barrier barrier_id(%barrier3A)
    %mul3A_13 = arith.constant 20736 : i32
    %mul3A_14 = arith.muli %arg1, %mul3A_13 : i32
    %scan3A_15 = arith.constant 0 : i32
    %scan3A_16 = arith.constant 0 : i32
    %scan3A_17 = arith.constant 72 : i32
    %scan3A_18 = arith.addi %scan3A_16, %scan3A_17 : i32
    %scan3A_19 = arith.constant 1 : i32
    %scan3A_20 = scf.for %scan3A_30 = %scan3A_16 to %scan3A_18 step %scan3A_19 iter_args(%scan3A_31 = %scan3A_15) -> (i32)  : i32 {
      %mul3A_32 = arith.constant 288 : i32
      %mul3A_33 = arith.muli %scan3A_30, %mul3A_32 : i32
      %add3A_34 = arith.addi %mul3A_14, %mul3A_33 : i32
      "tpu.region"() ({
        %run_scoped3A = tpu.sem_alloc : memref<!tpu.dma_semaphore, #tpu.memory_space<semaphore_mem>>
        %dma_start3A = tpu.memref_slice %arg2[%add3A_34] : memref<331776xi32, #tpu.memory_space<hbm>> -> memref<288xi32, #tpu.memory_space<hbm>>
        %dma_start3A_55 = tpu.memref_slice %arg2[%add3A_34] : memref<331776xi32, #tpu.memory_space<hbm>> -> memref<288xi32, #tpu.memory_space<hbm>>
        tpu.enqueue_dma source(%dma_start3A_55 : memref<288xi32, #tpu.memory_space<hbm>>) target(%arg11 : memref<288xi32, #tpu.memory_space<vmem>>) target_semaphore(%run_scoped3A : memref<!tpu.dma_semaphore, #tpu.memory_space<semaphore_mem>>)
        %dma_wait3A = tpu.memref_slice %arg2[%add3A_34] : memref<331776xi32, #tpu.memory_space<hbm>> -> memref<288xi32, #tpu.memory_space<hbm>>
        %dma_wait3A_56 = tpu.memref_slice %arg2[%add3A_34] : memref<331776xi32, #tpu.memory_space<hbm>> -> memref<288xi32, #tpu.memory_space<hbm>>
        tpu.wait_dma2 semaphore(%run_scoped3A : memref<!tpu.dma_semaphore, #tpu.memory_space<semaphore_mem>>) src(%dma_wait3A_56 : memref<288xi32, #tpu.memory_space<hbm>>) dst(%arg11 : memref<288xi32, #tpu.memory_space<vmem>>)
        tpu.yield
      }) : () -> ()
      "tpu.region"() ({
        %run_scoped3A = tpu.sem_alloc : memref<!tpu.dma_semaphore, #tpu.memory_space<semaphore_mem>>
        %dma_start3A = tpu.memref_slice %arg3[%add3A_34] : memref<331776xi32, #tpu.memory_space<hbm>> -> memref<288xi32, #tpu.memory_space<hbm>>
        %dma_start3A_55 = tpu.memref_slice %arg3[%add3A_34] : memref<331776xi32, #tpu.memory_space<hbm>> -> memref<288xi32, #tpu.memory_space<hbm>>
        tpu.enqueue_dma source(%dma_start3A_55 : memref<288xi32, #tpu.memory_space<hbm>>) target(%arg12 : memref<288xi32, #tpu.memory_space<vmem>>) target_semaphore(%run_scoped3A : memref<!tpu.dma_semaphore, #tpu.memory_space<semaphore_mem>>)
        %dma_wait3A = tpu.memref_slice %arg3[%add3A_34] : memref<331776xi32, #tpu.memory_space<hbm>> -> memref<288xi32, #tpu.memory_space<hbm>>
        %dma_wait3A_56 = tpu.memref_slice %arg3[%add3A_34] : memref<331776xi32, #tpu.memory_space<hbm>> -> memref<288xi32, #tpu.memory_space<hbm>>
        tpu.wait_dma2 semaphore(%run_scoped3A : memref<!tpu.dma_semaphore, #tpu.memory_space<semaphore_mem>>) src(%dma_wait3A_56 : memref<288xi32, #tpu.memory_space<hbm>>) dst(%arg12 : memref<288xi32, #tpu.memory_space<vmem>>)
        tpu.yield
      }) : () -> ()
      %mul3A_35 = arith.constant 663552 : i32
      %mul3A_36 = arith.muli %arg0, %mul3A_35 : i32
      %mul3A_37 = arith.constant 2 : i32
      %mul3A_38 = arith.muli %add3A_34, %mul3A_37 : i32
      %add3A_39 = arith.addi %mul3A_36, %mul3A_38 : i32
      "tpu.region"() ({
        %run_scoped3A = tpu.sem_alloc : memref<!tpu.dma_semaphore, #tpu.memory_space<semaphore_mem>>
        %dma_start3A = tpu.memref_slice %arg6[%add3A_39] : memref<1327104xf32, #tpu.memory_space<hbm>> -> memref<576xf32, #tpu.memory_space<hbm>>
        %dma_start3A_55 = tpu.memref_slice %arg6[%add3A_39] : memref<1327104xf32, #tpu.memory_space<hbm>> -> memref<576xf32, #tpu.memory_space<hbm>>
        tpu.enqueue_dma source(%dma_start3A_55 : memref<576xf32, #tpu.memory_space<hbm>>) target(%arg13 : memref<576xf32, #tpu.memory_space<vmem>>) target_semaphore(%run_scoped3A : memref<!tpu.dma_semaphore, #tpu.memory_space<semaphore_mem>>)
        %dma_wait3A = tpu.memref_slice %arg6[%add3A_39] : memref<1327104xf32, #tpu.memory_space<hbm>> -> memref<576xf32, #tpu.memory_space<hbm>>
        %dma_wait3A_56 = tpu.memref_slice %arg6[%add3A_39] : memref<1327104xf32, #tpu.memory_space<hbm>> -> memref<576xf32, #tpu.memory_space<hbm>>
        tpu.wait_dma2 semaphore(%run_scoped3A : memref<!tpu.dma_semaphore, #tpu.memory_space<semaphore_mem>>) src(%dma_wait3A_56 : memref<576xf32, #tpu.memory_space<hbm>>) dst(%arg13 : memref<576xf32, #tpu.memory_space<vmem>>)
        tpu.yield
      }) : () -> ()
      %eq3A = arith.constant 0 : i32
      %eq3A_40 = arith.cmpi eq, %arg0, %eq3A : i32
      %convert_element_type3A = arith.extui %eq3A_40 : i1 to i32
      %cond3A = arith.constant 0 : i32
      %cond3A_41 = arith.cmpi ne, %convert_element_type3A, %cond3A : i32
      scf.if %cond3A_41 {
        %dma_start3A = arith.constant 0 : i32
        %dma_start3A_55 = arith.constant 0 : i32
        %dma_start3A_56 = tpu.memref_slice %arg4[%dma_start3A, %dma_start3A_55] : memref<10240x128xf32, #tpu.memory_space<hbm>> -> memref<10240x128xf32, #tpu.memory_space<hbm>>
        tpu.enqueue_indirect_dma source(%dma_start3A_56 : memref<10240x128xf32, #tpu.memory_space<hbm>>) target(%arg14 : memref<288x128xf32, #tpu.memory_space<vmem>>) offsets(%arg11 : memref<288xi32, #tpu.memory_space<vmem>>) semaphore(%arg19 : memref<!tpu.dma_semaphore, #tpu.memory_space<semaphore_mem>>)
        %dma_wait3A = arith.constant 0 : i32
        %dma_wait3A_57 = arith.constant 0 : i32
        %dma_wait3A_58 = tpu.memref_slice %arg4[%dma_wait3A, %dma_wait3A_57] : memref<10240x128xf32, #tpu.memory_space<hbm>> -> memref<10240x128xf32, #tpu.memory_space<hbm>>
        tpu.wait_indirect_dma semaphore(%arg19 : memref<!tpu.dma_semaphore, #tpu.memory_space<semaphore_mem>>) src(%dma_wait3A_58 : memref<10240x128xf32, #tpu.memory_space<hbm>>) dst(%arg14 : memref<288x128xf32, #tpu.memory_space<vmem>>)
      } else {
      }
      %eq3A_42 = arith.constant 1 : i32
      %eq3A_43 = arith.cmpi eq, %arg0, %eq3A_42 : i32
      %convert_element_type3A_44 = arith.extui %eq3A_43 : i1 to i32
      %cond3A_45 = arith.constant 0 : i32
      %cond3A_46 = arith.cmpi ne, %convert_element_type3A_44, %cond3A_45 : i32
      scf.if %cond3A_46 {
        %dma_start3A = arith.constant 0 : i32
        %dma_start3A_55 = arith.constant 0 : i32
        %dma_start3A_56 = tpu.memref_slice %arg5[%dma_start3A, %dma_start3A_55] : memref<10240x128xf32, #tpu.memory_space<hbm>> -> memref<10240x128xf32, #tpu.memory_space<hbm>>
        tpu.enqueue_indirect_dma source(%dma_start3A_56 : memref<10240x128xf32, #tpu.memory_space<hbm>>) target(%arg14 : memref<288x128xf32, #tpu.memory_space<vmem>>) offsets(%arg11 : memref<288xi32, #tpu.memory_space<vmem>>) semaphore(%arg19 : memref<!tpu.dma_semaphore, #tpu.memory_space<semaphore_mem>>)
        %dma_wait3A = arith.constant 0 : i32
        %dma_wait3A_57 = arith.constant 0 : i32
        %dma_wait3A_58 = tpu.memref_slice %arg5[%dma_wait3A, %dma_wait3A_57] : memref<10240x128xf32, #tpu.memory_space<hbm>> -> memref<10240x128xf32, #tpu.memory_space<hbm>>
        tpu.wait_indirect_dma semaphore(%arg19 : memref<!tpu.dma_semaphore, #tpu.memory_space<semaphore_mem>>) src(%dma_wait3A_58 : memref<10240x128xf32, #tpu.memory_space<hbm>>) dst(%arg14 : memref<288x128xf32, #tpu.memory_space<vmem>>)
      } else {
      }
      %scan3A_47 = arith.constant 0 : i32
      %scan3A_48 = arith.constant 0 : i32
      %scan3A_49 = arith.constant 288 : i32
      %scan3A_50 = arith.addi %scan3A_48, %scan3A_49 : i32
      %scan3A_51 = arith.constant 1 : i32
      %scan3A_52 = scf.for %scan3A_55 = %scan3A_48 to %scan3A_50 step %scan3A_51 iter_args(%scan3A_56 = %scan3A_47) -> (i32)  : i32 {
        %broadcast_in_dim3A_57 = arith.constant 0 : i32
        %broadcast_in_dim3A_58 = vector.broadcast %broadcast_in_dim3A_57 : i32 to vector<16xi32>
        %mul3A_59 = arith.constant 2 : i32
        %mul3A_60 = arith.muli %mul3A_59, %scan3A_55 : i32
        %add3A_61 = vector.broadcast %mul3A_60 : i32 to vector<16xi32>
        %add3A_62 = arith.addi %broadcast_in_dim3A_58, %add3A_61 : vector<16xi32>
        %gather3A = tpu.vector_load_idx %arg13[%add3A_62] : memref<576xf32, #tpu.memory_space<vmem>>[vector<16xi32>], vector<16xf32>,
        %add3A_63 = arith.constant 1 : i32
        %add3A_64 = vector.broadcast %add3A_63 : i32 to vector<16xi32>
        %add3A_65 = arith.addi %add3A_62, %add3A_64 : vector<16xi32>
        %gather3A_66 = tpu.vector_load_idx %arg13[%add3A_65] : memref<576xf32, #tpu.memory_space<vmem>>[vector<16xi32>], vector<16xf32>,
        %get3A = arith.index_cast %scan3A_55 : i32 to index
        %get3A_67 = arith.constant 0 : index
        %get3A_68 = tpu.vector_load %arg14[%get3A, %get3A_67] {strides = array<i32>} : memref<288x128xf32, #tpu.memory_space<vmem>>, vector<16xf32>,
        %mul3A_69 = arith.mulf %get3A_68, %gather3A : vector<16xf32>
        %swap3A = arith.index_cast %scan3A_55 : i32 to index
        %swap3A_70 = arith.constant 0 : index
        %swap3A_71 = tpu.vector_load %arg14[%swap3A, %swap3A_70] {strides = array<i32>} : memref<288x128xf32, #tpu.memory_space<vmem>>, vector<16xf32>,
        tpu.vector_store %arg14[%swap3A, %swap3A_70], %mul3A_69 {strides = array<i32>} : memref<288x128xf32, #tpu.memory_space<vmem>>, vector<16xf32>,
        %get3A_72 = arith.index_cast %scan3A_55 : i32 to index
        %get3A_73 = arith.constant 16 : index
        %get3A_74 = tpu.vector_load %arg14[%get3A_72, %get3A_73] {strides = array<i32>} : memref<288x128xf32, #tpu.memory_space<vmem>>, vector<16xf32>,
        %mul3A_75 = arith.mulf %get3A_74, %gather3A : vector<16xf32>
        %swap3A_76 = arith.index_cast %scan3A_55 : i32 to index
        %swap3A_77 = arith.constant 16 : index
        %swap3A_78 = tpu.vector_load %arg14[%swap3A_76, %swap3A_77] {strides = array<i32>} : memref<288x128xf32, #tpu.memory_space<vmem>>, vector<16xf32>,
        tpu.vector_store %arg14[%swap3A_76, %swap3A_77], %mul3A_75 {strides = array<i32>} : memref<288x128xf32, #tpu.memory_space<vmem>>, vector<16xf32>,
        %get3A_79 = arith.index_cast %scan3A_55 : i32 to index
        %get3A_80 = arith.constant 32 : index
        %get3A_81 = tpu.vector_load %arg14[%get3A_79, %get3A_80] {strides = array<i32>} : memref<288x128xf32, #tpu.memory_space<vmem>>, vector<16xf32>,
        %mul3A_82 = arith.mulf %get3A_81, %gather3A : vector<16xf32>
        %swap3A_83 = arith.index_cast %scan3A_55 : i32 to index
        %swap3A_84 = arith.constant 32 : index
        %swap3A_85 = tpu.vector_load %arg14[%swap3A_83, %swap3A_84] {strides = array<i32>} : memref<288x128xf32, #tpu.memory_space<vmem>>, vector<16xf32>,
        tpu.vector_store %arg14[%swap3A_83, %swap3A_84], %mul3A_82 {strides = array<i32>} : memref<288x128xf32, #tpu.memory_space<vmem>>, vector<16xf32>,
        %get3A_86 = arith.index_cast %scan3A_55 : i32 to index
        %get3A_87 = arith.constant 48 : index
        %get3A_88 = tpu.vector_load %arg14[%get3A_86, %get3A_87] {strides = array<i32>} : memref<288x128xf32, #tpu.memory_space<vmem>>, vector<16xf32>,
        %mul3A_89 = arith.mulf %get3A_88, %gather3A : vector<16xf32>
        %swap3A_90 = arith.index_cast %scan3A_55 : i32 to index
        %swap3A_91 = arith.constant 48 : index
        %swap3A_92 = tpu.vector_load %arg14[%swap3A_90, %swap3A_91] {strides = array<i32>} : memref<288x128xf32, #tpu.memory_space<vmem>>, vector<16xf32>,
        tpu.vector_store %arg14[%swap3A_90, %swap3A_91], %mul3A_89 {strides = array<i32>} : memref<288x128xf32, #tpu.memory_space<vmem>>, vector<16xf32>,
        %get3A_93 = arith.index_cast %scan3A_55 : i32 to index
        %get3A_94 = arith.constant 64 : index
        %get3A_95 = tpu.vector_load %arg14[%get3A_93, %get3A_94] {strides = array<i32>} : memref<288x128xf32, #tpu.memory_space<vmem>>, vector<16xf32>,
        %mul3A_96 = arith.mulf %get3A_95, %gather3A_66 : vector<16xf32>
        %swap3A_97 = arith.index_cast %scan3A_55 : i32 to index
        %swap3A_98 = arith.constant 64 : index
        %swap3A_99 = tpu.vector_load %arg14[%swap3A_97, %swap3A_98] {strides = array<i32>} : memref<288x128xf32, #tpu.memory_space<vmem>>, vector<16xf32>,
        tpu.vector_store %arg14[%swap3A_97, %swap3A_98], %mul3A_96 {strides = array<i32>} : memref<288x128xf32, #tpu.memory_space<vmem>>, vector<16xf32>,
        %get3A_100 = arith.index_cast %scan3A_55 : i32 to index
        %get3A_101 = arith.constant 80 : index
        %get3A_102 = tpu.vector_load %arg14[%get3A_100, %get3A_101] {strides = array<i32>} : memref<288x128xf32, #tpu.memory_space<vmem>>, vector<16xf32>,
        %mul3A_103 = arith.mulf %get3A_102, %gather3A_66 : vector<16xf32>
        %swap3A_104 = arith.index_cast %scan3A_55 : i32 to index
        %swap3A_105 = arith.constant 80 : index
        %swap3A_106 = tpu.vector_load %arg14[%swap3A_104, %swap3A_105] {strides = array<i32>} : memref<288x128xf32, #tpu.memory_space<vmem>>, vector<16xf32>,
        tpu.vector_store %arg14[%swap3A_104, %swap3A_105], %mul3A_103 {strides = array<i32>} : memref<288x128xf32, #tpu.memory_space<vmem>>, vector<16xf32>,
        %get3A_107 = arith.index_cast %scan3A_55 : i32 to index
        %get3A_108 = arith.constant 96 : index
        %get3A_109 = tpu.vector_load %arg14[%get3A_107, %get3A_108] {strides = array<i32>} : memref<288x128xf32, #tpu.memory_space<vmem>>, vector<16xf32>,
        %mul3A_110 = arith.mulf %get3A_109, %gather3A_66 : vector<16xf32>
        %swap3A_111 = arith.index_cast %scan3A_55 : i32 to index
        %swap3A_112 = arith.constant 96 : index
        %swap3A_113 = tpu.vector_load %arg14[%swap3A_111, %swap3A_112] {strides = array<i32>} : memref<288x128xf32, #tpu.memory_space<vmem>>, vector<16xf32>,
        tpu.vector_store %arg14[%swap3A_111, %swap3A_112], %mul3A_110 {strides = array<i32>} : memref<288x128xf32, #tpu.memory_space<vmem>>, vector<16xf32>,
        %get3A_114 = arith.index_cast %scan3A_55 : i32 to index
        %get3A_115 = arith.constant 112 : index
        %get3A_116 = tpu.vector_load %arg14[%get3A_114, %get3A_115] {strides = array<i32>} : memref<288x128xf32, #tpu.memory_space<vmem>>, vector<16xf32>,
        %mul3A_117 = arith.mulf %get3A_116, %gather3A_66 : vector<16xf32>
        %swap3A_118 = arith.index_cast %scan3A_55 : i32 to index
        %swap3A_119 = arith.constant 112 : index
        %swap3A_120 = tpu.vector_load %arg14[%swap3A_118, %swap3A_119] {strides = array<i32>} : memref<288x128xf32, #tpu.memory_space<vmem>>, vector<16xf32>,
        tpu.vector_store %arg14[%swap3A_118, %swap3A_119], %mul3A_117 {strides = array<i32>} : memref<288x128xf32, #tpu.memory_space<vmem>>, vector<16xf32>,
        %scan3A_121 = arith.constant 0 : i32
        scf.yield %scan3A_121 : i32
      }
      %scan3A_53 = arith.constant 288 : i32
      "tpu.region"() ({
        %run_scoped3A = tpu.sem_alloc : memref<!tpu.dma_semaphore, #tpu.memory_space<semaphore_mem>>
        %dma_start3A = arith.constant 0 : i32
        %dma_start3A_55 = arith.constant 0 : i32
        %dma_start3A_56 = tpu.memref_slice %arg18[%dma_start3A, %dma_start3A_55] : memref<10240x128xf32, #tpu.memory_space<vmem_shared>> -> memref<10240x128xf32, #tpu.memory_space<vmem_shared>>
        tpu.enqueue_indirect_dma source(%arg14 : memref<288x128xf32, #tpu.memory_space<vmem>>) target(%dma_start3A_56 : memref<10240x128xf32, #tpu.memory_space<vmem_shared>>) offsets(%arg12 : memref<288xi32, #tpu.memory_space<vmem>>) semaphore(%run_scoped3A : memref<!tpu.dma_semaphore, #tpu.memory_space<semaphore_mem>>) {add = true}
        %dma_wait3A = arith.constant 0 : i32
        %dma_wait3A_57 = arith.constant 0 : i32
        %dma_wait3A_58 = tpu.memref_slice %arg18[%dma_wait3A, %dma_wait3A_57] : memref<10240x128xf32, #tpu.memory_space<vmem_shared>> -> memref<10240x128xf32, #tpu.memory_space<vmem_shared>>
        tpu.wait_indirect_dma semaphore(%run_scoped3A : memref<!tpu.dma_semaphore, #tpu.memory_space<semaphore_mem>>) src(%arg14 : memref<288x128xf32, #tpu.memory_space<vmem>>) dst(%dma_wait3A_58 : memref<10240x128xf32, #tpu.memory_space<vmem_shared>>)
        tpu.yield
      }) : () -> ()
      %scan3A_54 = arith.constant 0 : i32
      scf.yield %scan3A_54 : i32
    }
    %scan3A_21 = arith.constant 72 : i32
    %barrier3A_22 = arith.constant 0 : index
    tpu.barrier barrier_id(%barrier3A_22)
    %scan3A_23 = arith.constant 0 : i32
    %scan3A_24 = arith.constant 0 : i32
    %scan3A_25 = arith.constant 10 : i32
    %scan3A_26 = arith.addi %scan3A_24, %scan3A_25 : i32
    %scan3A_27 = arith.constant 1 : i32
    %scan3A_28 = scf.for %scan3A_30 = %scan3A_24 to %scan3A_26 step %scan3A_27 iter_args(%scan3A_31 = %scan3A_23) -> (i32)  : i32 {
      %mul3A_32 = arith.constant 64 : i32
      %mul3A_33 = arith.muli %scan3A_30, %mul3A_32 : i32
      %add3A_34 = arith.addi %mul3A_0, %mul3A_33 : i32
      "tpu.region"() ({
        %run_scoped3A = tpu.sem_alloc : memref<!tpu.dma_semaphore, #tpu.memory_space<semaphore_mem>>
        %dma_start3A = arith.constant 0 : i32
        %dma_start3A_55 = arith.constant 0 : i32
        %dma_start3A_56 = tpu.memref_slice %arg14[%dma_start3A, %dma_start3A_55] : memref<288x128xf32, #tpu.memory_space<vmem>> -> memref<64x128xf32, #tpu.memory_space<vmem>>
        %dma_start3A_57 = arith.constant 0 : i32
        %dma_start3A_58 = tpu.memref_slice %arg18[%add3A_34, %dma_start3A_57] : memref<10240x128xf32, #tpu.memory_space<vmem_shared>> -> memref<64x128xf32, #tpu.memory_space<vmem_shared>>
        %dma_start3A_59 = arith.constant 0 : i32
        %dma_start3A_60 = arith.constant 0 : i32
        %dma_start3A_61 = tpu.memref_slice %arg14[%dma_start3A_59, %dma_start3A_60] : memref<288x128xf32, #tpu.memory_space<vmem>> -> memref<64x128xf32, #tpu.memory_space<vmem>>
        %dma_start3A_62 = arith.constant 0 : i32
        %dma_start3A_63 = tpu.memref_slice %arg18[%add3A_34, %dma_start3A_62] : memref<10240x128xf32, #tpu.memory_space<vmem_shared>> -> memref<64x128xf32, #tpu.memory_space<vmem_shared>>
        tpu.enqueue_dma source(%dma_start3A_63 : memref<64x128xf32, #tpu.memory_space<vmem_shared>>) target(%dma_start3A_61 : memref<64x128xf32, #tpu.memory_space<vmem>>) target_semaphore(%run_scoped3A : memref<!tpu.dma_semaphore, #tpu.memory_space<semaphore_mem>>)
        %dma_wait3A = arith.constant 0 : i32
        %dma_wait3A_64 = arith.constant 0 : i32
        %dma_wait3A_65 = tpu.memref_slice %arg14[%dma_wait3A, %dma_wait3A_64] : memref<288x128xf32, #tpu.memory_space<vmem>> -> memref<64x128xf32, #tpu.memory_space<vmem>>
        %dma_wait3A_66 = arith.constant 0 : i32
        %dma_wait3A_67 = tpu.memref_slice %arg18[%add3A_34, %dma_wait3A_66] : memref<10240x128xf32, #tpu.memory_space<vmem_shared>> -> memref<64x128xf32, #tpu.memory_space<vmem_shared>>
        %dma_wait3A_68 = arith.constant 0 : i32
        %dma_wait3A_69 = arith.constant 0 : i32
        %dma_wait3A_70 = tpu.memref_slice %arg14[%dma_wait3A_68, %dma_wait3A_69] : memref<288x128xf32, #tpu.memory_space<vmem>> -> memref<64x128xf32, #tpu.memory_space<vmem>>
        %dma_wait3A_71 = arith.constant 0 : i32
        %dma_wait3A_72 = tpu.memref_slice %arg18[%add3A_34, %dma_wait3A_71] : memref<10240x128xf32, #tpu.memory_space<vmem_shared>> -> memref<64x128xf32, #tpu.memory_space<vmem_shared>>
        tpu.wait_dma2 semaphore(%run_scoped3A : memref<!tpu.dma_semaphore, #tpu.memory_space<semaphore_mem>>) src(%dma_wait3A_72 : memref<64x128xf32, #tpu.memory_space<vmem_shared>>) dst(%dma_wait3A_70 : memref<64x128xf32, #tpu.memory_space<vmem>>)
        tpu.yield
      }) : () -> ()
      %mul3A_35 = arith.constant 20480 : i32
      %mul3A_36 = arith.muli %arg0, %mul3A_35 : i32
      %mul3A_37 = arith.constant 2 : i32
      %mul3A_38 = arith.muli %add3A_34, %mul3A_37 : i32
      %add3A_39 = arith.addi %mul3A_36, %mul3A_38 : i32
      "tpu.region"() ({
        %run_scoped3A = tpu.sem_alloc : memref<!tpu.dma_semaphore, #tpu.memory_space<semaphore_mem>>
        %dma_start3A = tpu.memref_slice %arg7[%add3A_39] : memref<40960xf32, #tpu.memory_space<hbm>> -> memref<128xf32, #tpu.memory_space<hbm>>
        %dma_start3A_55 = tpu.memref_slice %arg7[%add3A_39] : memref<40960xf32, #tpu.memory_space<hbm>> -> memref<128xf32, #tpu.memory_space<hbm>>
        tpu.enqueue_dma source(%dma_start3A_55 : memref<128xf32, #tpu.memory_space<hbm>>) target(%arg17 : memref<128xf32, #tpu.memory_space<vmem>>) target_semaphore(%run_scoped3A : memref<!tpu.dma_semaphore, #tpu.memory_space<semaphore_mem>>)
        %dma_wait3A = tpu.memref_slice %arg7[%add3A_39] : memref<40960xf32, #tpu.memory_space<hbm>> -> memref<128xf32, #tpu.memory_space<hbm>>
        %dma_wait3A_56 = tpu.memref_slice %arg7[%add3A_39] : memref<40960xf32, #tpu.memory_space<hbm>> -> memref<128xf32, #tpu.memory_space<hbm>>
        tpu.wait_dma2 semaphore(%run_scoped3A : memref<!tpu.dma_semaphore, #tpu.memory_space<semaphore_mem>>) src(%dma_wait3A_56 : memref<128xf32, #tpu.memory_space<hbm>>) dst(%arg17 : memref<128xf32, #tpu.memory_space<vmem>>)
        tpu.yield
      }) : () -> ()
      %scan3A_40 = arith.constant 0 : i32
      %scan3A_41 = arith.constant 0 : i32
      %scan3A_42 = arith.constant 64 : i32
      %scan3A_43 = arith.addi %scan3A_41, %scan3A_42 : i32
      %scan3A_44 = arith.constant 1 : i32
      %scan3A_45 = scf.for %scan3A_55 = %scan3A_41 to %scan3A_43 step %scan3A_44 iter_args(%scan3A_56 = %scan3A_40) -> (i32)  : i32 {
        %broadcast_in_dim3A_57 = arith.constant 0 : i32
        %broadcast_in_dim3A_58 = vector.broadcast %broadcast_in_dim3A_57 : i32 to vector<16xi32>
        %mul3A_59 = arith.constant 2 : i32
        %mul3A_60 = arith.muli %mul3A_59, %scan3A_55 : i32
        %add3A_61 = vector.broadcast %mul3A_60 : i32 to vector<16xi32>
        %add3A_62 = arith.addi %broadcast_in_dim3A_58, %add3A_61 : vector<16xi32>
        %gather3A = tpu.vector_load_idx %arg17[%add3A_62] : memref<128xf32, #tpu.memory_space<vmem>>[vector<16xi32>], vector<16xf32>,
        %add3A_63 = arith.constant 1.000000e-16 : f32
        %add3A_64 = vector.broadcast %add3A_63 : f32 to vector<16xf32>
        %add3A_65 = arith.addf %gather3A, %add3A_64 : vector<16xf32>
        %add3A_66 = arith.constant 1 : i32
        %add3A_67 = vector.broadcast %add3A_66 : i32 to vector<16xi32>
        %add3A_68 = arith.addi %add3A_62, %add3A_67 : vector<16xi32>
        %gather3A_69 = tpu.vector_load_idx %arg17[%add3A_68] : memref<128xf32, #tpu.memory_space<vmem>>[vector<16xi32>], vector<16xf32>,
        %add3A_70 = arith.constant 1.000000e-16 : f32
        %add3A_71 = vector.broadcast %add3A_70 : f32 to vector<16xf32>
        %add3A_72 = arith.addf %gather3A_69, %add3A_71 : vector<16xf32>
        %get3A = arith.index_cast %scan3A_55 : i32 to index
        %get3A_73 = arith.constant 0 : index
        %get3A_74 = tpu.vector_load %arg14[%get3A, %get3A_73] {strides = array<i32>} : memref<288x128xf32, #tpu.memory_space<vmem>>, vector<16xf32>,
        %div3A = arith.divf %get3A_74, %add3A_65 : vector<16xf32>
        %get3A_75 = arith.constant 0 : i32
        %get3A_76 = arith.index_cast %get3A_75 : i32 to index
        %get3A_77 = arith.constant 0 : index
        %get3A_78 = tpu.vector_load %arg16[%get3A_76, %get3A_77] {strides = array<i32>} : memref<8x128xf32, #tpu.memory_space<vmem>>, vector<16xf32>,
        %add3A_79 = arith.addf %div3A, %get3A_78 : vector<16xf32>
        %max3A = arith.constant 0.000000e+00 : f32
        %max3A_80 = vector.broadcast %max3A : f32 to vector<16xf32>
        %max3A_81 = arith.maximumf %add3A_79, %max3A_80 : vector<16xf32>
        %swap3A = arith.index_cast %scan3A_55 : i32 to index
        %swap3A_82 = arith.constant 0 : index
        %swap3A_83 = tpu.vector_load %arg14[%swap3A, %swap3A_82] {strides = array<i32>} : memref<288x128xf32, #tpu.memory_space<vmem>>, vector<16xf32>,
        tpu.vector_store %arg14[%swap3A, %swap3A_82], %max3A_81 {strides = array<i32>} : memref<288x128xf32, #tpu.memory_space<vmem>>, vector<16xf32>,
        %get3A_84 = arith.index_cast %scan3A_55 : i32 to index
        %get3A_85 = arith.constant 16 : index
        %get3A_86 = tpu.vector_load %arg14[%get3A_84, %get3A_85] {strides = array<i32>} : memref<288x128xf32, #tpu.memory_space<vmem>>, vector<16xf32>,
        %div3A_87 = arith.divf %get3A_86, %add3A_65 : vector<16xf32>
        %get3A_88 = arith.constant 0 : i32
        %get3A_89 = arith.index_cast %get3A_88 : i32 to index
        %get3A_90 = arith.constant 16 : index
        %get3A_91 = tpu.vector_load %arg16[%get3A_89, %get3A_90] {strides = array<i32>} : memref<8x128xf32, #tpu.memory_space<vmem>>, vector<16xf32>,
        %add3A_92 = arith.addf %div3A_87, %get3A_91 : vector<16xf32>
        %max3A_93 = arith.constant 0.000000e+00 : f32
        %max3A_94 = vector.broadcast %max3A_93 : f32 to vector<16xf32>
        %max3A_95 = arith.maximumf %add3A_92, %max3A_94 : vector<16xf32>
        %swap3A_96 = arith.index_cast %scan3A_55 : i32 to index
        %swap3A_97 = arith.constant 16 : index
        %swap3A_98 = tpu.vector_load %arg14[%swap3A_96, %swap3A_97] {strides = array<i32>} : memref<288x128xf32, #tpu.memory_space<vmem>>, vector<16xf32>,
        tpu.vector_store %arg14[%swap3A_96, %swap3A_97], %max3A_95 {strides = array<i32>} : memref<288x128xf32, #tpu.memory_space<vmem>>, vector<16xf32>,
        %get3A_99 = arith.index_cast %scan3A_55 : i32 to index
        %get3A_100 = arith.constant 32 : index
        %get3A_101 = tpu.vector_load %arg14[%get3A_99, %get3A_100] {strides = array<i32>} : memref<288x128xf32, #tpu.memory_space<vmem>>, vector<16xf32>,
        %div3A_102 = arith.divf %get3A_101, %add3A_65 : vector<16xf32>
        %get3A_103 = arith.constant 0 : i32
        %get3A_104 = arith.index_cast %get3A_103 : i32 to index
        %get3A_105 = arith.constant 32 : index
        %get3A_106 = tpu.vector_load %arg16[%get3A_104, %get3A_105] {strides = array<i32>} : memref<8x128xf32, #tpu.memory_space<vmem>>, vector<16xf32>,
        %add3A_107 = arith.addf %div3A_102, %get3A_106 : vector<16xf32>
        %max3A_108 = arith.constant 0.000000e+00 : f32
        %max3A_109 = vector.broadcast %max3A_108 : f32 to vector<16xf32>
        %max3A_110 = arith.maximumf %add3A_107, %max3A_109 : vector<16xf32>
        %swap3A_111 = arith.index_cast %scan3A_55 : i32 to index
        %swap3A_112 = arith.constant 32 : index
        %swap3A_113 = tpu.vector_load %arg14[%swap3A_111, %swap3A_112] {strides = array<i32>} : memref<288x128xf32, #tpu.memory_space<vmem>>, vector<16xf32>,
        tpu.vector_store %arg14[%swap3A_111, %swap3A_112], %max3A_110 {strides = array<i32>} : memref<288x128xf32, #tpu.memory_space<vmem>>, vector<16xf32>,
        %get3A_114 = arith.index_cast %scan3A_55 : i32 to index
        %get3A_115 = arith.constant 48 : index
        %get3A_116 = tpu.vector_load %arg14[%get3A_114, %get3A_115] {strides = array<i32>} : memref<288x128xf32, #tpu.memory_space<vmem>>, vector<16xf32>,
        %div3A_117 = arith.divf %get3A_116, %add3A_65 : vector<16xf32>
        %get3A_118 = arith.constant 0 : i32
        %get3A_119 = arith.index_cast %get3A_118 : i32 to index
        %get3A_120 = arith.constant 48 : index
        %get3A_121 = tpu.vector_load %arg16[%get3A_119, %get3A_120] {strides = array<i32>} : memref<8x128xf32, #tpu.memory_space<vmem>>, vector<16xf32>,
        %add3A_122 = arith.addf %div3A_117, %get3A_121 : vector<16xf32>
        %max3A_123 = arith.constant 0.000000e+00 : f32
        %max3A_124 = vector.broadcast %max3A_123 : f32 to vector<16xf32>
        %max3A_125 = arith.maximumf %add3A_122, %max3A_124 : vector<16xf32>
        %swap3A_126 = arith.index_cast %scan3A_55 : i32 to index
        %swap3A_127 = arith.constant 48 : index
        %swap3A_128 = tpu.vector_load %arg14[%swap3A_126, %swap3A_127] {strides = array<i32>} : memref<288x128xf32, #tpu.memory_space<vmem>>, vector<16xf32>,
        tpu.vector_store %arg14[%swap3A_126, %swap3A_127], %max3A_125 {strides = array<i32>} : memref<288x128xf32, #tpu.memory_space<vmem>>, vector<16xf32>,
        %get3A_129 = arith.index_cast %scan3A_55 : i32 to index
        %get3A_130 = arith.constant 64 : index
        %get3A_131 = tpu.vector_load %arg14[%get3A_129, %get3A_130] {strides = array<i32>} : memref<288x128xf32, #tpu.memory_space<vmem>>, vector<16xf32>,
        %div3A_132 = arith.divf %get3A_131, %add3A_72 : vector<16xf32>
        %get3A_133 = arith.constant 0 : i32
        %get3A_134 = arith.index_cast %get3A_133 : i32 to index
        %get3A_135 = arith.constant 64 : index
        %get3A_136 = tpu.vector_load %arg16[%get3A_134, %get3A_135] {strides = array<i32>} : memref<8x128xf32, #tpu.memory_space<vmem>>, vector<16xf32>,
        %add3A_137 = arith.addf %div3A_132, %get3A_136 : vector<16xf32>
        %max3A_138 = arith.constant 0.000000e+00 : f32
        %max3A_139 = vector.broadcast %max3A_138 : f32 to vector<16xf32>
        %max3A_140 = arith.maximumf %add3A_137, %max3A_139 : vector<16xf32>
        %swap3A_141 = arith.index_cast %scan3A_55 : i32 to index
        %swap3A_142 = arith.constant 64 : index
        %swap3A_143 = tpu.vector_load %arg14[%swap3A_141, %swap3A_142] {strides = array<i32>} : memref<288x128xf32, #tpu.memory_space<vmem>>, vector<16xf32>,
        tpu.vector_store %arg14[%swap3A_141, %swap3A_142], %max3A_140 {strides = array<i32>} : memref<288x128xf32, #tpu.memory_space<vmem>>, vector<16xf32>,
        %get3A_144 = arith.index_cast %scan3A_55 : i32 to index
        %get3A_145 = arith.constant 80 : index
        %get3A_146 = tpu.vector_load %arg14[%get3A_144, %get3A_145] {strides = array<i32>} : memref<288x128xf32, #tpu.memory_space<vmem>>, vector<16xf32>,
        %div3A_147 = arith.divf %get3A_146, %add3A_72 : vector<16xf32>
        %get3A_148 = arith.constant 0 : i32
        %get3A_149 = arith.index_cast %get3A_148 : i32 to index
        %get3A_150 = arith.constant 80 : index
        %get3A_151 = tpu.vector_load %arg16[%get3A_149, %get3A_150] {strides = array<i32>} : memref<8x128xf32, #tpu.memory_space<vmem>>, vector<16xf32>,
        %add3A_152 = arith.addf %div3A_147, %get3A_151 : vector<16xf32>
        %max3A_153 = arith.constant 0.000000e+00 : f32
        %max3A_154 = vector.broadcast %max3A_153 : f32 to vector<16xf32>
        %max3A_155 = arith.maximumf %add3A_152, %max3A_154 : vector<16xf32>
        %swap3A_156 = arith.index_cast %scan3A_55 : i32 to index
        %swap3A_157 = arith.constant 80 : index
        %swap3A_158 = tpu.vector_load %arg14[%swap3A_156, %swap3A_157] {strides = array<i32>} : memref<288x128xf32, #tpu.memory_space<vmem>>, vector<16xf32>,
        tpu.vector_store %arg14[%swap3A_156, %swap3A_157], %max3A_155 {strides = array<i32>} : memref<288x128xf32, #tpu.memory_space<vmem>>, vector<16xf32>,
        %get3A_159 = arith.index_cast %scan3A_55 : i32 to index
        %get3A_160 = arith.constant 96 : index
        %get3A_161 = tpu.vector_load %arg14[%get3A_159, %get3A_160] {strides = array<i32>} : memref<288x128xf32, #tpu.memory_space<vmem>>, vector<16xf32>,
        %div3A_162 = arith.divf %get3A_161, %add3A_72 : vector<16xf32>
        %get3A_163 = arith.constant 0 : i32
        %get3A_164 = arith.index_cast %get3A_163 : i32 to index
        %get3A_165 = arith.constant 96 : index
        %get3A_166 = tpu.vector_load %arg16[%get3A_164, %get3A_165] {strides = array<i32>} : memref<8x128xf32, #tpu.memory_space<vmem>>, vector<16xf32>,
        %add3A_167 = arith.addf %div3A_162, %get3A_166 : vector<16xf32>
        %max3A_168 = arith.constant 0.000000e+00 : f32
        %max3A_169 = vector.broadcast %max3A_168 : f32 to vector<16xf32>
        %max3A_170 = arith.maximumf %add3A_167, %max3A_169 : vector<16xf32>
        %swap3A_171 = arith.index_cast %scan3A_55 : i32 to index
        %swap3A_172 = arith.constant 96 : index
        %swap3A_173 = tpu.vector_load %arg14[%swap3A_171, %swap3A_172] {strides = array<i32>} : memref<288x128xf32, #tpu.memory_space<vmem>>, vector<16xf32>,
        tpu.vector_store %arg14[%swap3A_171, %swap3A_172], %max3A_170 {strides = array<i32>} : memref<288x128xf32, #tpu.memory_space<vmem>>, vector<16xf32>,
        %get3A_174 = arith.index_cast %scan3A_55 : i32 to index
        %get3A_175 = arith.constant 112 : index
        %get3A_176 = tpu.vector_load %arg14[%get3A_174, %get3A_175] {strides = array<i32>} : memref<288x128xf32, #tpu.memory_space<vmem>>, vector<16xf32>,
        %div3A_177 = arith.divf %get3A_176, %add3A_72 : vector<16xf32>
        %get3A_178 = arith.constant 0 : i32
        %get3A_179 = arith.index_cast %get3A_178 : i32 to index
        %get3A_180 = arith.constant 112 : index
        %get3A_181 = tpu.vector_load %arg16[%get3A_179, %get3A_180] {strides = array<i32>} : memref<8x128xf32, #tpu.memory_space<vmem>>, vector<16xf32>,
        %add3A_182 = arith.addf %div3A_177, %get3A_181 : vector<16xf32>
        %max3A_183 = arith.constant 0.000000e+00 : f32
        %max3A_184 = vector.broadcast %max3A_183 : f32 to vector<16xf32>
        %max3A_185 = arith.maximumf %add3A_182, %max3A_184 : vector<16xf32>
        %swap3A_186 = arith.index_cast %scan3A_55 : i32 to index
        %swap3A_187 = arith.constant 112 : index
        %swap3A_188 = tpu.vector_load %arg14[%swap3A_186, %swap3A_187] {strides = array<i32>} : memref<288x128xf32, #tpu.memory_space<vmem>>, vector<16xf32>,
        tpu.vector_store %arg14[%swap3A_186, %swap3A_187], %max3A_185 {strides = array<i32>} : memref<288x128xf32, #tpu.memory_space<vmem>>, vector<16xf32>,
        %scan3A_189 = arith.constant 0 : i32
        scf.yield %scan3A_189 : i32
      }
      %scan3A_46 = arith.constant 64 : i32
      %eq3A = arith.constant 0 : i32
      %eq3A_47 = arith.cmpi eq, %arg0, %eq3A : i32
      %convert_element_type3A = arith.extui %eq3A_47 : i1 to i32
      %cond3A = arith.constant 0 : i32
      %cond3A_48 = arith.cmpi ne, %convert_element_type3A, %cond3A : i32
      scf.if %cond3A_48 {
        "tpu.region"() ({
          %run_scoped3A = tpu.sem_alloc : memref<!tpu.dma_semaphore, #tpu.memory_space<semaphore_mem>>
          %dma_start3A = arith.constant 0 : i32
          %dma_start3A_55 = arith.constant 0 : i32
          %dma_start3A_56 = tpu.memref_slice %arg14[%dma_start3A, %dma_start3A_55] : memref<288x128xf32, #tpu.memory_space<vmem>> -> memref<64x128xf32, #tpu.memory_space<vmem>>
          %dma_start3A_57 = arith.constant 0 : i32
          %dma_start3A_58 = tpu.memref_slice %arg9[%add3A_34, %dma_start3A_57] : memref<10240x128xf32, #tpu.memory_space<hbm>> -> memref<64x128xf32, #tpu.memory_space<hbm>>
          %dma_start3A_59 = arith.constant 0 : i32
          %dma_start3A_60 = tpu.memref_slice %arg9[%add3A_34, %dma_start3A_59] : memref<10240x128xf32, #tpu.memory_space<hbm>> -> memref<64x128xf32, #tpu.memory_space<hbm>>
          %dma_start3A_61 = arith.constant 0 : i32
          %dma_start3A_62 = arith.constant 0 : i32
          %dma_start3A_63 = tpu.memref_slice %arg14[%dma_start3A_61, %dma_start3A_62] : memref<288x128xf32, #tpu.memory_space<vmem>> -> memref<64x128xf32, #tpu.memory_space<vmem>>
          tpu.enqueue_dma source(%dma_start3A_63 : memref<64x128xf32, #tpu.memory_space<vmem>>) target(%dma_start3A_60 : memref<64x128xf32, #tpu.memory_space<hbm>>) target_semaphore(%run_scoped3A : memref<!tpu.dma_semaphore, #tpu.memory_space<semaphore_mem>>)
          %dma_wait3A = arith.constant 0 : i32
          %dma_wait3A_64 = arith.constant 0 : i32
          %dma_wait3A_65 = tpu.memref_slice %arg14[%dma_wait3A, %dma_wait3A_64] : memref<288x128xf32, #tpu.memory_space<vmem>> -> memref<64x128xf32, #tpu.memory_space<vmem>>
          %dma_wait3A_66 = arith.constant 0 : i32
          %dma_wait3A_67 = tpu.memref_slice %arg9[%add3A_34, %dma_wait3A_66] : memref<10240x128xf32, #tpu.memory_space<hbm>> -> memref<64x128xf32, #tpu.memory_space<hbm>>
          %dma_wait3A_68 = arith.constant 0 : i32
          %dma_wait3A_69 = tpu.memref_slice %arg9[%add3A_34, %dma_wait3A_68] : memref<10240x128xf32, #tpu.memory_space<hbm>> -> memref<64x128xf32, #tpu.memory_space<hbm>>
          %dma_wait3A_70 = arith.constant 0 : i32
          %dma_wait3A_71 = arith.constant 0 : i32
          %dma_wait3A_72 = tpu.memref_slice %arg14[%dma_wait3A_70, %dma_wait3A_71] : memref<288x128xf32, #tpu.memory_space<vmem>> -> memref<64x128xf32, #tpu.memory_space<vmem>>
          tpu.wait_dma2 semaphore(%run_scoped3A : memref<!tpu.dma_semaphore, #tpu.memory_space<semaphore_mem>>) src(%dma_wait3A_72 : memref<64x128xf32, #tpu.memory_space<vmem>>) dst(%dma_wait3A_69 : memref<64x128xf32, #tpu.memory_space<hbm>>)
          tpu.yield
        }) : () -> ()
      } else {
      }
      %eq3A_49 = arith.constant 1 : i32
      %eq3A_50 = arith.cmpi eq, %arg0, %eq3A_49 : i32
      %convert_element_type3A_51 = arith.extui %eq3A_50 : i1 to i32
      %cond3A_52 = arith.constant 0 : i32
      %cond3A_53 = arith.cmpi ne, %convert_element_type3A_51, %cond3A_52 : i32
      scf.if %cond3A_53 {
        "tpu.region"() ({
          %run_scoped3A = tpu.sem_alloc : memref<!tpu.dma_semaphore, #tpu.memory_space<semaphore_mem>>
          %dma_start3A = arith.constant 0 : i32
          %dma_start3A_55 = arith.constant 0 : i32
          %dma_start3A_56 = tpu.memref_slice %arg14[%dma_start3A, %dma_start3A_55] : memref<288x128xf32, #tpu.memory_space<vmem>> -> memref<64x128xf32, #tpu.memory_space<vmem>>
          %dma_start3A_57 = arith.constant 0 : i32
          %dma_start3A_58 = tpu.memref_slice %arg10[%add3A_34, %dma_start3A_57] : memref<10240x128xf32, #tpu.memory_space<hbm>> -> memref<64x128xf32, #tpu.memory_space<hbm>>
          %dma_start3A_59 = arith.constant 0 : i32
          %dma_start3A_60 = tpu.memref_slice %arg10[%add3A_34, %dma_start3A_59] : memref<10240x128xf32, #tpu.memory_space<hbm>> -> memref<64x128xf32, #tpu.memory_space<hbm>>
          %dma_start3A_61 = arith.constant 0 : i32
          %dma_start3A_62 = arith.constant 0 : i32
          %dma_start3A_63 = tpu.memref_slice %arg14[%dma_start3A_61, %dma_start3A_62] : memref<288x128xf32, #tpu.memory_space<vmem>> -> memref<64x128xf32, #tpu.memory_space<vmem>>
          tpu.enqueue_dma source(%dma_start3A_63 : memref<64x128xf32, #tpu.memory_space<vmem>>) target(%dma_start3A_60 : memref<64x128xf32, #tpu.memory_space<hbm>>) target_semaphore(%run_scoped3A : memref<!tpu.dma_semaphore, #tpu.memory_space<semaphore_mem>>)
          %dma_wait3A = arith.constant 0 : i32
          %dma_wait3A_64 = arith.constant 0 : i32
          %dma_wait3A_65 = tpu.memref_slice %arg14[%dma_wait3A, %dma_wait3A_64] : memref<288x128xf32, #tpu.memory_space<vmem>> -> memref<64x128xf32, #tpu.memory_space<vmem>>
          %dma_wait3A_66 = arith.constant 0 : i32
          %dma_wait3A_67 = tpu.memref_slice %arg10[%add3A_34, %dma_wait3A_66] : memref<10240x128xf32, #tpu.memory_space<hbm>> -> memref<64x128xf32, #tpu.memory_space<hbm>>
          %dma_wait3A_68 = arith.constant 0 : i32
          %dma_wait3A_69 = tpu.memref_slice %arg10[%add3A_34, %dma_wait3A_68] : memref<10240x128xf32, #tpu.memory_space<hbm>> -> memref<64x128xf32, #tpu.memory_space<hbm>>
          %dma_wait3A_70 = arith.constant 0 : i32
          %dma_wait3A_71 = arith.constant 0 : i32
          %dma_wait3A_72 = tpu.memref_slice %arg14[%dma_wait3A_70, %dma_wait3A_71] : memref<288x128xf32, #tpu.memory_space<vmem>> -> memref<64x128xf32, #tpu.memory_space<vmem>>
          tpu.wait_dma2 semaphore(%run_scoped3A : memref<!tpu.dma_semaphore, #tpu.memory_space<semaphore_mem>>) src(%dma_wait3A_72 : memref<64x128xf32, #tpu.memory_space<vmem>>) dst(%dma_wait3A_69 : memref<64x128xf32, #tpu.memory_space<hbm>>)
          tpu.yield
        }) : () -> ()
      } else {
      }
      %scan3A_54 = arith.constant 0 : i32
      scf.yield %scan3A_54 : i32
    }
    %scan3A_29 = arith.constant 10 : i32
    return
  }
}

#map = affine_map<(d0, d1) -> (0)>
module attributes {stable_mosaic.version = 14 : i64} {
  func.func @body(%arg0: i32, %arg1: i32, %arg2: memref<331776xi32, #tpu.memory_space<hbm>>, %arg3: memref<331776xi32, #tpu.memory_space<hbm>>, %arg4: memref<40960xf32, #tpu.memory_space<hbm>>, %arg5: memref<40960xf32, #tpu.memory_space<hbm>>, %arg6: memref<1327104xf32, #tpu.memory_space<hbm>>, %arg7: memref<40960xf32, #tpu.memory_space<hbm>>, %arg8: memref<576xi32, #tpu.memory_space<vmem>>, %arg9: memref<576xi32, #tpu.memory_space<vmem>>, %arg10: memref<40960xf32, #tpu.memory_space<vmem>>, %arg11: memref<1152xf32, #tpu.memory_space<vmem>>, %arg12: memref<1152xi32, #tpu.memory_space<vmem>>, %arg13: memref<1280xf32, #tpu.memory_space<vmem>>, %arg14: memref<20480xf32, #tpu.memory_space<vmem_shared>>) attributes {dimension_semantics = [#tpu.dimension_semantics<core_parallel>, #tpu.dimension_semantics<subcore_parallel>], iteration_bounds = array<i64: 2, 16>, scalar_prefetch = 0 : i64, scratch_operands = 7 : i64, tpu.core_type = #tpu.core_type<sc_vector_subcore>, window_params = [{transform_indices = #map}, {transform_indices = #map}, {transform_indices = #map}, {transform_indices = #map}, {transform_indices = #map}, {transform_indices = #map}]} {
    %iota3A = tpu.iota {dimensions = array<i32: 0>} : vector<16xi32>
    %broadcast_in_dim3A = arith.constant 0.000000e+00 : f32
    %broadcast_in_dim3A_0 = vector.broadcast %broadcast_in_dim3A : f32 to vector<16xf32>
    %eq3A = arith.constant 0 : i32
    %eq3A_1 = arith.cmpi eq, %arg0, %eq3A : i32
    %convert_element_type3A = arith.extui %eq3A_1 : i1 to i32
    %cond3A = arith.constant 0 : i32
    %cond3A_2 = arith.cmpi ne, %convert_element_type3A, %cond3A : i32
    scf.if %cond3A_2 {
      "tpu.region"() ({
        %run_scoped3A = tpu.sem_alloc : memref<!tpu.dma_semaphore, #tpu.memory_space<semaphore_mem>>
        tpu.enqueue_dma source(%arg4 : memref<40960xf32, #tpu.memory_space<hbm>>) target(%arg10 : memref<40960xf32, #tpu.memory_space<vmem>>) target_semaphore(%run_scoped3A : memref<!tpu.dma_semaphore, #tpu.memory_space<semaphore_mem>>)
        tpu.wait_dma2 semaphore(%run_scoped3A : memref<!tpu.dma_semaphore, #tpu.memory_space<semaphore_mem>>) src(%arg4 : memref<40960xf32, #tpu.memory_space<hbm>>) dst(%arg10 : memref<40960xf32, #tpu.memory_space<vmem>>)
        tpu.yield
      }) : () -> ()
    } else {
    }
    %eq3A_3 = arith.constant 1 : i32
    %eq3A_4 = arith.cmpi eq, %arg0, %eq3A_3 : i32
    %convert_element_type3A_5 = arith.extui %eq3A_4 : i1 to i32
    %cond3A_6 = arith.constant 0 : i32
    %cond3A_7 = arith.cmpi ne, %convert_element_type3A_5, %cond3A_6 : i32
    scf.if %cond3A_7 {
      "tpu.region"() ({
        %run_scoped3A = tpu.sem_alloc : memref<!tpu.dma_semaphore, #tpu.memory_space<semaphore_mem>>
        tpu.enqueue_dma source(%arg5 : memref<40960xf32, #tpu.memory_space<hbm>>) target(%arg10 : memref<40960xf32, #tpu.memory_space<vmem>>) target_semaphore(%run_scoped3A : memref<!tpu.dma_semaphore, #tpu.memory_space<semaphore_mem>>)
        tpu.wait_dma2 semaphore(%run_scoped3A : memref<!tpu.dma_semaphore, #tpu.memory_space<semaphore_mem>>) src(%arg5 : memref<40960xf32, #tpu.memory_space<hbm>>) dst(%arg10 : memref<40960xf32, #tpu.memory_space<vmem>>)
        tpu.yield
      }) : () -> ()
    } else {
    }
    %scan3A = arith.constant 0 : i32
    %scan3A_8 = arith.constant 0 : i32
    %scan3A_9 = arith.constant 80 : i32
    %scan3A_10 = arith.addi %scan3A_8, %scan3A_9 : i32
    %scan3A_11 = arith.constant 1 : i32
    %scan3A_12 = scf.for %scan3A_31 = %scan3A_8 to %scan3A_10 step %scan3A_11 iter_args(%scan3A_32 = %scan3A) -> (i32)  : i32 {
      %mul3A_33 = arith.constant 16 : i32
      %mul3A_34 = arith.muli %mul3A_33, %scan3A_31 : i32
      %swap3A = arith.index_cast %mul3A_34 : i32 to index
      %swap3A_35 = tpu.vector_load %arg13[%swap3A] {strides = array<i32>} : memref<1280xf32, #tpu.memory_space<vmem>>, vector<16xf32>,
      tpu.vector_store %arg13[%swap3A], %broadcast_in_dim3A_0 {strides = array<i32>} : memref<1280xf32, #tpu.memory_space<vmem>>, vector<16xf32>,
      %scan3A_36 = arith.constant 0 : i32
      scf.yield %scan3A_36 : i32
    }
    %scan3A_13 = arith.constant 80 : i32
    %mul3A = arith.constant 1280 : i32
    %mul3A_14 = arith.muli %arg1, %mul3A : i32
    "tpu.region"() ({
      %run_scoped3A = tpu.sem_alloc : memref<!tpu.dma_semaphore, #tpu.memory_space<semaphore_mem>>
      %dma_start3A = tpu.memref_slice %arg14[%mul3A_14] : memref<20480xf32, #tpu.memory_space<vmem_shared>> -> memref<1280xf32, #tpu.memory_space<vmem_shared>>
      %dma_start3A_31 = tpu.memref_slice %arg14[%mul3A_14] : memref<20480xf32, #tpu.memory_space<vmem_shared>> -> memref<1280xf32, #tpu.memory_space<vmem_shared>>
      tpu.enqueue_dma source(%arg13 : memref<1280xf32, #tpu.memory_space<vmem>>) target(%dma_start3A_31 : memref<1280xf32, #tpu.memory_space<vmem_shared>>) target_semaphore(%run_scoped3A : memref<!tpu.dma_semaphore, #tpu.memory_space<semaphore_mem>>)
      %dma_wait3A = tpu.memref_slice %arg14[%mul3A_14] : memref<20480xf32, #tpu.memory_space<vmem_shared>> -> memref<1280xf32, #tpu.memory_space<vmem_shared>>
      %dma_wait3A_32 = tpu.memref_slice %arg14[%mul3A_14] : memref<20480xf32, #tpu.memory_space<vmem_shared>> -> memref<1280xf32, #tpu.memory_space<vmem_shared>>
      tpu.wait_dma2 semaphore(%run_scoped3A : memref<!tpu.dma_semaphore, #tpu.memory_space<semaphore_mem>>) src(%arg13 : memref<1280xf32, #tpu.memory_space<vmem>>) dst(%dma_wait3A_32 : memref<1280xf32, #tpu.memory_space<vmem_shared>>)
      tpu.yield
    }) : () -> ()
    %barrier3A = arith.constant 0 : index
    tpu.barrier barrier_id(%barrier3A)
    %mul3A_15 = arith.constant 20736 : i32
    %mul3A_16 = arith.muli %arg1, %mul3A_15 : i32
    %scan3A_17 = arith.constant 0 : i32
    %scan3A_18 = arith.constant 0 : i32
    %scan3A_19 = arith.constant 36 : i32
    %scan3A_20 = arith.addi %scan3A_18, %scan3A_19 : i32
    %scan3A_21 = arith.constant 1 : i32
    %scan3A_22 = scf.for %scan3A_31 = %scan3A_18 to %scan3A_20 step %scan3A_21 iter_args(%scan3A_32 = %scan3A_17) -> (i32)  : i32 {
      %mul3A_33 = arith.constant 576 : i32
      %mul3A_34 = arith.muli %scan3A_31, %mul3A_33 : i32
      %add3A_35 = arith.addi %mul3A_16, %mul3A_34 : i32
      "tpu.region"() ({
        %run_scoped3A = tpu.sem_alloc : memref<!tpu.dma_semaphore, #tpu.memory_space<semaphore_mem>>
        %dma_start3A = tpu.memref_slice %arg2[%add3A_35] : memref<331776xi32, #tpu.memory_space<hbm>> -> memref<576xi32, #tpu.memory_space<hbm>>
        %dma_start3A_49 = tpu.memref_slice %arg2[%add3A_35] : memref<331776xi32, #tpu.memory_space<hbm>> -> memref<576xi32, #tpu.memory_space<hbm>>
        tpu.enqueue_dma source(%dma_start3A_49 : memref<576xi32, #tpu.memory_space<hbm>>) target(%arg8 : memref<576xi32, #tpu.memory_space<vmem>>) target_semaphore(%run_scoped3A : memref<!tpu.dma_semaphore, #tpu.memory_space<semaphore_mem>>)
        %dma_wait3A = tpu.memref_slice %arg2[%add3A_35] : memref<331776xi32, #tpu.memory_space<hbm>> -> memref<576xi32, #tpu.memory_space<hbm>>
        %dma_wait3A_50 = tpu.memref_slice %arg2[%add3A_35] : memref<331776xi32, #tpu.memory_space<hbm>> -> memref<576xi32, #tpu.memory_space<hbm>>
        tpu.wait_dma2 semaphore(%run_scoped3A : memref<!tpu.dma_semaphore, #tpu.memory_space<semaphore_mem>>) src(%dma_wait3A_50 : memref<576xi32, #tpu.memory_space<hbm>>) dst(%arg8 : memref<576xi32, #tpu.memory_space<vmem>>)
        tpu.yield
      }) : () -> ()
      "tpu.region"() ({
        %run_scoped3A = tpu.sem_alloc : memref<!tpu.dma_semaphore, #tpu.memory_space<semaphore_mem>>
        %dma_start3A = tpu.memref_slice %arg3[%add3A_35] : memref<331776xi32, #tpu.memory_space<hbm>> -> memref<576xi32, #tpu.memory_space<hbm>>
        %dma_start3A_49 = tpu.memref_slice %arg3[%add3A_35] : memref<331776xi32, #tpu.memory_space<hbm>> -> memref<576xi32, #tpu.memory_space<hbm>>
        tpu.enqueue_dma source(%dma_start3A_49 : memref<576xi32, #tpu.memory_space<hbm>>) target(%arg9 : memref<576xi32, #tpu.memory_space<vmem>>) target_semaphore(%run_scoped3A : memref<!tpu.dma_semaphore, #tpu.memory_space<semaphore_mem>>)
        %dma_wait3A = tpu.memref_slice %arg3[%add3A_35] : memref<331776xi32, #tpu.memory_space<hbm>> -> memref<576xi32, #tpu.memory_space<hbm>>
        %dma_wait3A_50 = tpu.memref_slice %arg3[%add3A_35] : memref<331776xi32, #tpu.memory_space<hbm>> -> memref<576xi32, #tpu.memory_space<hbm>>
        tpu.wait_dma2 semaphore(%run_scoped3A : memref<!tpu.dma_semaphore, #tpu.memory_space<semaphore_mem>>) src(%dma_wait3A_50 : memref<576xi32, #tpu.memory_space<hbm>>) dst(%arg9 : memref<576xi32, #tpu.memory_space<vmem>>)
        tpu.yield
      }) : () -> ()
      %scan3A_36 = arith.constant 0 : i32
      %scan3A_37 = arith.constant 0 : i32
      %scan3A_38 = arith.constant 36 : i32
      %scan3A_39 = arith.addi %scan3A_37, %scan3A_38 : i32
      %scan3A_40 = arith.constant 1 : i32
      %scan3A_41 = scf.for %scan3A_49 = %scan3A_37 to %scan3A_39 step %scan3A_40 iter_args(%scan3A_50 = %scan3A_36) -> (i32)  : i32 {
        %mul3A_51 = arith.constant 16 : i32
        %mul3A_52 = arith.muli %mul3A_51, %scan3A_49 : i32
        %get3A = arith.index_cast %mul3A_52 : i32 to index
        %get3A_53 = tpu.vector_load %arg8[%get3A] {strides = array<i32>} : memref<576xi32, #tpu.memory_space<vmem>>, vector<16xi32>,
        %get3A_54 = arith.index_cast %mul3A_52 : i32 to index
        %get3A_55 = tpu.vector_load %arg9[%get3A_54] {strides = array<i32>} : memref<576xi32, #tpu.memory_space<vmem>>, vector<16xi32>,
        %mul3A_56 = arith.constant 4 : i32
        %mul3A_57 = vector.broadcast %mul3A_56 : i32 to vector<16xi32>
        %mul3A_58 = arith.muli %get3A_53, %mul3A_57 : vector<16xi32>
        %mul3A_59 = arith.constant 4 : i32
        %mul3A_60 = vector.broadcast %mul3A_59 : i32 to vector<16xi32>
        %mul3A_61 = arith.muli %get3A_55, %mul3A_60 : vector<16xi32>
        %gather3A = tpu.vector_load_idx %arg10[%mul3A_58] : memref<40960xf32, #tpu.memory_space<vmem>>[vector<16xi32>], vector<16xf32>,
        %add3A_62 = arith.constant 1 : i32
        %add3A_63 = vector.broadcast %add3A_62 : i32 to vector<16xi32>
        %add3A_64 = arith.addi %mul3A_58, %add3A_63 : vector<16xi32>
        %gather3A_65 = tpu.vector_load_idx %arg10[%add3A_64] : memref<40960xf32, #tpu.memory_space<vmem>>[vector<16xi32>], vector<16xf32>,
        %add3A_66 = arith.constant 2 : i32
        %add3A_67 = vector.broadcast %add3A_66 : i32 to vector<16xi32>
        %add3A_68 = arith.addi %mul3A_61, %add3A_67 : vector<16xi32>
        %gather3A_69 = tpu.vector_load_idx %arg10[%add3A_68] : memref<40960xf32, #tpu.memory_space<vmem>>[vector<16xi32>], vector<16xf32>,
        %add3A_70 = arith.constant 3 : i32
        %add3A_71 = vector.broadcast %add3A_70 : i32 to vector<16xi32>
        %add3A_72 = arith.addi %mul3A_61, %add3A_71 : vector<16xi32>
        %gather3A_73 = tpu.vector_load_idx %arg10[%add3A_72] : memref<40960xf32, #tpu.memory_space<vmem>>[vector<16xi32>], vector<16xf32>,
        %add3A_74 = arith.addf %gather3A, %gather3A_69 : vector<16xf32>
        %add3A_75 = arith.addf %gather3A_65, %gather3A_73 : vector<16xf32>
        %mul3A_76 = arith.constant 2.000000e-01 : f32
        %mul3A_77 = vector.broadcast %mul3A_76 : f32 to vector<16xf32>
        %mul3A_78 = arith.mulf %mul3A_77, %add3A_74 : vector<16xf32>
        %max3A = arith.maximumf %add3A_74, %mul3A_78 : vector<16xf32>
        %exp3A = math.exp %max3A : vector<16xf32>
        %mul3A_79 = arith.constant 2.000000e-01 : f32
        %mul3A_80 = vector.broadcast %mul3A_79 : f32 to vector<16xf32>
        %mul3A_81 = arith.mulf %mul3A_80, %add3A_75 : vector<16xf32>
        %max3A_82 = arith.maximumf %add3A_75, %mul3A_81 : vector<16xf32>
        %exp3A_83 = math.exp %max3A_82 : vector<16xf32>
        %mul3A_84 = arith.constant 2 : i32
        %mul3A_85 = vector.broadcast %mul3A_84 : i32 to vector<16xi32>
        %mul3A_86 = arith.muli %iota3A, %mul3A_85 : vector<16xi32>
        %mul3A_87 = arith.constant 32 : i32
        %mul3A_88 = arith.muli %mul3A_87, %scan3A_49 : i32
        %add3A_89 = vector.broadcast %mul3A_88 : i32 to vector<16xi32>
        %add3A_90 = arith.addi %mul3A_86, %add3A_89 : vector<16xi32>
        %mul3A_91 = arith.constant 2 : i32
        %mul3A_92 = vector.broadcast %mul3A_91 : i32 to vector<16xi32>
        %mul3A_93 = arith.muli %get3A_55, %mul3A_92 : vector<16xi32>
        tpu.vector_store_idx %arg11[%add3A_90], %exp3A : memref<1152xf32, #tpu.memory_space<vmem>>[vector<16xi32>], vector<16xf32>,
        %add3A_94 = arith.constant 1 : i32
        %add3A_95 = vector.broadcast %add3A_94 : i32 to vector<16xi32>
        %add3A_96 = arith.addi %add3A_90, %add3A_95 : vector<16xi32>
        tpu.vector_store_idx %arg11[%add3A_96], %exp3A_83 : memref<1152xf32, #tpu.memory_space<vmem>>[vector<16xi32>], vector<16xf32>,
        tpu.vector_store_idx %arg12[%add3A_90], %mul3A_93 : memref<1152xi32, #tpu.memory_space<vmem>>[vector<16xi32>], vector<16xi32>,
        %add3A_97 = arith.constant 1 : i32
        %add3A_98 = vector.broadcast %add3A_97 : i32 to vector<16xi32>
        %add3A_99 = arith.addi %add3A_90, %add3A_98 : vector<16xi32>
        %add3A_100 = arith.constant 1 : i32
        %add3A_101 = vector.broadcast %add3A_100 : i32 to vector<16xi32>
        %add3A_102 = arith.addi %mul3A_93, %add3A_101 : vector<16xi32>
        tpu.vector_store_idx %arg12[%add3A_99], %add3A_102 : memref<1152xi32, #tpu.memory_space<vmem>>[vector<16xi32>], vector<16xi32>,
        %scan3A_103 = arith.constant 0 : i32
        scf.yield %scan3A_103 : i32
      }
      %scan3A_42 = arith.constant 36 : i32
      "tpu.region"() ({
        %run_scoped3A = tpu.sem_alloc : memref<!tpu.dma_semaphore, #tpu.memory_space<semaphore_mem>>
        %dma_start3A = arith.constant 0 : i32
        %dma_start3A_49 = tpu.memref_slice %arg14[%dma_start3A] : memref<20480xf32, #tpu.memory_space<vmem_shared>> -> memref<20480xf32, #tpu.memory_space<vmem_shared>>
        tpu.enqueue_indirect_dma source(%arg11 : memref<1152xf32, #tpu.memory_space<vmem>>) target(%dma_start3A_49 : memref<20480xf32, #tpu.memory_space<vmem_shared>>) offsets(%arg12 : memref<1152xi32, #tpu.memory_space<vmem>>) semaphore(%run_scoped3A : memref<!tpu.dma_semaphore, #tpu.memory_space<semaphore_mem>>) {add = true}
        %dma_wait3A = arith.constant 0 : i32
        %dma_wait3A_50 = tpu.memref_slice %arg14[%dma_wait3A] : memref<20480xf32, #tpu.memory_space<vmem_shared>> -> memref<20480xf32, #tpu.memory_space<vmem_shared>>
        tpu.wait_indirect_dma semaphore(%run_scoped3A : memref<!tpu.dma_semaphore, #tpu.memory_space<semaphore_mem>>) src(%arg11 : memref<1152xf32, #tpu.memory_space<vmem>>) dst(%dma_wait3A_50 : memref<20480xf32, #tpu.memory_space<vmem_shared>>)
        tpu.yield
      }) : () -> ()
      %mul3A_43 = arith.constant 663552 : i32
      %mul3A_44 = arith.muli %arg0, %mul3A_43 : i32
      %mul3A_45 = arith.constant 2 : i32
      %mul3A_46 = arith.muli %add3A_35, %mul3A_45 : i32
      %add3A_47 = arith.addi %mul3A_44, %mul3A_46 : i32
      "tpu.region"() ({
        %run_scoped3A = tpu.sem_alloc : memref<!tpu.dma_semaphore, #tpu.memory_space<semaphore_mem>>
        %dma_start3A = tpu.memref_slice %arg6[%add3A_47] : memref<1327104xf32, #tpu.memory_space<hbm>> -> memref<1152xf32, #tpu.memory_space<hbm>>
        %dma_start3A_49 = tpu.memref_slice %arg6[%add3A_47] : memref<1327104xf32, #tpu.memory_space<hbm>> -> memref<1152xf32, #tpu.memory_space<hbm>>
        tpu.enqueue_dma source(%arg11 : memref<1152xf32, #tpu.memory_space<vmem>>) target(%dma_start3A_49 : memref<1152xf32, #tpu.memory_space<hbm>>) target_semaphore(%run_scoped3A : memref<!tpu.dma_semaphore, #tpu.memory_space<semaphore_mem>>)
        %dma_wait3A = tpu.memref_slice %arg6[%add3A_47] : memref<1327104xf32, #tpu.memory_space<hbm>> -> memref<1152xf32, #tpu.memory_space<hbm>>
        %dma_wait3A_50 = tpu.memref_slice %arg6[%add3A_47] : memref<1327104xf32, #tpu.memory_space<hbm>> -> memref<1152xf32, #tpu.memory_space<hbm>>
        tpu.wait_dma2 semaphore(%run_scoped3A : memref<!tpu.dma_semaphore, #tpu.memory_space<semaphore_mem>>) src(%arg11 : memref<1152xf32, #tpu.memory_space<vmem>>) dst(%dma_wait3A_50 : memref<1152xf32, #tpu.memory_space<hbm>>)
        tpu.yield
      }) : () -> ()
      %scan3A_48 = arith.constant 0 : i32
      scf.yield %scan3A_48 : i32
    }
    %scan3A_23 = arith.constant 36 : i32
    %barrier3A_24 = arith.constant 0 : index
    tpu.barrier barrier_id(%barrier3A_24)
    %mul3A_25 = arith.constant 1280 : i32
    %mul3A_26 = arith.muli %arg1, %mul3A_25 : i32
    "tpu.region"() ({
      %run_scoped3A = tpu.sem_alloc : memref<!tpu.dma_semaphore, #tpu.memory_space<semaphore_mem>>
      %dma_start3A = tpu.memref_slice %arg14[%mul3A_26] : memref<20480xf32, #tpu.memory_space<vmem_shared>> -> memref<1280xf32, #tpu.memory_space<vmem_shared>>
      %dma_start3A_31 = tpu.memref_slice %arg14[%mul3A_26] : memref<20480xf32, #tpu.memory_space<vmem_shared>> -> memref<1280xf32, #tpu.memory_space<vmem_shared>>
      tpu.enqueue_dma source(%dma_start3A_31 : memref<1280xf32, #tpu.memory_space<vmem_shared>>) target(%arg13 : memref<1280xf32, #tpu.memory_space<vmem>>) target_semaphore(%run_scoped3A : memref<!tpu.dma_semaphore, #tpu.memory_space<semaphore_mem>>)
      %dma_wait3A = tpu.memref_slice %arg14[%mul3A_26] : memref<20480xf32, #tpu.memory_space<vmem_shared>> -> memref<1280xf32, #tpu.memory_space<vmem_shared>>
      %dma_wait3A_32 = tpu.memref_slice %arg14[%mul3A_26] : memref<20480xf32, #tpu.memory_space<vmem_shared>> -> memref<1280xf32, #tpu.memory_space<vmem_shared>>
      tpu.wait_dma2 semaphore(%run_scoped3A : memref<!tpu.dma_semaphore, #tpu.memory_space<semaphore_mem>>) src(%dma_wait3A_32 : memref<1280xf32, #tpu.memory_space<vmem_shared>>) dst(%arg13 : memref<1280xf32, #tpu.memory_space<vmem>>)
      tpu.yield
    }) : () -> ()
    %mul3A_27 = arith.constant 20480 : i32
    %mul3A_28 = arith.muli %arg0, %mul3A_27 : i32
    %mul3A_29 = arith.constant 1280 : i32
    %mul3A_30 = arith.muli %arg1, %mul3A_29 : i32
    %add3A = arith.addi %mul3A_28, %mul3A_30 : i32
    "tpu.region"() ({
      %run_scoped3A = tpu.sem_alloc : memref<!tpu.dma_semaphore, #tpu.memory_space<semaphore_mem>>
      %dma_start3A = tpu.memref_slice %arg7[%add3A] : memref<40960xf32, #tpu.memory_space<hbm>> -> memref<1280xf32, #tpu.memory_space<hbm>>
      %dma_start3A_31 = tpu.memref_slice %arg7[%add3A] : memref<40960xf32, #tpu.memory_space<hbm>> -> memref<1280xf32, #tpu.memory_space<hbm>>
      tpu.enqueue_dma source(%arg13 : memref<1280xf32, #tpu.memory_space<vmem>>) target(%dma_start3A_31 : memref<1280xf32, #tpu.memory_space<hbm>>) target_semaphore(%run_scoped3A : memref<!tpu.dma_semaphore, #tpu.memory_space<semaphore_mem>>)
      %dma_wait3A = tpu.memref_slice %arg7[%add3A] : memref<40960xf32, #tpu.memory_space<hbm>> -> memref<1280xf32, #tpu.memory_space<hbm>>
      %dma_wait3A_32 = tpu.memref_slice %arg7[%add3A] : memref<40960xf32, #tpu.memory_space<hbm>> -> memref<1280xf32, #tpu.memory_space<hbm>>
      tpu.wait_dma2 semaphore(%run_scoped3A : memref<!tpu.dma_semaphore, #tpu.memory_space<semaphore_mem>>) src(%arg13 : memref<1280xf32, #tpu.memory_space<vmem>>) dst(%dma_wait3A_32 : memref<1280xf32, #tpu.memory_space<hbm>>)
      tpu.yield
    }) : () -> ()
    return
  }
}

#map = affine_map<(d0, d1) -> (0)>
#map1 = affine_map<(d0, d1) -> (0, 0)>
module attributes {stable_mosaic.version = 14 : i64} {
  func.func @body(%arg0: i32, %arg1: i32, %arg2: memref<331776xi32, #tpu.memory_space<hbm>>, %arg3: memref<331776xi32, #tpu.memory_space<hbm>>, %arg4: memref<10240x128xf32, #tpu.memory_space<hbm>>, %arg5: memref<1327104xf32, #tpu.memory_space<hbm>>, %arg6: memref<20480x128xf32, #tpu.memory_space<hbm>>, %arg7: memref<288xi32, #tpu.memory_space<vmem>>, %arg8: memref<288xi32, #tpu.memory_space<vmem>>, %arg9: memref<576xf32, #tpu.memory_space<vmem>>, %arg10: memref<576xf32, #tpu.memory_space<vmem>>, %arg11: memref<288x128xf32, #tpu.memory_space<vmem>>, %arg12: memref<10240x128xf32, #tpu.memory_space<vmem_shared>>, %arg13: memref<!tpu.dma_semaphore, #tpu.memory_space<semaphore_mem>>) attributes {dimension_semantics = [#tpu.dimension_semantics<core_parallel>, #tpu.dimension_semantics<subcore_parallel>], iteration_bounds = array<i64: 2, 16>, scalar_prefetch = 0 : i64, scratch_operands = 7 : i64, tpu.core_type = #tpu.core_type<sc_vector_subcore>, window_params = [{transform_indices = #map}, {transform_indices = #map}, {transform_indices = #map1}, {transform_indices = #map}, {transform_indices = #map1}]} {
    %mul3A = arith.constant 640 : i32
    %mul3A_0 = arith.muli %arg1, %mul3A : i32
    %broadcast_in_dim3A = arith.constant 0.000000e+00 : f32
    %broadcast_in_dim3A_1 = vector.broadcast %broadcast_in_dim3A : f32 to vector<16xf32>
    %scan3A = arith.constant 0 : i32
    %scan3A_2 = arith.constant 0 : i32
    %scan3A_3 = arith.constant 288 : i32
    %scan3A_4 = arith.addi %scan3A_2, %scan3A_3 : i32
    %scan3A_5 = arith.constant 1 : i32
    %scan3A_6 = scf.for %scan3A_31 = %scan3A_2 to %scan3A_4 step %scan3A_5 iter_args(%scan3A_32 = %scan3A) -> (i32)  : i32 {
      %swap3A = arith.index_cast %scan3A_31 : i32 to index
      %swap3A_33 = arith.constant 0 : index
      %swap3A_34 = tpu.vector_load %arg11[%swap3A, %swap3A_33] {strides = array<i32>} : memref<288x128xf32, #tpu.memory_space<vmem>>, vector<16xf32>,
      tpu.vector_store %arg11[%swap3A, %swap3A_33], %broadcast_in_dim3A_1 {strides = array<i32>} : memref<288x128xf32, #tpu.memory_space<vmem>>, vector<16xf32>,
      %swap3A_35 = arith.index_cast %scan3A_31 : i32 to index
      %swap3A_36 = arith.constant 16 : index
      %swap3A_37 = tpu.vector_load %arg11[%swap3A_35, %swap3A_36] {strides = array<i32>} : memref<288x128xf32, #tpu.memory_space<vmem>>, vector<16xf32>,
      tpu.vector_store %arg11[%swap3A_35, %swap3A_36], %broadcast_in_dim3A_1 {strides = array<i32>} : memref<288x128xf32, #tpu.memory_space<vmem>>, vector<16xf32>,
      %swap3A_38 = arith.index_cast %scan3A_31 : i32 to index
      %swap3A_39 = arith.constant 32 : index
      %swap3A_40 = tpu.vector_load %arg11[%swap3A_38, %swap3A_39] {strides = array<i32>} : memref<288x128xf32, #tpu.memory_space<vmem>>, vector<16xf32>,
      tpu.vector_store %arg11[%swap3A_38, %swap3A_39], %broadcast_in_dim3A_1 {strides = array<i32>} : memref<288x128xf32, #tpu.memory_space<vmem>>, vector<16xf32>,
      %swap3A_41 = arith.index_cast %scan3A_31 : i32 to index
      %swap3A_42 = arith.constant 48 : index
      %swap3A_43 = tpu.vector_load %arg11[%swap3A_41, %swap3A_42] {strides = array<i32>} : memref<288x128xf32, #tpu.memory_space<vmem>>, vector<16xf32>,
      tpu.vector_store %arg11[%swap3A_41, %swap3A_42], %broadcast_in_dim3A_1 {strides = array<i32>} : memref<288x128xf32, #tpu.memory_space<vmem>>, vector<16xf32>,
      %swap3A_44 = arith.index_cast %scan3A_31 : i32 to index
      %swap3A_45 = arith.constant 64 : index
      %swap3A_46 = tpu.vector_load %arg11[%swap3A_44, %swap3A_45] {strides = array<i32>} : memref<288x128xf32, #tpu.memory_space<vmem>>, vector<16xf32>,
      tpu.vector_store %arg11[%swap3A_44, %swap3A_45], %broadcast_in_dim3A_1 {strides = array<i32>} : memref<288x128xf32, #tpu.memory_space<vmem>>, vector<16xf32>,
      %swap3A_47 = arith.index_cast %scan3A_31 : i32 to index
      %swap3A_48 = arith.constant 80 : index
      %swap3A_49 = tpu.vector_load %arg11[%swap3A_47, %swap3A_48] {strides = array<i32>} : memref<288x128xf32, #tpu.memory_space<vmem>>, vector<16xf32>,
      tpu.vector_store %arg11[%swap3A_47, %swap3A_48], %broadcast_in_dim3A_1 {strides = array<i32>} : memref<288x128xf32, #tpu.memory_space<vmem>>, vector<16xf32>,
      %swap3A_50 = arith.index_cast %scan3A_31 : i32 to index
      %swap3A_51 = arith.constant 96 : index
      %swap3A_52 = tpu.vector_load %arg11[%swap3A_50, %swap3A_51] {strides = array<i32>} : memref<288x128xf32, #tpu.memory_space<vmem>>, vector<16xf32>,
      tpu.vector_store %arg11[%swap3A_50, %swap3A_51], %broadcast_in_dim3A_1 {strides = array<i32>} : memref<288x128xf32, #tpu.memory_space<vmem>>, vector<16xf32>,
      %swap3A_53 = arith.index_cast %scan3A_31 : i32 to index
      %swap3A_54 = arith.constant 112 : index
      %swap3A_55 = tpu.vector_load %arg11[%swap3A_53, %swap3A_54] {strides = array<i32>} : memref<288x128xf32, #tpu.memory_space<vmem>>, vector<16xf32>,
      tpu.vector_store %arg11[%swap3A_53, %swap3A_54], %broadcast_in_dim3A_1 {strides = array<i32>} : memref<288x128xf32, #tpu.memory_space<vmem>>, vector<16xf32>,
      %scan3A_56 = arith.constant 0 : i32
      scf.yield %scan3A_56 : i32
    }
    %scan3A_7 = arith.constant 288 : i32
    "tpu.region"() ({
      %run_scoped3A = tpu.sem_alloc : memref<!tpu.dma_semaphore, #tpu.memory_space<semaphore_mem>>
      %dma_start3A = arith.constant 0 : i32
      %dma_start3A_31 = tpu.memref_slice %arg12[%mul3A_0, %dma_start3A] : memref<10240x128xf32, #tpu.memory_space<vmem_shared>> -> memref<288x128xf32, #tpu.memory_space<vmem_shared>>
      %dma_start3A_32 = arith.constant 0 : i32
      %dma_start3A_33 = tpu.memref_slice %arg12[%mul3A_0, %dma_start3A_32] : memref<10240x128xf32, #tpu.memory_space<vmem_shared>> -> memref<288x128xf32, #tpu.memory_space<vmem_shared>>
      tpu.enqueue_dma source(%arg11 : memref<288x128xf32, #tpu.memory_space<vmem>>) target(%dma_start3A_33 : memref<288x128xf32, #tpu.memory_space<vmem_shared>>) target_semaphore(%run_scoped3A : memref<!tpu.dma_semaphore, #tpu.memory_space<semaphore_mem>>)
      %dma_wait3A = arith.constant 0 : i32
      %dma_wait3A_34 = tpu.memref_slice %arg12[%mul3A_0, %dma_wait3A] : memref<10240x128xf32, #tpu.memory_space<vmem_shared>> -> memref<288x128xf32, #tpu.memory_space<vmem_shared>>
      %dma_wait3A_35 = arith.constant 0 : i32
      %dma_wait3A_36 = tpu.memref_slice %arg12[%mul3A_0, %dma_wait3A_35] : memref<10240x128xf32, #tpu.memory_space<vmem_shared>> -> memref<288x128xf32, #tpu.memory_space<vmem_shared>>
      tpu.wait_dma2 semaphore(%run_scoped3A : memref<!tpu.dma_semaphore, #tpu.memory_space<semaphore_mem>>) src(%arg11 : memref<288x128xf32, #tpu.memory_space<vmem>>) dst(%dma_wait3A_36 : memref<288x128xf32, #tpu.memory_space<vmem_shared>>)
      tpu.yield
    }) : () -> ()
    %add3A = arith.constant 288 : i32
    %add3A_8 = arith.addi %mul3A_0, %add3A : i32
    "tpu.region"() ({
      %run_scoped3A = tpu.sem_alloc : memref<!tpu.dma_semaphore, #tpu.memory_space<semaphore_mem>>
      %dma_start3A = arith.constant 0 : i32
      %dma_start3A_31 = tpu.memref_slice %arg12[%add3A_8, %dma_start3A] : memref<10240x128xf32, #tpu.memory_space<vmem_shared>> -> memref<288x128xf32, #tpu.memory_space<vmem_shared>>
      %dma_start3A_32 = arith.constant 0 : i32
      %dma_start3A_33 = tpu.memref_slice %arg12[%add3A_8, %dma_start3A_32] : memref<10240x128xf32, #tpu.memory_space<vmem_shared>> -> memref<288x128xf32, #tpu.memory_space<vmem_shared>>
      tpu.enqueue_dma source(%arg11 : memref<288x128xf32, #tpu.memory_space<vmem>>) target(%dma_start3A_33 : memref<288x128xf32, #tpu.memory_space<vmem_shared>>) target_semaphore(%run_scoped3A : memref<!tpu.dma_semaphore, #tpu.memory_space<semaphore_mem>>)
      %dma_wait3A = arith.constant 0 : i32
      %dma_wait3A_34 = tpu.memref_slice %arg12[%add3A_8, %dma_wait3A] : memref<10240x128xf32, #tpu.memory_space<vmem_shared>> -> memref<288x128xf32, #tpu.memory_space<vmem_shared>>
      %dma_wait3A_35 = arith.constant 0 : i32
      %dma_wait3A_36 = tpu.memref_slice %arg12[%add3A_8, %dma_wait3A_35] : memref<10240x128xf32, #tpu.memory_space<vmem_shared>> -> memref<288x128xf32, #tpu.memory_space<vmem_shared>>
      tpu.wait_dma2 semaphore(%run_scoped3A : memref<!tpu.dma_semaphore, #tpu.memory_space<semaphore_mem>>) src(%arg11 : memref<288x128xf32, #tpu.memory_space<vmem>>) dst(%dma_wait3A_36 : memref<288x128xf32, #tpu.memory_space<vmem_shared>>)
      tpu.yield
    }) : () -> ()
    %add3A_9 = arith.constant 576 : i32
    %add3A_10 = arith.addi %mul3A_0, %add3A_9 : i32
    "tpu.region"() ({
      %run_scoped3A = tpu.sem_alloc : memref<!tpu.dma_semaphore, #tpu.memory_space<semaphore_mem>>
      %dma_start3A = arith.constant 0 : i32
      %dma_start3A_31 = arith.constant 0 : i32
      %dma_start3A_32 = tpu.memref_slice %arg11[%dma_start3A, %dma_start3A_31] : memref<288x128xf32, #tpu.memory_space<vmem>> -> memref<64x128xf32, #tpu.memory_space<vmem>>
      %dma_start3A_33 = arith.constant 0 : i32
      %dma_start3A_34 = tpu.memref_slice %arg12[%add3A_10, %dma_start3A_33] : memref<10240x128xf32, #tpu.memory_space<vmem_shared>> -> memref<64x128xf32, #tpu.memory_space<vmem_shared>>
      %dma_start3A_35 = arith.constant 0 : i32
      %dma_start3A_36 = tpu.memref_slice %arg12[%add3A_10, %dma_start3A_35] : memref<10240x128xf32, #tpu.memory_space<vmem_shared>> -> memref<64x128xf32, #tpu.memory_space<vmem_shared>>
      %dma_start3A_37 = arith.constant 0 : i32
      %dma_start3A_38 = arith.constant 0 : i32
      %dma_start3A_39 = tpu.memref_slice %arg11[%dma_start3A_37, %dma_start3A_38] : memref<288x128xf32, #tpu.memory_space<vmem>> -> memref<64x128xf32, #tpu.memory_space<vmem>>
      tpu.enqueue_dma source(%dma_start3A_39 : memref<64x128xf32, #tpu.memory_space<vmem>>) target(%dma_start3A_36 : memref<64x128xf32, #tpu.memory_space<vmem_shared>>) target_semaphore(%run_scoped3A : memref<!tpu.dma_semaphore, #tpu.memory_space<semaphore_mem>>)
      %dma_wait3A = arith.constant 0 : i32
      %dma_wait3A_40 = arith.constant 0 : i32
      %dma_wait3A_41 = tpu.memref_slice %arg11[%dma_wait3A, %dma_wait3A_40] : memref<288x128xf32, #tpu.memory_space<vmem>> -> memref<64x128xf32, #tpu.memory_space<vmem>>
      %dma_wait3A_42 = arith.constant 0 : i32
      %dma_wait3A_43 = tpu.memref_slice %arg12[%add3A_10, %dma_wait3A_42] : memref<10240x128xf32, #tpu.memory_space<vmem_shared>> -> memref<64x128xf32, #tpu.memory_space<vmem_shared>>
      %dma_wait3A_44 = arith.constant 0 : i32
      %dma_wait3A_45 = tpu.memref_slice %arg12[%add3A_10, %dma_wait3A_44] : memref<10240x128xf32, #tpu.memory_space<vmem_shared>> -> memref<64x128xf32, #tpu.memory_space<vmem_shared>>
      %dma_wait3A_46 = arith.constant 0 : i32
      %dma_wait3A_47 = arith.constant 0 : i32
      %dma_wait3A_48 = tpu.memref_slice %arg11[%dma_wait3A_46, %dma_wait3A_47] : memref<288x128xf32, #tpu.memory_space<vmem>> -> memref<64x128xf32, #tpu.memory_space<vmem>>
      tpu.wait_dma2 semaphore(%run_scoped3A : memref<!tpu.dma_semaphore, #tpu.memory_space<semaphore_mem>>) src(%dma_wait3A_48 : memref<64x128xf32, #tpu.memory_space<vmem>>) dst(%dma_wait3A_45 : memref<64x128xf32, #tpu.memory_space<vmem_shared>>)
      tpu.yield
    }) : () -> ()
    %barrier3A = arith.constant 0 : index
    tpu.barrier barrier_id(%barrier3A)
    %mul3A_11 = arith.constant 16 : i32
    %mul3A_12 = arith.muli %arg0, %mul3A_11 : i32
    %add3A_13 = arith.addi %mul3A_12, %arg1 : i32
    %mul3A_14 = arith.constant 10368 : i32
    %mul3A_15 = arith.muli %add3A_13, %mul3A_14 : i32
    %scan3A_16 = arith.constant 0 : i32
    %scan3A_17 = arith.constant 0 : i32
    %scan3A_18 = arith.constant 36 : i32
    %scan3A_19 = arith.addi %scan3A_17, %scan3A_18 : i32
    %scan3A_20 = arith.constant 1 : i32
    %scan3A_21 = scf.for %scan3A_31 = %scan3A_17 to %scan3A_19 step %scan3A_20 iter_args(%scan3A_32 = %scan3A_16) -> (i32)  : i32 {
      %mul3A_33 = arith.constant 288 : i32
      %mul3A_34 = arith.muli %scan3A_31, %mul3A_33 : i32
      %add3A_35 = arith.addi %mul3A_15, %mul3A_34 : i32
      "tpu.region"() ({
        %run_scoped3A = tpu.sem_alloc : memref<!tpu.dma_semaphore, #tpu.memory_space<semaphore_mem>>
        %dma_start3A_54 = tpu.memref_slice %arg2[%add3A_35] : memref<331776xi32, #tpu.memory_space<hbm>> -> memref<288xi32, #tpu.memory_space<hbm>>
        %dma_start3A_55 = tpu.memref_slice %arg2[%add3A_35] : memref<331776xi32, #tpu.memory_space<hbm>> -> memref<288xi32, #tpu.memory_space<hbm>>
        tpu.enqueue_dma source(%dma_start3A_55 : memref<288xi32, #tpu.memory_space<hbm>>) target(%arg7 : memref<288xi32, #tpu.memory_space<vmem>>) target_semaphore(%run_scoped3A : memref<!tpu.dma_semaphore, #tpu.memory_space<semaphore_mem>>)
        %dma_wait3A_56 = tpu.memref_slice %arg2[%add3A_35] : memref<331776xi32, #tpu.memory_space<hbm>> -> memref<288xi32, #tpu.memory_space<hbm>>
        %dma_wait3A_57 = tpu.memref_slice %arg2[%add3A_35] : memref<331776xi32, #tpu.memory_space<hbm>> -> memref<288xi32, #tpu.memory_space<hbm>>
        tpu.wait_dma2 semaphore(%run_scoped3A : memref<!tpu.dma_semaphore, #tpu.memory_space<semaphore_mem>>) src(%dma_wait3A_57 : memref<288xi32, #tpu.memory_space<hbm>>) dst(%arg7 : memref<288xi32, #tpu.memory_space<vmem>>)
        tpu.yield
      }) : () -> ()
      "tpu.region"() ({
        %run_scoped3A = tpu.sem_alloc : memref<!tpu.dma_semaphore, #tpu.memory_space<semaphore_mem>>
        %dma_start3A_54 = tpu.memref_slice %arg3[%add3A_35] : memref<331776xi32, #tpu.memory_space<hbm>> -> memref<288xi32, #tpu.memory_space<hbm>>
        %dma_start3A_55 = tpu.memref_slice %arg3[%add3A_35] : memref<331776xi32, #tpu.memory_space<hbm>> -> memref<288xi32, #tpu.memory_space<hbm>>
        tpu.enqueue_dma source(%dma_start3A_55 : memref<288xi32, #tpu.memory_space<hbm>>) target(%arg8 : memref<288xi32, #tpu.memory_space<vmem>>) target_semaphore(%run_scoped3A : memref<!tpu.dma_semaphore, #tpu.memory_space<semaphore_mem>>)
        %dma_wait3A_56 = tpu.memref_slice %arg3[%add3A_35] : memref<331776xi32, #tpu.memory_space<hbm>> -> memref<288xi32, #tpu.memory_space<hbm>>
        %dma_wait3A_57 = tpu.memref_slice %arg3[%add3A_35] : memref<331776xi32, #tpu.memory_space<hbm>> -> memref<288xi32, #tpu.memory_space<hbm>>
        tpu.wait_dma2 semaphore(%run_scoped3A : memref<!tpu.dma_semaphore, #tpu.memory_space<semaphore_mem>>) src(%dma_wait3A_57 : memref<288xi32, #tpu.memory_space<hbm>>) dst(%arg8 : memref<288xi32, #tpu.memory_space<vmem>>)
        tpu.yield
      }) : () -> ()
      %mul3A_36 = arith.constant 2 : i32
      %mul3A_37 = arith.muli %add3A_35, %mul3A_36 : i32
      "tpu.region"() ({
        %run_scoped3A = tpu.sem_alloc : memref<!tpu.dma_semaphore, #tpu.memory_space<semaphore_mem>>
        %dma_start3A_54 = tpu.memref_slice %arg5[%mul3A_37] : memref<1327104xf32, #tpu.memory_space<hbm>> -> memref<576xf32, #tpu.memory_space<hbm>>
        %dma_start3A_55 = tpu.memref_slice %arg5[%mul3A_37] : memref<1327104xf32, #tpu.memory_space<hbm>> -> memref<576xf32, #tpu.memory_space<hbm>>
        tpu.enqueue_dma source(%dma_start3A_55 : memref<576xf32, #tpu.memory_space<hbm>>) target(%arg9 : memref<576xf32, #tpu.memory_space<vmem>>) target_semaphore(%run_scoped3A : memref<!tpu.dma_semaphore, #tpu.memory_space<semaphore_mem>>)
        %dma_wait3A_56 = tpu.memref_slice %arg5[%mul3A_37] : memref<1327104xf32, #tpu.memory_space<hbm>> -> memref<576xf32, #tpu.memory_space<hbm>>
        %dma_wait3A_57 = tpu.memref_slice %arg5[%mul3A_37] : memref<1327104xf32, #tpu.memory_space<hbm>> -> memref<576xf32, #tpu.memory_space<hbm>>
        tpu.wait_dma2 semaphore(%run_scoped3A : memref<!tpu.dma_semaphore, #tpu.memory_space<semaphore_mem>>) src(%dma_wait3A_57 : memref<576xf32, #tpu.memory_space<hbm>>) dst(%arg9 : memref<576xf32, #tpu.memory_space<vmem>>)
        tpu.yield
      }) : () -> ()
      %mul3A_38 = arith.constant 2 : i32
      %mul3A_39 = arith.muli %add3A_35, %mul3A_38 : i32
      %add3A_40 = arith.constant 663552 : i32
      %add3A_41 = arith.addi %add3A_40, %mul3A_39 : i32
      "tpu.region"() ({
        %run_scoped3A = tpu.sem_alloc : memref<!tpu.dma_semaphore, #tpu.memory_space<semaphore_mem>>
        %dma_start3A_54 = tpu.memref_slice %arg5[%add3A_41] : memref<1327104xf32, #tpu.memory_space<hbm>> -> memref<576xf32, #tpu.memory_space<hbm>>
        %dma_start3A_55 = tpu.memref_slice %arg5[%add3A_41] : memref<1327104xf32, #tpu.memory_space<hbm>> -> memref<576xf32, #tpu.memory_space<hbm>>
        tpu.enqueue_dma source(%dma_start3A_55 : memref<576xf32, #tpu.memory_space<hbm>>) target(%arg10 : memref<576xf32, #tpu.memory_space<vmem>>) target_semaphore(%run_scoped3A : memref<!tpu.dma_semaphore, #tpu.memory_space<semaphore_mem>>)
        %dma_wait3A_56 = tpu.memref_slice %arg5[%add3A_41] : memref<1327104xf32, #tpu.memory_space<hbm>> -> memref<576xf32, #tpu.memory_space<hbm>>
        %dma_wait3A_57 = tpu.memref_slice %arg5[%add3A_41] : memref<1327104xf32, #tpu.memory_space<hbm>> -> memref<576xf32, #tpu.memory_space<hbm>>
        tpu.wait_dma2 semaphore(%run_scoped3A : memref<!tpu.dma_semaphore, #tpu.memory_space<semaphore_mem>>) src(%dma_wait3A_57 : memref<576xf32, #tpu.memory_space<hbm>>) dst(%arg10 : memref<576xf32, #tpu.memory_space<vmem>>)
        tpu.yield
      }) : () -> ()
      %dma_start3A = arith.constant 0 : i32
      %dma_start3A_42 = arith.constant 0 : i32
      %dma_start3A_43 = tpu.memref_slice %arg4[%dma_start3A, %dma_start3A_42] : memref<10240x128xf32, #tpu.memory_space<hbm>> -> memref<10240x128xf32, #tpu.memory_space<hbm>>
      tpu.enqueue_indirect_dma source(%dma_start3A_43 : memref<10240x128xf32, #tpu.memory_space<hbm>>) target(%arg11 : memref<288x128xf32, #tpu.memory_space<vmem>>) offsets(%arg7 : memref<288xi32, #tpu.memory_space<vmem>>) semaphore(%arg13 : memref<!tpu.dma_semaphore, #tpu.memory_space<semaphore_mem>>)
      %dma_wait3A = arith.constant 0 : i32
      %dma_wait3A_44 = arith.constant 0 : i32
      %dma_wait3A_45 = tpu.memref_slice %arg4[%dma_wait3A, %dma_wait3A_44] : memref<10240x128xf32, #tpu.memory_space<hbm>> -> memref<10240x128xf32, #tpu.memory_space<hbm>>
      tpu.wait_indirect_dma semaphore(%arg13 : memref<!tpu.dma_semaphore, #tpu.memory_space<semaphore_mem>>) src(%dma_wait3A_45 : memref<10240x128xf32, #tpu.memory_space<hbm>>) dst(%arg11 : memref<288x128xf32, #tpu.memory_space<vmem>>)
      %scan3A_46 = arith.constant 0 : i32
      %scan3A_47 = arith.constant 0 : i32
      %scan3A_48 = arith.constant 288 : i32
      %scan3A_49 = arith.addi %scan3A_47, %scan3A_48 : i32
      %scan3A_50 = arith.constant 1 : i32
      %scan3A_51 = scf.for %scan3A_54 = %scan3A_47 to %scan3A_49 step %scan3A_50 iter_args(%scan3A_55 = %scan3A_46) -> (i32)  : i32 {
        %broadcast_in_dim3A_56 = arith.constant 0 : i32
        %broadcast_in_dim3A_57 = vector.broadcast %broadcast_in_dim3A_56 : i32 to vector<16xi32>
        %mul3A_58 = arith.constant 2 : i32
        %mul3A_59 = arith.muli %mul3A_58, %scan3A_54 : i32
        %add3A_60 = vector.broadcast %mul3A_59 : i32 to vector<16xi32>
        %add3A_61 = arith.addi %broadcast_in_dim3A_57, %add3A_60 : vector<16xi32>
        %gather3A = tpu.vector_load_idx %arg9[%add3A_61] : memref<576xf32, #tpu.memory_space<vmem>>[vector<16xi32>], vector<16xf32>,
        %add3A_62 = arith.constant 1 : i32
        %add3A_63 = vector.broadcast %add3A_62 : i32 to vector<16xi32>
        %add3A_64 = arith.addi %add3A_61, %add3A_63 : vector<16xi32>
        %gather3A_65 = tpu.vector_load_idx %arg9[%add3A_64] : memref<576xf32, #tpu.memory_space<vmem>>[vector<16xi32>], vector<16xf32>,
        %gather3A_66 = tpu.vector_load_idx %arg10[%add3A_61] : memref<576xf32, #tpu.memory_space<vmem>>[vector<16xi32>], vector<16xf32>,
        %add3A_67 = arith.constant 1 : i32
        %add3A_68 = vector.broadcast %add3A_67 : i32 to vector<16xi32>
        %add3A_69 = arith.addi %add3A_61, %add3A_68 : vector<16xi32>
        %gather3A_70 = tpu.vector_load_idx %arg10[%add3A_69] : memref<576xf32, #tpu.memory_space<vmem>>[vector<16xi32>], vector<16xf32>,
        %get3A = arith.index_cast %scan3A_54 : i32 to index
        %get3A_71 = arith.constant 0 : index
        %get3A_72 = tpu.vector_load %arg11[%get3A, %get3A_71] {strides = array<i32>} : memref<288x128xf32, #tpu.memory_space<vmem>>, vector<16xf32>,
        %mul3A_73 = arith.mulf %get3A_72, %gather3A : vector<16xf32>
        %swap3A = arith.index_cast %scan3A_54 : i32 to index
        %swap3A_74 = arith.constant 0 : index
        %swap3A_75 = tpu.vector_load %arg11[%swap3A, %swap3A_74] {strides = array<i32>} : memref<288x128xf32, #tpu.memory_space<vmem>>, vector<16xf32>,
        tpu.vector_store %arg11[%swap3A, %swap3A_74], %mul3A_73 {strides = array<i32>} : memref<288x128xf32, #tpu.memory_space<vmem>>, vector<16xf32>,
        %get3A_76 = arith.index_cast %scan3A_54 : i32 to index
        %get3A_77 = arith.constant 16 : index
        %get3A_78 = tpu.vector_load %arg11[%get3A_76, %get3A_77] {strides = array<i32>} : memref<288x128xf32, #tpu.memory_space<vmem>>, vector<16xf32>,
        %mul3A_79 = arith.mulf %get3A_78, %gather3A : vector<16xf32>
        %swap3A_80 = arith.index_cast %scan3A_54 : i32 to index
        %swap3A_81 = arith.constant 16 : index
        %swap3A_82 = tpu.vector_load %arg11[%swap3A_80, %swap3A_81] {strides = array<i32>} : memref<288x128xf32, #tpu.memory_space<vmem>>, vector<16xf32>,
        tpu.vector_store %arg11[%swap3A_80, %swap3A_81], %mul3A_79 {strides = array<i32>} : memref<288x128xf32, #tpu.memory_space<vmem>>, vector<16xf32>,
        %get3A_83 = arith.index_cast %scan3A_54 : i32 to index
        %get3A_84 = arith.constant 32 : index
        %get3A_85 = tpu.vector_load %arg11[%get3A_83, %get3A_84] {strides = array<i32>} : memref<288x128xf32, #tpu.memory_space<vmem>>, vector<16xf32>,
        %mul3A_86 = arith.mulf %get3A_85, %gather3A_65 : vector<16xf32>
        %swap3A_87 = arith.index_cast %scan3A_54 : i32 to index
        %swap3A_88 = arith.constant 32 : index
        %swap3A_89 = tpu.vector_load %arg11[%swap3A_87, %swap3A_88] {strides = array<i32>} : memref<288x128xf32, #tpu.memory_space<vmem>>, vector<16xf32>,
        tpu.vector_store %arg11[%swap3A_87, %swap3A_88], %mul3A_86 {strides = array<i32>} : memref<288x128xf32, #tpu.memory_space<vmem>>, vector<16xf32>,
        %get3A_90 = arith.index_cast %scan3A_54 : i32 to index
        %get3A_91 = arith.constant 48 : index
        %get3A_92 = tpu.vector_load %arg11[%get3A_90, %get3A_91] {strides = array<i32>} : memref<288x128xf32, #tpu.memory_space<vmem>>, vector<16xf32>,
        %mul3A_93 = arith.mulf %get3A_92, %gather3A_65 : vector<16xf32>
        %swap3A_94 = arith.index_cast %scan3A_54 : i32 to index
        %swap3A_95 = arith.constant 48 : index
        %swap3A_96 = tpu.vector_load %arg11[%swap3A_94, %swap3A_95] {strides = array<i32>} : memref<288x128xf32, #tpu.memory_space<vmem>>, vector<16xf32>,
        tpu.vector_store %arg11[%swap3A_94, %swap3A_95], %mul3A_93 {strides = array<i32>} : memref<288x128xf32, #tpu.memory_space<vmem>>, vector<16xf32>,
        %get3A_97 = arith.index_cast %scan3A_54 : i32 to index
        %get3A_98 = arith.constant 64 : index
        %get3A_99 = tpu.vector_load %arg11[%get3A_97, %get3A_98] {strides = array<i32>} : memref<288x128xf32, #tpu.memory_space<vmem>>, vector<16xf32>,
        %mul3A_100 = arith.mulf %get3A_99, %gather3A_66 : vector<16xf32>
        %swap3A_101 = arith.index_cast %scan3A_54 : i32 to index
        %swap3A_102 = arith.constant 64 : index
        %swap3A_103 = tpu.vector_load %arg11[%swap3A_101, %swap3A_102] {strides = array<i32>} : memref<288x128xf32, #tpu.memory_space<vmem>>, vector<16xf32>,
        tpu.vector_store %arg11[%swap3A_101, %swap3A_102], %mul3A_100 {strides = array<i32>} : memref<288x128xf32, #tpu.memory_space<vmem>>, vector<16xf32>,
        %get3A_104 = arith.index_cast %scan3A_54 : i32 to index
        %get3A_105 = arith.constant 80 : index
        %get3A_106 = tpu.vector_load %arg11[%get3A_104, %get3A_105] {strides = array<i32>} : memref<288x128xf32, #tpu.memory_space<vmem>>, vector<16xf32>,
        %mul3A_107 = arith.mulf %get3A_106, %gather3A_66 : vector<16xf32>
        %swap3A_108 = arith.index_cast %scan3A_54 : i32 to index
        %swap3A_109 = arith.constant 80 : index
        %swap3A_110 = tpu.vector_load %arg11[%swap3A_108, %swap3A_109] {strides = array<i32>} : memref<288x128xf32, #tpu.memory_space<vmem>>, vector<16xf32>,
        tpu.vector_store %arg11[%swap3A_108, %swap3A_109], %mul3A_107 {strides = array<i32>} : memref<288x128xf32, #tpu.memory_space<vmem>>, vector<16xf32>,
        %get3A_111 = arith.index_cast %scan3A_54 : i32 to index
        %get3A_112 = arith.constant 96 : index
        %get3A_113 = tpu.vector_load %arg11[%get3A_111, %get3A_112] {strides = array<i32>} : memref<288x128xf32, #tpu.memory_space<vmem>>, vector<16xf32>,
        %mul3A_114 = arith.mulf %get3A_113, %gather3A_70 : vector<16xf32>
        %swap3A_115 = arith.index_cast %scan3A_54 : i32 to index
        %swap3A_116 = arith.constant 96 : index
        %swap3A_117 = tpu.vector_load %arg11[%swap3A_115, %swap3A_116] {strides = array<i32>} : memref<288x128xf32, #tpu.memory_space<vmem>>, vector<16xf32>,
        tpu.vector_store %arg11[%swap3A_115, %swap3A_116], %mul3A_114 {strides = array<i32>} : memref<288x128xf32, #tpu.memory_space<vmem>>, vector<16xf32>,
        %get3A_118 = arith.index_cast %scan3A_54 : i32 to index
        %get3A_119 = arith.constant 112 : index
        %get3A_120 = tpu.vector_load %arg11[%get3A_118, %get3A_119] {strides = array<i32>} : memref<288x128xf32, #tpu.memory_space<vmem>>, vector<16xf32>,
        %mul3A_121 = arith.mulf %get3A_120, %gather3A_70 : vector<16xf32>
        %swap3A_122 = arith.index_cast %scan3A_54 : i32 to index
        %swap3A_123 = arith.constant 112 : index
        %swap3A_124 = tpu.vector_load %arg11[%swap3A_122, %swap3A_123] {strides = array<i32>} : memref<288x128xf32, #tpu.memory_space<vmem>>, vector<16xf32>,
        tpu.vector_store %arg11[%swap3A_122, %swap3A_123], %mul3A_121 {strides = array<i32>} : memref<288x128xf32, #tpu.memory_space<vmem>>, vector<16xf32>,
        %scan3A_125 = arith.constant 0 : i32
        scf.yield %scan3A_125 : i32
      }
      %scan3A_52 = arith.constant 288 : i32
      "tpu.region"() ({
        %run_scoped3A = tpu.sem_alloc : memref<!tpu.dma_semaphore, #tpu.memory_space<semaphore_mem>>
        %dma_start3A_54 = arith.constant 0 : i32
        %dma_start3A_55 = arith.constant 0 : i32
        %dma_start3A_56 = tpu.memref_slice %arg12[%dma_start3A_54, %dma_start3A_55] : memref<10240x128xf32, #tpu.memory_space<vmem_shared>> -> memref<10240x128xf32, #tpu.memory_space<vmem_shared>>
        tpu.enqueue_indirect_dma source(%arg11 : memref<288x128xf32, #tpu.memory_space<vmem>>) target(%dma_start3A_56 : memref<10240x128xf32, #tpu.memory_space<vmem_shared>>) offsets(%arg8 : memref<288xi32, #tpu.memory_space<vmem>>) semaphore(%run_scoped3A : memref<!tpu.dma_semaphore, #tpu.memory_space<semaphore_mem>>) {add = true}
        %dma_wait3A_57 = arith.constant 0 : i32
        %dma_wait3A_58 = arith.constant 0 : i32
        %dma_wait3A_59 = tpu.memref_slice %arg12[%dma_wait3A_57, %dma_wait3A_58] : memref<10240x128xf32, #tpu.memory_space<vmem_shared>> -> memref<10240x128xf32, #tpu.memory_space<vmem_shared>>
        tpu.wait_indirect_dma semaphore(%run_scoped3A : memref<!tpu.dma_semaphore, #tpu.memory_space<semaphore_mem>>) src(%arg11 : memref<288x128xf32, #tpu.memory_space<vmem>>) dst(%dma_wait3A_59 : memref<10240x128xf32, #tpu.memory_space<vmem_shared>>)
        tpu.yield
      }) : () -> ()
      %scan3A_53 = arith.constant 0 : i32
      scf.yield %scan3A_53 : i32
    }
    %scan3A_22 = arith.constant 36 : i32
    %barrier3A_23 = arith.constant 0 : index
    tpu.barrier barrier_id(%barrier3A_23)
    %scan3A_24 = arith.constant 0 : i32
    %scan3A_25 = arith.constant 0 : i32
    %scan3A_26 = arith.constant 10 : i32
    %scan3A_27 = arith.addi %scan3A_25, %scan3A_26 : i32
    %scan3A_28 = arith.constant 1 : i32
    %scan3A_29 = scf.for %scan3A_31 = %scan3A_25 to %scan3A_27 step %scan3A_28 iter_args(%scan3A_32 = %scan3A_24) -> (i32)  : i32 {
      %mul3A_33 = arith.constant 64 : i32
      %mul3A_34 = arith.muli %scan3A_31, %mul3A_33 : i32
      %add3A_35 = arith.addi %mul3A_0, %mul3A_34 : i32
      "tpu.region"() ({
        %run_scoped3A = tpu.sem_alloc : memref<!tpu.dma_semaphore, #tpu.memory_space<semaphore_mem>>
        %dma_start3A = arith.constant 0 : i32
        %dma_start3A_40 = arith.constant 0 : i32
        %dma_start3A_41 = tpu.memref_slice %arg11[%dma_start3A, %dma_start3A_40] : memref<288x128xf32, #tpu.memory_space<vmem>> -> memref<64x128xf32, #tpu.memory_space<vmem>>
        %dma_start3A_42 = arith.constant 0 : i32
        %dma_start3A_43 = tpu.memref_slice %arg12[%add3A_35, %dma_start3A_42] : memref<10240x128xf32, #tpu.memory_space<vmem_shared>> -> memref<64x128xf32, #tpu.memory_space<vmem_shared>>
        %dma_start3A_44 = arith.constant 0 : i32
        %dma_start3A_45 = arith.constant 0 : i32
        %dma_start3A_46 = tpu.memref_slice %arg11[%dma_start3A_44, %dma_start3A_45] : memref<288x128xf32, #tpu.memory_space<vmem>> -> memref<64x128xf32, #tpu.memory_space<vmem>>
        %dma_start3A_47 = arith.constant 0 : i32
        %dma_start3A_48 = tpu.memref_slice %arg12[%add3A_35, %dma_start3A_47] : memref<10240x128xf32, #tpu.memory_space<vmem_shared>> -> memref<64x128xf32, #tpu.memory_space<vmem_shared>>
        tpu.enqueue_dma source(%dma_start3A_48 : memref<64x128xf32, #tpu.memory_space<vmem_shared>>) target(%dma_start3A_46 : memref<64x128xf32, #tpu.memory_space<vmem>>) target_semaphore(%run_scoped3A : memref<!tpu.dma_semaphore, #tpu.memory_space<semaphore_mem>>)
        %dma_wait3A = arith.constant 0 : i32
        %dma_wait3A_49 = arith.constant 0 : i32
        %dma_wait3A_50 = tpu.memref_slice %arg11[%dma_wait3A, %dma_wait3A_49] : memref<288x128xf32, #tpu.memory_space<vmem>> -> memref<64x128xf32, #tpu.memory_space<vmem>>
        %dma_wait3A_51 = arith.constant 0 : i32
        %dma_wait3A_52 = tpu.memref_slice %arg12[%add3A_35, %dma_wait3A_51] : memref<10240x128xf32, #tpu.memory_space<vmem_shared>> -> memref<64x128xf32, #tpu.memory_space<vmem_shared>>
        %dma_wait3A_53 = arith.constant 0 : i32
        %dma_wait3A_54 = arith.constant 0 : i32
        %dma_wait3A_55 = tpu.memref_slice %arg11[%dma_wait3A_53, %dma_wait3A_54] : memref<288x128xf32, #tpu.memory_space<vmem>> -> memref<64x128xf32, #tpu.memory_space<vmem>>
        %dma_wait3A_56 = arith.constant 0 : i32
        %dma_wait3A_57 = tpu.memref_slice %arg12[%add3A_35, %dma_wait3A_56] : memref<10240x128xf32, #tpu.memory_space<vmem_shared>> -> memref<64x128xf32, #tpu.memory_space<vmem_shared>>
        tpu.wait_dma2 semaphore(%run_scoped3A : memref<!tpu.dma_semaphore, #tpu.memory_space<semaphore_mem>>) src(%dma_wait3A_57 : memref<64x128xf32, #tpu.memory_space<vmem_shared>>) dst(%dma_wait3A_55 : memref<64x128xf32, #tpu.memory_space<vmem>>)
        tpu.yield
      }) : () -> ()
      %mul3A_36 = arith.constant 10240 : i32
      %mul3A_37 = arith.muli %arg0, %mul3A_36 : i32
      %add3A_38 = arith.addi %mul3A_37, %add3A_35 : i32
      "tpu.region"() ({
        %run_scoped3A = tpu.sem_alloc : memref<!tpu.dma_semaphore, #tpu.memory_space<semaphore_mem>>
        %dma_start3A = arith.constant 0 : i32
        %dma_start3A_40 = arith.constant 0 : i32
        %dma_start3A_41 = tpu.memref_slice %arg11[%dma_start3A, %dma_start3A_40] : memref<288x128xf32, #tpu.memory_space<vmem>> -> memref<64x128xf32, #tpu.memory_space<vmem>>
        %dma_start3A_42 = arith.constant 0 : i32
        %dma_start3A_43 = tpu.memref_slice %arg6[%add3A_38, %dma_start3A_42] : memref<20480x128xf32, #tpu.memory_space<hbm>> -> memref<64x128xf32, #tpu.memory_space<hbm>>
        %dma_start3A_44 = arith.constant 0 : i32
        %dma_start3A_45 = tpu.memref_slice %arg6[%add3A_38, %dma_start3A_44] : memref<20480x128xf32, #tpu.memory_space<hbm>> -> memref<64x128xf32, #tpu.memory_space<hbm>>
        %dma_start3A_46 = arith.constant 0 : i32
        %dma_start3A_47 = arith.constant 0 : i32
        %dma_start3A_48 = tpu.memref_slice %arg11[%dma_start3A_46, %dma_start3A_47] : memref<288x128xf32, #tpu.memory_space<vmem>> -> memref<64x128xf32, #tpu.memory_space<vmem>>
        tpu.enqueue_dma source(%dma_start3A_48 : memref<64x128xf32, #tpu.memory_space<vmem>>) target(%dma_start3A_45 : memref<64x128xf32, #tpu.memory_space<hbm>>) target_semaphore(%run_scoped3A : memref<!tpu.dma_semaphore, #tpu.memory_space<semaphore_mem>>)
        %dma_wait3A = arith.constant 0 : i32
        %dma_wait3A_49 = arith.constant 0 : i32
        %dma_wait3A_50 = tpu.memref_slice %arg11[%dma_wait3A, %dma_wait3A_49] : memref<288x128xf32, #tpu.memory_space<vmem>> -> memref<64x128xf32, #tpu.memory_space<vmem>>
        %dma_wait3A_51 = arith.constant 0 : i32
        %dma_wait3A_52 = tpu.memref_slice %arg6[%add3A_38, %dma_wait3A_51] : memref<20480x128xf32, #tpu.memory_space<hbm>> -> memref<64x128xf32, #tpu.memory_space<hbm>>
        %dma_wait3A_53 = arith.constant 0 : i32
        %dma_wait3A_54 = tpu.memref_slice %arg6[%add3A_38, %dma_wait3A_53] : memref<20480x128xf32, #tpu.memory_space<hbm>> -> memref<64x128xf32, #tpu.memory_space<hbm>>
        %dma_wait3A_55 = arith.constant 0 : i32
        %dma_wait3A_56 = arith.constant 0 : i32
        %dma_wait3A_57 = tpu.memref_slice %arg11[%dma_wait3A_55, %dma_wait3A_56] : memref<288x128xf32, #tpu.memory_space<vmem>> -> memref<64x128xf32, #tpu.memory_space<vmem>>
        tpu.wait_dma2 semaphore(%run_scoped3A : memref<!tpu.dma_semaphore, #tpu.memory_space<semaphore_mem>>) src(%dma_wait3A_57 : memref<64x128xf32, #tpu.memory_space<vmem>>) dst(%dma_wait3A_54 : memref<64x128xf32, #tpu.memory_space<hbm>>)
        tpu.yield
      }) : () -> ()
      %scan3A_39 = arith.constant 0 : i32
      scf.yield %scan3A_39 : i32
    }
    %scan3A_30 = arith.constant 10 : i32
    return
  }
}

#map = affine_map<(d0, d1) -> (0)>
module attributes {stable_mosaic.version = 14 : i64} {
  func.func @body(%arg0: i32, %arg1: i32, %arg2: memref<331776xi32, #tpu.memory_space<hbm>>, %arg3: memref<331776xi32, #tpu.memory_space<hbm>>, %arg4: memref<40960xf32, #tpu.memory_space<hbm>>, %arg5: memref<40960xf32, #tpu.memory_space<hbm>>, %arg6: memref<1327104xf32, #tpu.memory_space<hbm>>, %arg7: memref<40960xf32, #tpu.memory_space<hbm>>, %arg8: memref<576xi32, #tpu.memory_space<vmem>>, %arg9: memref<576xi32, #tpu.memory_space<vmem>>, %arg10: memref<40960xf32, #tpu.memory_space<vmem>>, %arg11: memref<1152xf32, #tpu.memory_space<vmem>>, %arg12: memref<1152xi32, #tpu.memory_space<vmem>>, %arg13: memref<1280xf32, #tpu.memory_space<vmem>>, %arg14: memref<20480xf32, #tpu.memory_space<vmem_shared>>) attributes {dimension_semantics = [#tpu.dimension_semantics<core_parallel>, #tpu.dimension_semantics<subcore_parallel>], iteration_bounds = array<i64: 2, 16>, scalar_prefetch = 0 : i64, scratch_operands = 7 : i64, tpu.core_type = #tpu.core_type<sc_vector_subcore>, window_params = [{transform_indices = #map}, {transform_indices = #map}, {transform_indices = #map}, {transform_indices = #map}, {transform_indices = #map}, {transform_indices = #map}]} {
    %iota3A = tpu.iota {dimensions = array<i32: 0>} : vector<16xi32>
    %broadcast_in_dim3A = arith.constant 0.000000e+00 : f32
    %broadcast_in_dim3A_0 = vector.broadcast %broadcast_in_dim3A : f32 to vector<16xf32>
    %eq3A = arith.constant 0 : i32
    %eq3A_1 = arith.cmpi eq, %arg0, %eq3A : i32
    %convert_element_type3A = arith.extui %eq3A_1 : i1 to i32
    %cond3A = arith.constant 0 : i32
    %cond3A_2 = arith.cmpi ne, %convert_element_type3A, %cond3A : i32
    scf.if %cond3A_2 {
      "tpu.region"() ({
        %run_scoped3A = tpu.sem_alloc : memref<!tpu.dma_semaphore, #tpu.memory_space<semaphore_mem>>
        tpu.enqueue_dma source(%arg4 : memref<40960xf32, #tpu.memory_space<hbm>>) target(%arg10 : memref<40960xf32, #tpu.memory_space<vmem>>) target_semaphore(%run_scoped3A : memref<!tpu.dma_semaphore, #tpu.memory_space<semaphore_mem>>)
        tpu.wait_dma2 semaphore(%run_scoped3A : memref<!tpu.dma_semaphore, #tpu.memory_space<semaphore_mem>>) src(%arg4 : memref<40960xf32, #tpu.memory_space<hbm>>) dst(%arg10 : memref<40960xf32, #tpu.memory_space<vmem>>)
        tpu.yield
      }) : () -> ()
    } else {
    }
    %eq3A_3 = arith.constant 1 : i32
    %eq3A_4 = arith.cmpi eq, %arg0, %eq3A_3 : i32
    %convert_element_type3A_5 = arith.extui %eq3A_4 : i1 to i32
    %cond3A_6 = arith.constant 0 : i32
    %cond3A_7 = arith.cmpi ne, %convert_element_type3A_5, %cond3A_6 : i32
    scf.if %cond3A_7 {
      "tpu.region"() ({
        %run_scoped3A = tpu.sem_alloc : memref<!tpu.dma_semaphore, #tpu.memory_space<semaphore_mem>>
        tpu.enqueue_dma source(%arg5 : memref<40960xf32, #tpu.memory_space<hbm>>) target(%arg10 : memref<40960xf32, #tpu.memory_space<vmem>>) target_semaphore(%run_scoped3A : memref<!tpu.dma_semaphore, #tpu.memory_space<semaphore_mem>>)
        tpu.wait_dma2 semaphore(%run_scoped3A : memref<!tpu.dma_semaphore, #tpu.memory_space<semaphore_mem>>) src(%arg5 : memref<40960xf32, #tpu.memory_space<hbm>>) dst(%arg10 : memref<40960xf32, #tpu.memory_space<vmem>>)
        tpu.yield
      }) : () -> ()
    } else {
    }
    %scan3A = arith.constant 0 : i32
    %scan3A_8 = arith.constant 0 : i32
    %scan3A_9 = arith.constant 80 : i32
    %scan3A_10 = arith.addi %scan3A_8, %scan3A_9 : i32
    %scan3A_11 = arith.constant 1 : i32
    %scan3A_12 = scf.for %scan3A_31 = %scan3A_8 to %scan3A_10 step %scan3A_11 iter_args(%scan3A_32 = %scan3A) -> (i32)  : i32 {
      %mul3A_33 = arith.constant 16 : i32
      %mul3A_34 = arith.muli %mul3A_33, %scan3A_31 : i32
      %swap3A = arith.index_cast %mul3A_34 : i32 to index
      %swap3A_35 = tpu.vector_load %arg13[%swap3A] {strides = array<i32>} : memref<1280xf32, #tpu.memory_space<vmem>>, vector<16xf32>,
      tpu.vector_store %arg13[%swap3A], %broadcast_in_dim3A_0 {strides = array<i32>} : memref<1280xf32, #tpu.memory_space<vmem>>, vector<16xf32>,
      %scan3A_36 = arith.constant 0 : i32
      scf.yield %scan3A_36 : i32
    }
    %scan3A_13 = arith.constant 80 : i32
    %mul3A = arith.constant 1280 : i32
    %mul3A_14 = arith.muli %arg1, %mul3A : i32
    "tpu.region"() ({
      %run_scoped3A = tpu.sem_alloc : memref<!tpu.dma_semaphore, #tpu.memory_space<semaphore_mem>>
      %dma_start3A = tpu.memref_slice %arg14[%mul3A_14] : memref<20480xf32, #tpu.memory_space<vmem_shared>> -> memref<1280xf32, #tpu.memory_space<vmem_shared>>
      %dma_start3A_31 = tpu.memref_slice %arg14[%mul3A_14] : memref<20480xf32, #tpu.memory_space<vmem_shared>> -> memref<1280xf32, #tpu.memory_space<vmem_shared>>
      tpu.enqueue_dma source(%arg13 : memref<1280xf32, #tpu.memory_space<vmem>>) target(%dma_start3A_31 : memref<1280xf32, #tpu.memory_space<vmem_shared>>) target_semaphore(%run_scoped3A : memref<!tpu.dma_semaphore, #tpu.memory_space<semaphore_mem>>)
      %dma_wait3A = tpu.memref_slice %arg14[%mul3A_14] : memref<20480xf32, #tpu.memory_space<vmem_shared>> -> memref<1280xf32, #tpu.memory_space<vmem_shared>>
      %dma_wait3A_32 = tpu.memref_slice %arg14[%mul3A_14] : memref<20480xf32, #tpu.memory_space<vmem_shared>> -> memref<1280xf32, #tpu.memory_space<vmem_shared>>
      tpu.wait_dma2 semaphore(%run_scoped3A : memref<!tpu.dma_semaphore, #tpu.memory_space<semaphore_mem>>) src(%arg13 : memref<1280xf32, #tpu.memory_space<vmem>>) dst(%dma_wait3A_32 : memref<1280xf32, #tpu.memory_space<vmem_shared>>)
      tpu.yield
    }) : () -> ()
    %barrier3A = arith.constant 0 : index
    tpu.barrier barrier_id(%barrier3A)
    %mul3A_15 = arith.constant 20736 : i32
    %mul3A_16 = arith.muli %arg1, %mul3A_15 : i32
    %scan3A_17 = arith.constant 0 : i32
    %scan3A_18 = arith.constant 0 : i32
    %scan3A_19 = arith.constant 36 : i32
    %scan3A_20 = arith.addi %scan3A_18, %scan3A_19 : i32
    %scan3A_21 = arith.constant 1 : i32
    %scan3A_22 = scf.for %scan3A_31 = %scan3A_18 to %scan3A_20 step %scan3A_21 iter_args(%scan3A_32 = %scan3A_17) -> (i32)  : i32 {
      %mul3A_33 = arith.constant 576 : i32
      %mul3A_34 = arith.muli %scan3A_31, %mul3A_33 : i32
      %add3A_35 = arith.addi %mul3A_16, %mul3A_34 : i32
      "tpu.region"() ({
        %run_scoped3A = tpu.sem_alloc : memref<!tpu.dma_semaphore, #tpu.memory_space<semaphore_mem>>
        %dma_start3A = tpu.memref_slice %arg2[%add3A_35] : memref<331776xi32, #tpu.memory_space<hbm>> -> memref<576xi32, #tpu.memory_space<hbm>>
        %dma_start3A_49 = tpu.memref_slice %arg2[%add3A_35] : memref<331776xi32, #tpu.memory_space<hbm>> -> memref<576xi32, #tpu.memory_space<hbm>>
        tpu.enqueue_dma source(%dma_start3A_49 : memref<576xi32, #tpu.memory_space<hbm>>) target(%arg8 : memref<576xi32, #tpu.memory_space<vmem>>) target_semaphore(%run_scoped3A : memref<!tpu.dma_semaphore, #tpu.memory_space<semaphore_mem>>)
        %dma_wait3A = tpu.memref_slice %arg2[%add3A_35] : memref<331776xi32, #tpu.memory_space<hbm>> -> memref<576xi32, #tpu.memory_space<hbm>>
        %dma_wait3A_50 = tpu.memref_slice %arg2[%add3A_35] : memref<331776xi32, #tpu.memory_space<hbm>> -> memref<576xi32, #tpu.memory_space<hbm>>
        tpu.wait_dma2 semaphore(%run_scoped3A : memref<!tpu.dma_semaphore, #tpu.memory_space<semaphore_mem>>) src(%dma_wait3A_50 : memref<576xi32, #tpu.memory_space<hbm>>) dst(%arg8 : memref<576xi32, #tpu.memory_space<vmem>>)
        tpu.yield
      }) : () -> ()
      "tpu.region"() ({
        %run_scoped3A = tpu.sem_alloc : memref<!tpu.dma_semaphore, #tpu.memory_space<semaphore_mem>>
        %dma_start3A = tpu.memref_slice %arg3[%add3A_35] : memref<331776xi32, #tpu.memory_space<hbm>> -> memref<576xi32, #tpu.memory_space<hbm>>
        %dma_start3A_49 = tpu.memref_slice %arg3[%add3A_35] : memref<331776xi32, #tpu.memory_space<hbm>> -> memref<576xi32, #tpu.memory_space<hbm>>
        tpu.enqueue_dma source(%dma_start3A_49 : memref<576xi32, #tpu.memory_space<hbm>>) target(%arg9 : memref<576xi32, #tpu.memory_space<vmem>>) target_semaphore(%run_scoped3A : memref<!tpu.dma_semaphore, #tpu.memory_space<semaphore_mem>>)
        %dma_wait3A = tpu.memref_slice %arg3[%add3A_35] : memref<331776xi32, #tpu.memory_space<hbm>> -> memref<576xi32, #tpu.memory_space<hbm>>
        %dma_wait3A_50 = tpu.memref_slice %arg3[%add3A_35] : memref<331776xi32, #tpu.memory_space<hbm>> -> memref<576xi32, #tpu.memory_space<hbm>>
        tpu.wait_dma2 semaphore(%run_scoped3A : memref<!tpu.dma_semaphore, #tpu.memory_space<semaphore_mem>>) src(%dma_wait3A_50 : memref<576xi32, #tpu.memory_space<hbm>>) dst(%arg9 : memref<576xi32, #tpu.memory_space<vmem>>)
        tpu.yield
      }) : () -> ()
      %scan3A_36 = arith.constant 0 : i32
      %scan3A_37 = arith.constant 0 : i32
      %scan3A_38 = arith.constant 36 : i32
      %scan3A_39 = arith.addi %scan3A_37, %scan3A_38 : i32
      %scan3A_40 = arith.constant 1 : i32
      %scan3A_41 = scf.for %scan3A_49 = %scan3A_37 to %scan3A_39 step %scan3A_40 iter_args(%scan3A_50 = %scan3A_36) -> (i32)  : i32 {
        %mul3A_51 = arith.constant 16 : i32
        %mul3A_52 = arith.muli %mul3A_51, %scan3A_49 : i32
        %get3A = arith.index_cast %mul3A_52 : i32 to index
        %get3A_53 = tpu.vector_load %arg8[%get3A] {strides = array<i32>} : memref<576xi32, #tpu.memory_space<vmem>>, vector<16xi32>,
        %get3A_54 = arith.index_cast %mul3A_52 : i32 to index
        %get3A_55 = tpu.vector_load %arg9[%get3A_54] {strides = array<i32>} : memref<576xi32, #tpu.memory_space<vmem>>, vector<16xi32>,
        %mul3A_56 = arith.constant 4 : i32
        %mul3A_57 = vector.broadcast %mul3A_56 : i32 to vector<16xi32>
        %mul3A_58 = arith.muli %get3A_53, %mul3A_57 : vector<16xi32>
        %mul3A_59 = arith.constant 4 : i32
        %mul3A_60 = vector.broadcast %mul3A_59 : i32 to vector<16xi32>
        %mul3A_61 = arith.muli %get3A_55, %mul3A_60 : vector<16xi32>
        %gather3A = tpu.vector_load_idx %arg10[%mul3A_58] : memref<40960xf32, #tpu.memory_space<vmem>>[vector<16xi32>], vector<16xf32>,
        %add3A_62 = arith.constant 1 : i32
        %add3A_63 = vector.broadcast %add3A_62 : i32 to vector<16xi32>
        %add3A_64 = arith.addi %mul3A_58, %add3A_63 : vector<16xi32>
        %gather3A_65 = tpu.vector_load_idx %arg10[%add3A_64] : memref<40960xf32, #tpu.memory_space<vmem>>[vector<16xi32>], vector<16xf32>,
        %add3A_66 = arith.constant 2 : i32
        %add3A_67 = vector.broadcast %add3A_66 : i32 to vector<16xi32>
        %add3A_68 = arith.addi %mul3A_61, %add3A_67 : vector<16xi32>
        %gather3A_69 = tpu.vector_load_idx %arg10[%add3A_68] : memref<40960xf32, #tpu.memory_space<vmem>>[vector<16xi32>], vector<16xf32>,
        %add3A_70 = arith.constant 3 : i32
        %add3A_71 = vector.broadcast %add3A_70 : i32 to vector<16xi32>
        %add3A_72 = arith.addi %mul3A_61, %add3A_71 : vector<16xi32>
        %gather3A_73 = tpu.vector_load_idx %arg10[%add3A_72] : memref<40960xf32, #tpu.memory_space<vmem>>[vector<16xi32>], vector<16xf32>,
        %add3A_74 = arith.addf %gather3A, %gather3A_69 : vector<16xf32>
        %add3A_75 = arith.addf %gather3A_65, %gather3A_73 : vector<16xf32>
        %mul3A_76 = arith.constant 2.000000e-01 : f32
        %mul3A_77 = vector.broadcast %mul3A_76 : f32 to vector<16xf32>
        %mul3A_78 = arith.mulf %mul3A_77, %add3A_74 : vector<16xf32>
        %max3A = arith.maximumf %add3A_74, %mul3A_78 : vector<16xf32>
        %exp3A = math.exp %max3A : vector<16xf32>
        %mul3A_79 = arith.constant 2.000000e-01 : f32
        %mul3A_80 = vector.broadcast %mul3A_79 : f32 to vector<16xf32>
        %mul3A_81 = arith.mulf %mul3A_80, %add3A_75 : vector<16xf32>
        %max3A_82 = arith.maximumf %add3A_75, %mul3A_81 : vector<16xf32>
        %exp3A_83 = math.exp %max3A_82 : vector<16xf32>
        %mul3A_84 = arith.constant 2 : i32
        %mul3A_85 = vector.broadcast %mul3A_84 : i32 to vector<16xi32>
        %mul3A_86 = arith.muli %iota3A, %mul3A_85 : vector<16xi32>
        %mul3A_87 = arith.constant 32 : i32
        %mul3A_88 = arith.muli %mul3A_87, %scan3A_49 : i32
        %add3A_89 = vector.broadcast %mul3A_88 : i32 to vector<16xi32>
        %add3A_90 = arith.addi %mul3A_86, %add3A_89 : vector<16xi32>
        %mul3A_91 = arith.constant 2 : i32
        %mul3A_92 = vector.broadcast %mul3A_91 : i32 to vector<16xi32>
        %mul3A_93 = arith.muli %get3A_55, %mul3A_92 : vector<16xi32>
        tpu.vector_store_idx %arg11[%add3A_90], %exp3A : memref<1152xf32, #tpu.memory_space<vmem>>[vector<16xi32>], vector<16xf32>,
        %add3A_94 = arith.constant 1 : i32
        %add3A_95 = vector.broadcast %add3A_94 : i32 to vector<16xi32>
        %add3A_96 = arith.addi %add3A_90, %add3A_95 : vector<16xi32>
        tpu.vector_store_idx %arg11[%add3A_96], %exp3A_83 : memref<1152xf32, #tpu.memory_space<vmem>>[vector<16xi32>], vector<16xf32>,
        tpu.vector_store_idx %arg12[%add3A_90], %mul3A_93 : memref<1152xi32, #tpu.memory_space<vmem>>[vector<16xi32>], vector<16xi32>,
        %add3A_97 = arith.constant 1 : i32
        %add3A_98 = vector.broadcast %add3A_97 : i32 to vector<16xi32>
        %add3A_99 = arith.addi %add3A_90, %add3A_98 : vector<16xi32>
        %add3A_100 = arith.constant 1 : i32
        %add3A_101 = vector.broadcast %add3A_100 : i32 to vector<16xi32>
        %add3A_102 = arith.addi %mul3A_93, %add3A_101 : vector<16xi32>
        tpu.vector_store_idx %arg12[%add3A_99], %add3A_102 : memref<1152xi32, #tpu.memory_space<vmem>>[vector<16xi32>], vector<16xi32>,
        %scan3A_103 = arith.constant 0 : i32
        scf.yield %scan3A_103 : i32
      }
      %scan3A_42 = arith.constant 36 : i32
      "tpu.region"() ({
        %run_scoped3A = tpu.sem_alloc : memref<!tpu.dma_semaphore, #tpu.memory_space<semaphore_mem>>
        %dma_start3A = arith.constant 0 : i32
        %dma_start3A_49 = tpu.memref_slice %arg14[%dma_start3A] : memref<20480xf32, #tpu.memory_space<vmem_shared>> -> memref<20480xf32, #tpu.memory_space<vmem_shared>>
        tpu.enqueue_indirect_dma source(%arg11 : memref<1152xf32, #tpu.memory_space<vmem>>) target(%dma_start3A_49 : memref<20480xf32, #tpu.memory_space<vmem_shared>>) offsets(%arg12 : memref<1152xi32, #tpu.memory_space<vmem>>) semaphore(%run_scoped3A : memref<!tpu.dma_semaphore, #tpu.memory_space<semaphore_mem>>) {add = true}
        %dma_wait3A = arith.constant 0 : i32
        %dma_wait3A_50 = tpu.memref_slice %arg14[%dma_wait3A] : memref<20480xf32, #tpu.memory_space<vmem_shared>> -> memref<20480xf32, #tpu.memory_space<vmem_shared>>
        tpu.wait_indirect_dma semaphore(%run_scoped3A : memref<!tpu.dma_semaphore, #tpu.memory_space<semaphore_mem>>) src(%arg11 : memref<1152xf32, #tpu.memory_space<vmem>>) dst(%dma_wait3A_50 : memref<20480xf32, #tpu.memory_space<vmem_shared>>)
        tpu.yield
      }) : () -> ()
      %mul3A_43 = arith.constant 663552 : i32
      %mul3A_44 = arith.muli %arg0, %mul3A_43 : i32
      %mul3A_45 = arith.constant 2 : i32
      %mul3A_46 = arith.muli %add3A_35, %mul3A_45 : i32
      %add3A_47 = arith.addi %mul3A_44, %mul3A_46 : i32
      "tpu.region"() ({
        %run_scoped3A = tpu.sem_alloc : memref<!tpu.dma_semaphore, #tpu.memory_space<semaphore_mem>>
        %dma_start3A = tpu.memref_slice %arg6[%add3A_47] : memref<1327104xf32, #tpu.memory_space<hbm>> -> memref<1152xf32, #tpu.memory_space<hbm>>
        %dma_start3A_49 = tpu.memref_slice %arg6[%add3A_47] : memref<1327104xf32, #tpu.memory_space<hbm>> -> memref<1152xf32, #tpu.memory_space<hbm>>
        tpu.enqueue_dma source(%arg11 : memref<1152xf32, #tpu.memory_space<vmem>>) target(%dma_start3A_49 : memref<1152xf32, #tpu.memory_space<hbm>>) target_semaphore(%run_scoped3A : memref<!tpu.dma_semaphore, #tpu.memory_space<semaphore_mem>>)
        %dma_wait3A = tpu.memref_slice %arg6[%add3A_47] : memref<1327104xf32, #tpu.memory_space<hbm>> -> memref<1152xf32, #tpu.memory_space<hbm>>
        %dma_wait3A_50 = tpu.memref_slice %arg6[%add3A_47] : memref<1327104xf32, #tpu.memory_space<hbm>> -> memref<1152xf32, #tpu.memory_space<hbm>>
        tpu.wait_dma2 semaphore(%run_scoped3A : memref<!tpu.dma_semaphore, #tpu.memory_space<semaphore_mem>>) src(%arg11 : memref<1152xf32, #tpu.memory_space<vmem>>) dst(%dma_wait3A_50 : memref<1152xf32, #tpu.memory_space<hbm>>)
        tpu.yield
      }) : () -> ()
      %scan3A_48 = arith.constant 0 : i32
      scf.yield %scan3A_48 : i32
    }
    %scan3A_23 = arith.constant 36 : i32
    %barrier3A_24 = arith.constant 0 : index
    tpu.barrier barrier_id(%barrier3A_24)
    %mul3A_25 = arith.constant 1280 : i32
    %mul3A_26 = arith.muli %arg1, %mul3A_25 : i32
    "tpu.region"() ({
      %run_scoped3A = tpu.sem_alloc : memref<!tpu.dma_semaphore, #tpu.memory_space<semaphore_mem>>
      %dma_start3A = tpu.memref_slice %arg14[%mul3A_26] : memref<20480xf32, #tpu.memory_space<vmem_shared>> -> memref<1280xf32, #tpu.memory_space<vmem_shared>>
      %dma_start3A_31 = tpu.memref_slice %arg14[%mul3A_26] : memref<20480xf32, #tpu.memory_space<vmem_shared>> -> memref<1280xf32, #tpu.memory_space<vmem_shared>>
      tpu.enqueue_dma source(%dma_start3A_31 : memref<1280xf32, #tpu.memory_space<vmem_shared>>) target(%arg13 : memref<1280xf32, #tpu.memory_space<vmem>>) target_semaphore(%run_scoped3A : memref<!tpu.dma_semaphore, #tpu.memory_space<semaphore_mem>>)
      %dma_wait3A = tpu.memref_slice %arg14[%mul3A_26] : memref<20480xf32, #tpu.memory_space<vmem_shared>> -> memref<1280xf32, #tpu.memory_space<vmem_shared>>
      %dma_wait3A_32 = tpu.memref_slice %arg14[%mul3A_26] : memref<20480xf32, #tpu.memory_space<vmem_shared>> -> memref<1280xf32, #tpu.memory_space<vmem_shared>>
      tpu.wait_dma2 semaphore(%run_scoped3A : memref<!tpu.dma_semaphore, #tpu.memory_space<semaphore_mem>>) src(%dma_wait3A_32 : memref<1280xf32, #tpu.memory_space<vmem_shared>>) dst(%arg13 : memref<1280xf32, #tpu.memory_space<vmem>>)
      tpu.yield
    }) : () -> ()
    %mul3A_27 = arith.constant 20480 : i32
    %mul3A_28 = arith.muli %arg0, %mul3A_27 : i32
    %mul3A_29 = arith.constant 1280 : i32
    %mul3A_30 = arith.muli %arg1, %mul3A_29 : i32
    %add3A = arith.addi %mul3A_28, %mul3A_30 : i32
    "tpu.region"() ({
      %run_scoped3A = tpu.sem_alloc : memref<!tpu.dma_semaphore, #tpu.memory_space<semaphore_mem>>
      %dma_start3A = tpu.memref_slice %arg7[%add3A] : memref<40960xf32, #tpu.memory_space<hbm>> -> memref<1280xf32, #tpu.memory_space<hbm>>
      %dma_start3A_31 = tpu.memref_slice %arg7[%add3A] : memref<40960xf32, #tpu.memory_space<hbm>> -> memref<1280xf32, #tpu.memory_space<hbm>>
      tpu.enqueue_dma source(%arg13 : memref<1280xf32, #tpu.memory_space<vmem>>) target(%dma_start3A_31 : memref<1280xf32, #tpu.memory_space<hbm>>) target_semaphore(%run_scoped3A : memref<!tpu.dma_semaphore, #tpu.memory_space<semaphore_mem>>)
      %dma_wait3A = tpu.memref_slice %arg7[%add3A] : memref<40960xf32, #tpu.memory_space<hbm>> -> memref<1280xf32, #tpu.memory_space<hbm>>
      %dma_wait3A_32 = tpu.memref_slice %arg7[%add3A] : memref<40960xf32, #tpu.memory_space<hbm>> -> memref<1280xf32, #tpu.memory_space<hbm>>
      tpu.wait_dma2 semaphore(%run_scoped3A : memref<!tpu.dma_semaphore, #tpu.memory_space<semaphore_mem>>) src(%arg13 : memref<1280xf32, #tpu.memory_space<vmem>>) dst(%dma_wait3A_32 : memref<1280xf32, #tpu.memory_space<hbm>>)
      tpu.yield
    }) : () -> ()
    return
  }
}

module attributes {stable_mosaic.version = 14 : i64} {
  func.func @_tc1_body(%arg0: i32, %arg1: memref<1024x128xf32, #tpu.memory_space<vmem>>, %arg2: memref<128x256xf32, #tpu.memory_space<vmem>>, %arg3: memref<128x128xf32, #tpu.memory_space<vmem>>, %arg4: memref<256x4xf32, #tpu.memory_space<vmem>>, %arg5: memref<256x4xf32, #tpu.memory_space<vmem>>, %arg6: memref<1x128xf32, #tpu.memory_space<vmem>>, %arg7: memref<1024x128xf32, #tpu.memory_space<vmem>>, %arg8: memref<1024x128xf32, #tpu.memory_space<vmem>>, %arg9: memref<1024x4xf32, #tpu.memory_space<vmem>>, %arg10: memref<1024x4xf32, #tpu.memory_space<vmem>>, %arg11: memref<1024x128xf32, #tpu.memory_space<vmem>>) attributes {dimension_semantics = [#tpu.dimension_semantics<arbitrary>], iteration_bounds = array<i64: 10>, scalar_prefetch = 0 : i64, scratch_operands = 0 : i64, tpu.core_type = #tpu.core_type<tc>, window_params = [{transform_indices = @transform_0, window_bounds = array<i64: 1024, 128>}, {pipeline_mode = #tpu.pipeline_mode<synchronous>, transform_indices = @transform_1, window_bounds = array<i64: 128, 256>}, {pipeline_mode = #tpu.pipeline_mode<synchronous>, transform_indices = @transform_2, window_bounds = array<i64: 128, 128>}, {pipeline_mode = #tpu.pipeline_mode<synchronous>, transform_indices = @transform_3, window_bounds = array<i64: 256, 4>}, {pipeline_mode = #tpu.pipeline_mode<synchronous>, transform_indices = @transform_4, window_bounds = array<i64: 256, 4>}, {pipeline_mode = #tpu.pipeline_mode<synchronous>, transform_indices = @transform_5, window_bounds = array<i64: 1, 128>}, {transform_indices = @transform_6, window_bounds = array<i64: 1024, 128>}, {transform_indices = @transform_7, window_bounds = array<i64: 1024, 128>}, {transform_indices = @transform_8, window_bounds = array<i64: 1024, 4>}, {transform_indices = @transform_9, window_bounds = array<i64: 1024, 4>}, {transform_indices = @transform_10, window_bounds = array<i64: 1024, 128>}]} {
    %get3A = arith.constant 0 : index
    %get3A_0 = arith.constant 0 : index
    %get3A_1 = vector.load %arg1[%get3A, %get3A_0] : memref<1024x128xf32, #tpu.memory_space<vmem>>, vector<1024x128xf32>
    %get3A_2 = arith.constant 0 : index
    %get3A_3 = arith.constant 0 : index
    %get3A_4 = vector.load %arg2[%get3A_2, %get3A_3] : memref<128x256xf32, #tpu.memory_space<vmem>>, vector<128x256xf32>
    %dot_general3A = arith.constant dense<0.000000e+00> : vector<1024x256xf32>
    %dot_general3A_5 = tpu.matmul %get3A_1, %get3A_4, %dot_general3A {dimension_numbers = #tpu.dot_dimension_numbers<[1], [0], [0], [1], [0, 0, 1, 1], [], []>, transpose_lhs_hint = false} : vector<1024x128xf32>, vector<128x256xf32>, vector<1024x256xf32> -> vector<1024x256xf32>
    %slice3A = vector.extract_strided_slice %dot_general3A_5 {offsets = [0, 0], sizes = [1024, 128], strides = [1, 1]} : vector<1024x256xf32> to vector<1024x128xf32>
    %swap3A = arith.constant 0 : index
    %swap3A_6 = arith.constant 0 : index
    %swap3A_7 = vector.load %arg7[%swap3A, %swap3A_6] : memref<1024x128xf32, #tpu.memory_space<vmem>>, vector<1024x128xf32>
    tpu.vector_store %arg7[%swap3A, %swap3A_6], %slice3A {strides = array<i32>} : memref<1024x128xf32, #tpu.memory_space<vmem>>, vector<1024x128xf32>,
    %slice3A_8 = vector.extract_strided_slice %dot_general3A_5 {offsets = [0, 128], sizes = [1024, 128], strides = [1, 1]} : vector<1024x256xf32> to vector<1024x128xf32>
    %swap3A_9 = arith.constant 0 : index
    %swap3A_10 = arith.constant 0 : index
    %swap3A_11 = vector.load %arg8[%swap3A_9, %swap3A_10] : memref<1024x128xf32, #tpu.memory_space<vmem>>, vector<1024x128xf32>
    tpu.vector_store %arg8[%swap3A_9, %swap3A_10], %slice3A_8 {strides = array<i32>} : memref<1024x128xf32, #tpu.memory_space<vmem>>, vector<1024x128xf32>,
    %get3A_12 = arith.constant 0 : index
    %get3A_13 = arith.constant 0 : index
    %get3A_14 = vector.load %arg4[%get3A_12, %get3A_13] : memref<256x4xf32, #tpu.memory_space<vmem>>, vector<256x4xf32>
    %dot_general3A_15 = arith.constant dense<0.000000e+00> : vector<1024x4xf32>
    %dot_general3A_16 = tpu.matmul %dot_general3A_5, %get3A_14, %dot_general3A_15 {dimension_numbers = #tpu.dot_dimension_numbers<[1], [0], [0], [1], [0, 0, 1, 1], [], []>, transpose_lhs_hint = false} : vector<1024x256xf32>, vector<256x4xf32>, vector<1024x4xf32> -> vector<1024x4xf32>
    %swap3A_17 = arith.constant 0 : index
    %swap3A_18 = arith.constant 0 : index
    %swap3A_19 = vector.load %arg9[%swap3A_17, %swap3A_18] : memref<1024x4xf32, #tpu.memory_space<vmem>>, vector<1024x4xf32>
    tpu.vector_store %arg9[%swap3A_17, %swap3A_18], %dot_general3A_16 {strides = array<i32>} : memref<1024x4xf32, #tpu.memory_space<vmem>>, vector<1024x4xf32>,
    %get3A_20 = arith.constant 0 : index
    %get3A_21 = arith.constant 0 : index
    %get3A_22 = vector.load %arg5[%get3A_20, %get3A_21] : memref<256x4xf32, #tpu.memory_space<vmem>>, vector<256x4xf32>
    %dot_general3A_23 = arith.constant dense<0.000000e+00> : vector<1024x4xf32>
    %dot_general3A_24 = tpu.matmul %dot_general3A_5, %get3A_22, %dot_general3A_23 {dimension_numbers = #tpu.dot_dimension_numbers<[1], [0], [0], [1], [0, 0, 1, 1], [], []>, transpose_lhs_hint = false} : vector<1024x256xf32>, vector<256x4xf32>, vector<1024x4xf32> -> vector<1024x4xf32>
    %swap3A_25 = arith.constant 0 : index
    %swap3A_26 = arith.constant 0 : index
    %swap3A_27 = vector.load %arg10[%swap3A_25, %swap3A_26] : memref<1024x4xf32, #tpu.memory_space<vmem>>, vector<1024x4xf32>
    tpu.vector_store %arg10[%swap3A_25, %swap3A_26], %dot_general3A_24 {strides = array<i32>} : memref<1024x4xf32, #tpu.memory_space<vmem>>, vector<1024x4xf32>,
    %get3A_28 = arith.constant 0 : index
    %get3A_29 = arith.constant 0 : index
    %get3A_30 = vector.load %arg3[%get3A_28, %get3A_29] : memref<128x128xf32, #tpu.memory_space<vmem>>, vector<128x128xf32>
    %dot_general3A_31 = arith.constant dense<0.000000e+00> : vector<1024x128xf32>
    %dot_general3A_32 = tpu.matmul %get3A_1, %get3A_30, %dot_general3A_31 {dimension_numbers = #tpu.dot_dimension_numbers<[1], [0], [0], [1], [0, 0, 1, 1], [], []>, transpose_lhs_hint = false} : vector<1024x128xf32>, vector<128x128xf32>, vector<1024x128xf32> -> vector<1024x128xf32>
    %get3A_33 = arith.constant 0 : index
    %get3A_34 = arith.constant 0 : index
    %get3A_35 = vector.load %arg6[%get3A_33, %get3A_34] : memref<1x128xf32, #tpu.memory_space<vmem>>, vector<1x128xf32>
    %add3A = vector.broadcast %get3A_35 : vector<1x128xf32> to vector<1024x128xf32>
    %add3A_36 = arith.addf %dot_general3A_32, %add3A : vector<1024x128xf32>
    %swap3A_37 = arith.constant 0 : index
    %swap3A_38 = arith.constant 0 : index
    %swap3A_39 = vector.load %arg11[%swap3A_37, %swap3A_38] : memref<1024x128xf32, #tpu.memory_space<vmem>>, vector<1024x128xf32>
    tpu.vector_store %arg11[%swap3A_37, %swap3A_38], %add3A_36 {strides = array<i32>} : memref<1024x128xf32, #tpu.memory_space<vmem>>, vector<1024x128xf32>,
    return
  }
  func.func @transform_0(%arg0: i32) -> (i32, i32) {
    %c0_i32 = arith.constant 0 : i32
    %c0_i32_0 = arith.constant 0 : i32
    return %arg0, %c0_i32 : i32, i32
  }
  func.func @transform_1(%arg0: i32) -> (i32, i32) {
    %c0_i32 = arith.constant 0 : i32
    %c0_i32_0 = arith.constant 0 : i32
    %c0_i32_1 = arith.constant 0 : i32
    return %c0_i32, %c0_i32_0 : i32, i32
  }
  func.func @transform_2(%arg0: i32) -> (i32, i32) {
    %c0_i32 = arith.constant 0 : i32
    %c0_i32_0 = arith.constant 0 : i32
    %c0_i32_1 = arith.constant 0 : i32
    return %c0_i32, %c0_i32_0 : i32, i32
  }
  func.func @transform_3(%arg0: i32) -> (i32, i32) {
    %c0_i32 = arith.constant 0 : i32
    %c0_i32_0 = arith.constant 0 : i32
    %c0_i32_1 = arith.constant 0 : i32
    return %c0_i32, %c0_i32_0 : i32, i32
  }
  func.func @transform_4(%arg0: i32) -> (i32, i32) {
    %c0_i32 = arith.constant 0 : i32
    %c0_i32_0 = arith.constant 0 : i32
    %c0_i32_1 = arith.constant 0 : i32
    return %c0_i32, %c0_i32_0 : i32, i32
  }
  func.func @transform_5(%arg0: i32) -> (i32, i32) {
    %c0_i32 = arith.constant 0 : i32
    %c0_i32_0 = arith.constant 0 : i32
    %c0_i32_1 = arith.constant 0 : i32
    return %c0_i32, %c0_i32_0 : i32, i32
  }
  func.func @transform_6(%arg0: i32) -> (i32, i32) {
    %c0_i32 = arith.constant 0 : i32
    %c0_i32_0 = arith.constant 0 : i32
    return %arg0, %c0_i32 : i32, i32
  }
  func.func @transform_7(%arg0: i32) -> (i32, i32) {
    %c0_i32 = arith.constant 0 : i32
    %c0_i32_0 = arith.constant 0 : i32
    return %arg0, %c0_i32 : i32, i32
  }
  func.func @transform_8(%arg0: i32) -> (i32, i32) {
    %c0_i32 = arith.constant 0 : i32
    %c0_i32_0 = arith.constant 0 : i32
    return %arg0, %c0_i32 : i32, i32
  }
  func.func @transform_9(%arg0: i32) -> (i32, i32) {
    %c0_i32 = arith.constant 0 : i32
    %c0_i32_0 = arith.constant 0 : i32
    return %arg0, %c0_i32 : i32, i32
  }
  func.func @transform_10(%arg0: i32) -> (i32, i32) {
    %c0_i32 = arith.constant 0 : i32
    %c0_i32_0 = arith.constant 0 : i32
    return %arg0, %c0_i32 : i32, i32
  }
}

module attributes {stable_mosaic.version = 14 : i64} {
  func.func @_tc2_body(%arg0: i32, %arg1: memref<1024x128xf32, #tpu.memory_space<vmem>>, %arg2: memref<1024x128xf32, #tpu.memory_space<vmem>>, %arg3: memref<256x128xf32, #tpu.memory_space<vmem>>, %arg4: memref<128x4xf32, #tpu.memory_space<vmem>>, %arg5: memref<128x4xf32, #tpu.memory_space<vmem>>, %arg6: memref<1024x128xf32, #tpu.memory_space<vmem>>, %arg7: memref<1024x4xf32, #tpu.memory_space<vmem>>, %arg8: memref<1024x4xf32, #tpu.memory_space<vmem>>) attributes {dimension_semantics = [#tpu.dimension_semantics<arbitrary>], iteration_bounds = array<i64: 10>, scalar_prefetch = 0 : i64, scratch_operands = 0 : i64, tpu.core_type = #tpu.core_type<tc>, window_params = [{transform_indices = @transform_0, window_bounds = array<i64: 1024, 128>}, {transform_indices = @transform_1, window_bounds = array<i64: 1024, 128>}, {pipeline_mode = #tpu.pipeline_mode<synchronous>, transform_indices = @transform_2, window_bounds = array<i64: 256, 128>}, {pipeline_mode = #tpu.pipeline_mode<synchronous>, transform_indices = @transform_3, window_bounds = array<i64: 128, 4>}, {pipeline_mode = #tpu.pipeline_mode<synchronous>, transform_indices = @transform_4, window_bounds = array<i64: 128, 4>}, {transform_indices = @transform_5, window_bounds = array<i64: 1024, 128>}, {transform_indices = @transform_6, window_bounds = array<i64: 1024, 4>}, {transform_indices = @transform_7, window_bounds = array<i64: 1024, 4>}]} {
    %get3A = arith.constant 0 : index
    %get3A_0 = arith.constant 0 : index
    %get3A_1 = vector.load %arg1[%get3A, %get3A_0] : memref<1024x128xf32, #tpu.memory_space<vmem>>, vector<1024x128xf32>
    %get3A_2 = arith.constant 0 : index
    %get3A_3 = arith.constant 0 : index
    %get3A_4 = vector.load %arg3[%get3A_2, %get3A_3] : memref<256x128xf32, #tpu.memory_space<vmem>>, vector<128x128xf32>
    %dot_general3A = arith.constant dense<0.000000e+00> : vector<1024x128xf32>
    %dot_general3A_5 = tpu.matmul %get3A_1, %get3A_4, %dot_general3A {dimension_numbers = #tpu.dot_dimension_numbers<[1], [0], [0], [1], [0, 0, 1, 1], [], []>, transpose_lhs_hint = false} : vector<1024x128xf32>, vector<128x128xf32>, vector<1024x128xf32> -> vector<1024x128xf32>
    %get3A_6 = arith.constant 0 : index
    %get3A_7 = arith.constant 0 : index
    %get3A_8 = vector.load %arg2[%get3A_6, %get3A_7] : memref<1024x128xf32, #tpu.memory_space<vmem>>, vector<1024x128xf32>
    %get3A_9 = arith.constant 128 : index
    %get3A_10 = arith.constant 0 : index
    %get3A_11 = vector.load %arg3[%get3A_9, %get3A_10] : memref<256x128xf32, #tpu.memory_space<vmem>>, vector<128x128xf32>
    %dot_general3A_12 = arith.constant dense<0.000000e+00> : vector<1024x128xf32>
    %dot_general3A_13 = tpu.matmul %get3A_8, %get3A_11, %dot_general3A_12 {dimension_numbers = #tpu.dot_dimension_numbers<[1], [0], [0], [1], [0, 0, 1, 1], [], []>, transpose_lhs_hint = false} : vector<1024x128xf32>, vector<128x128xf32>, vector<1024x128xf32> -> vector<1024x128xf32>
    %add3A = arith.addf %dot_general3A_5, %dot_general3A_13 : vector<1024x128xf32>
    %swap3A = arith.constant 0 : index
    %swap3A_14 = arith.constant 0 : index
    %swap3A_15 = vector.load %arg6[%swap3A, %swap3A_14] : memref<1024x128xf32, #tpu.memory_space<vmem>>, vector<1024x128xf32>
    tpu.vector_store %arg6[%swap3A, %swap3A_14], %add3A {strides = array<i32>} : memref<1024x128xf32, #tpu.memory_space<vmem>>, vector<1024x128xf32>,
    %get3A_16 = arith.constant 0 : index
    %get3A_17 = arith.constant 0 : index
    %get3A_18 = vector.load %arg4[%get3A_16, %get3A_17] : memref<128x4xf32, #tpu.memory_space<vmem>>, vector<128x4xf32>
    %dot_general3A_19 = arith.constant dense<0.000000e+00> : vector<1024x4xf32>
    %dot_general3A_20 = tpu.matmul %add3A, %get3A_18, %dot_general3A_19 {dimension_numbers = #tpu.dot_dimension_numbers<[1], [0], [0], [1], [0, 0, 1, 1], [], []>, transpose_lhs_hint = false} : vector<1024x128xf32>, vector<128x4xf32>, vector<1024x4xf32> -> vector<1024x4xf32>
    %swap3A_21 = arith.constant 0 : index
    %swap3A_22 = arith.constant 0 : index
    %swap3A_23 = vector.load %arg7[%swap3A_21, %swap3A_22] : memref<1024x4xf32, #tpu.memory_space<vmem>>, vector<1024x4xf32>
    tpu.vector_store %arg7[%swap3A_21, %swap3A_22], %dot_general3A_20 {strides = array<i32>} : memref<1024x4xf32, #tpu.memory_space<vmem>>, vector<1024x4xf32>,
    %get3A_24 = arith.constant 0 : index
    %get3A_25 = arith.constant 0 : index
    %get3A_26 = vector.load %arg5[%get3A_24, %get3A_25] : memref<128x4xf32, #tpu.memory_space<vmem>>, vector<128x4xf32>
    %dot_general3A_27 = arith.constant dense<0.000000e+00> : vector<1024x4xf32>
    %dot_general3A_28 = tpu.matmul %add3A, %get3A_26, %dot_general3A_27 {dimension_numbers = #tpu.dot_dimension_numbers<[1], [0], [0], [1], [0, 0, 1, 1], [], []>, transpose_lhs_hint = false} : vector<1024x128xf32>, vector<128x4xf32>, vector<1024x4xf32> -> vector<1024x4xf32>
    %swap3A_29 = arith.constant 0 : index
    %swap3A_30 = arith.constant 0 : index
    %swap3A_31 = vector.load %arg8[%swap3A_29, %swap3A_30] : memref<1024x4xf32, #tpu.memory_space<vmem>>, vector<1024x4xf32>
    tpu.vector_store %arg8[%swap3A_29, %swap3A_30], %dot_general3A_28 {strides = array<i32>} : memref<1024x4xf32, #tpu.memory_space<vmem>>, vector<1024x4xf32>,
    return
  }
  func.func @transform_0(%arg0: i32) -> (i32, i32) {
    %c0_i32 = arith.constant 0 : i32
    %c0_i32_0 = arith.constant 0 : i32
    return %arg0, %c0_i32 : i32, i32
  }
  func.func @transform_1(%arg0: i32) -> (i32, i32) {
    %c0_i32 = arith.constant 0 : i32
    %c0_i32_0 = arith.constant 0 : i32
    return %arg0, %c0_i32 : i32, i32
  }
  func.func @transform_2(%arg0: i32) -> (i32, i32) {
    %c0_i32 = arith.constant 0 : i32
    %c0_i32_0 = arith.constant 0 : i32
    %c0_i32_1 = arith.constant 0 : i32
    return %c0_i32, %c0_i32_0 : i32, i32
  }
  func.func @transform_3(%arg0: i32) -> (i32, i32) {
    %c0_i32 = arith.constant 0 : i32
    %c0_i32_0 = arith.constant 0 : i32
    %c0_i32_1 = arith.constant 0 : i32
    return %c0_i32, %c0_i32_0 : i32, i32
  }
  func.func @transform_4(%arg0: i32) -> (i32, i32) {
    %c0_i32 = arith.constant 0 : i32
    %c0_i32_0 = arith.constant 0 : i32
    %c0_i32_1 = arith.constant 0 : i32
    return %c0_i32, %c0_i32_0 : i32, i32
  }
  func.func @transform_5(%arg0: i32) -> (i32, i32) {
    %c0_i32 = arith.constant 0 : i32
    %c0_i32_0 = arith.constant 0 : i32
    return %arg0, %c0_i32 : i32, i32
  }
  func.func @transform_6(%arg0: i32) -> (i32, i32) {
    %c0_i32 = arith.constant 0 : i32
    %c0_i32_0 = arith.constant 0 : i32
    return %arg0, %c0_i32 : i32, i32
  }
  func.func @transform_7(%arg0: i32) -> (i32, i32) {
    %c0_i32 = arith.constant 0 : i32
    %c0_i32_0 = arith.constant 0 : i32
    return %arg0, %c0_i32 : i32, i32
  }
}

</mosaic_0001>

<sc_bundles>
// kernel: kernel.11.cloned.1.call-start
scs
__scs_entry_jumppad:
0x0: {  	(pc) =	sbr.rel $0x88, $3  }
0x1: {  	(tag) =	ssettag $0x0;
	lr =	simm.s32 $0x1  }
0x2: {  	[smem:$0x3F95] =	sst lr;
	_ =	strace $0xD0000000  }
0x3: {  	_ = 	snop  }
0x4: {  	_ = 	snop  }
0x5: {  	_ = 	snop  }
0x6: {  	_ = 	snop  }
0x7: {  	_ = 	snop  }
__scs_overlays_trampoline_lowered:
0x8: {  	[smem:$0x3FA4] =	sst s0  }
0x9: {  	[smem:$0x3FA5] =	sst s1  }
0xa: {  	[smem:$0x3FA6] =	sst s2  }
0xb: {  	[smem:$0x3FA7] =	sst s3  }
0xc: {  	[smem:$0x3FA8] =	sst s4  }
0xd: {  	[smem:$0x3FA9] =	sst s5  }
0xe: {  	[smem:$0x3FAA] =	sst s6  }
0xf: {  	[smem:$0x3FAB] =	sst s7  }
0x10: {  	[smem:$0x3FAC] =	sst s8  }
0x11: {  	[smem:$0x3FAD] =	sst s9;
	s0 =	simm.s32 @!p0 $0x0  }
0x12: {  	s1 =	sld [smem:$0x3F93];
	s0 =	simm.s32 @p0 $0x1  }
0x13: {  	[smem:$0x3FAE] =	sst s0;
	s0 =	simm.s32 @!p1 $0x0  }
0x14: {  	s2 =	sld [smem:$0x3F92];
	s0 =	simm.s32 @p1 $0x1  }
0x15: {  	[smem:$0x3FAF] =	sst s0;
	s0 =	simm.s32 @!p2 $0x0  }
0x16: {  	s3 =	sld [smem:$0x3FDB];
	s0 =	simm.s32 @p2 $0x1  }
0x17: {  	s4 =	simm.s32 $0x1BF5;
	[smem:$0x3FB1] =	sst s0  }
0x18: {  	s0 =	sld [smem:$0x3F94];
	_ =	swait.ge [sflag:s4], $0x0  }
0x19: {  	s7 =	sld [smem:$0x3F95]  }
0x1a: {  	s8 =	sadd.s32 $0xFFFFE003, lr  }
0x1b: {  	s9 =	sadd.s32 $0xFFFFFEF7, lr;
	s5 =	simm.s32 $0xFFFFFFFF;
	p2 =	slt.u32 s8, $0xFFFFF086  }
0x1c: {  	p1 =	slt.u32 s9, $0xF7A;
	s5 =	simm.s32 @!p2 $0x0  }
0x1d: {  	s5 =	simm.s32 @p1 $0x1;
	p0 =	seq.s32 s7, s2  }
0x1e: {  	s7 =	smul.u32 @!p0 $0xF7A, s2;
	p2 =	seq.s32 @!p0 s5, $0x0  }
0x1f: {  	s9 =	smul.u32 $0xF7A, s1;
	s8 =	simm.s32 @!p0 $0x1BF5;
	p2 =	por !p2, p0  }
0x20: {  	[sflag:s8] =	ssyncset.s32 @!p0 $0xFFFFF086;
	s6 =	sadd.s32 @!p0 s3, s7;
	s7 =	simm.s32 @!p0 $0x108  }
0x21: {  	s3 =	sadd.s32 s3, s9;
	s6 =	sadd.s32 @!p0 $0x88, s6;
	s7 =	simm.s32 @p2 $0x1082  }
0x22: {  	[simem:s7], [sflag:s8] =	dma.local @!p0 [hbm:s6], $0xF7A  }
0x23: {  	s9 =	sor.u32 $0xD0000000, s2;
	s6 =	simm.s32 $0x108;
	_ =	swait.ge @!p0 [sflag:s8], $0x0  }
0x24: {  	s3 =	sadd.s32 $0x88, s3;
	s6 =	simm.s32 @!p1 $0x1082;
	[sflag:s4] =	ssyncset.s32 $0xFFFFF086  }
0x25: {  	[simem:s6], [sflag:s4] =	dma.local [hbm:s3], $0xF7A  }
0x26: {  	[smem:$0x3F95] =	sst s1;
	(tag) =	ssettag s2;
	_ =	strace s9  }
0x27: {  	s1 =	sld [smem:$0x3FA5]  }
0x28: {  	s2 =	sld [smem:$0x3FA6]  }
0x29: {  	s4 =	sld [smem:$0x3FA8]  }
0x2a: {  	p0 =	seq.s32 s5, $0x0;
	s5 =	sld [smem:$0x3FA9]  }
0x2b: {  	s6 =	sld [smem:$0x3FAA]  }
0x2c: {  	s7 =	sld [smem:$0x3FAB]  }
0x2d: {  	s3 =	simm.s32 $0x108;
	s8 =	sld [smem:$0x3FAC]  }
0x2e: {  	s3 =	simm.s32 @!p0 $0x1082;
	s9 =	sld [smem:$0x3FAD]  }
0x2f: {  	lr =	sadd.s32 s0, s3;
	s0 =	sld [smem:$0x3FA4]  }
0x30: {  	s3 =	sld [smem:$0x3FA7]  }
0x31: {  	[smem:$0x3FB0] =	sst s10  }
0x32: {  	s10 =	sld [smem:$0x3FAE];
	_ =	sdelay $0x3  }
0x33: {  	p0 =	seq.s32 s10, $0x1;
	s10 =	sld [smem:$0x3FB0];
	_ =	sdelay $0x3  }
0x34: {  	[smem:$0x3FB0] =	sst s10  }
0x35: {  	s10 =	sld [smem:$0x3FAF];
	_ =	sdelay $0x3  }
0x36: {  	p1 =	seq.s32 s10, $0x1;
	s10 =	sld [smem:$0x3FB0];
	_ =	sdelay $0x3  }
0x37: {  	[smem:$0x3FB0] =	sst s10  }
0x38: {  	s10 =	sld [smem:$0x3FB1]  }
0x39: {  	_ = 	snop;
	(pc) =	sbr.ind lr, $3  }
0x3a: {  	_ = 	snop  }
0x3b: {  	_ = 	snop  }
0x3c: {  	p2 =	seq.s32 s10, $0x1;
	s10 =	sld [smem:$0x3FB0]  }
0x3d: {  	_ =	shalt  }
0x3e: {  	_ =	shalt  }
0x3f: {  	_ =	shalt  }
0x40: {  	_ =	shalt  }
0x41: {  	_ =	shalt  }
0x42: {  	_ =	shalt  }
0x43: {  	_ =	shalt  }
0x44: {  	_ =	shalt  }
0x45: {  	_ =	shalt  }
0x46: {  	_ =	shalt  }
0x47: {  	_ =	shalt  }
0x48: {  	_ =	shalt  }
0x49: {  	_ =	shalt  }
0x4a: {  	_ =	shalt  }
0x4b: {  	_ =	shalt  }
0x4c: {  	_ =	shalt  }
0x4d: {  	_ =	shalt  }
0x4e: {  	_ =	shalt  }
0x4f: {  	_ =	shalt  }
0x50: {  	_ =	shalt  }
0x51: {  	_ =	shalt  }
0x52: {  	_ =	shalt  }
0x53: {  	_ =	shalt  }
0x54: {  	_ =	shalt  }
0x55: {  	_ =	shalt  }
0x56: {  	_ =	shalt  }
0x57: {  	_ =	shalt  }
0x58: {  	_ =	shalt  }
0x59: {  	_ =	shalt  }
0x5a: {  	_ =	shalt  }
0x5b: {  	_ =	shalt  }
0x5c: {  	_ =	shalt  }
0x5d: {  	_ =	shalt  }
0x5e: {  	_ =	shalt  }
0x5f: {  	_ =	shalt  }
0x60: {  	_ =	shalt  }
0x61: {  	_ =	shalt  }
0x62: {  	_ =	shalt  }
0x63: {  	_ =	shalt  }
0x64: {  	_ =	shalt  }
0x65: {  	_ =	shalt  }
0x66: {  	_ =	shalt  }
0x67: {  	_ =	shalt  }
0x68: {  	_ =	shalt  }
0x69: {  	_ =	shalt  }
0x6a: {  	_ =	shalt  }
0x6b: {  	_ =	shalt  }
0x6c: {  	_ =	shalt  }
0x6d: {  	_ =	shalt  }
0x6e: {  	_ =	shalt  }
0x6f: {  	_ =	shalt  }
0x70: {  	_ =	shalt  }
0x71: {  	_ =	shalt  }
0x72: {  	_ =	shalt  }
0x73: {  	_ =	shalt  }
0x74: {  	_ =	shalt  }
0x75: {  	_ =	shalt  }
0x76: {  	_ =	shalt  }
0x77: {  	_ =	shalt  }
0x78: {  	_ =	shalt  }
0x79: {  	_ =	shalt  }
0x7a: {  	_ =	shalt  }
0x7b: {  	_ =	shalt  }
0x7c: {  	_ =	shalt  }
0x7d: {  	_ =	shalt  }
0x7e: {  	_ =	shalt  }
0x7f: {  	_ =	shalt  }
0x80: {  	_ =	shalt  }
0x81: {  	_ =	shalt  }
0x82: {  	_ =	shalt  }
0x83: {  	_ =	shalt  }
0x84: {  	_ =	shalt  }
0x85: {  	_ =	shalt  }
0x86: {  	_ =	shalt  }
0x87: {  	_ =	shalt  }
.Lfunc_end0:
.L_simem_size_0:
called_computation.1_lowered:
.L_overlay_start_0:
0x88: {  	s2 =	sld [smem:$0x3FD9]  }
0x89: {  	s3 =	sld [smem:$0x3FFE];
	_ =	sdelay $0x1  }
0x8a: {  	s1 =	srdreg.scid  }
0x8b: {  	s0 =	sand.u32 $0x1, s1  }
0x8c: {  	s17 =	sshll.u32 s0, $0xA;
	s2 =	sadd.s32 s3, s2  }
0x8d: {  	s2 =	sadd.s32 s2, s17  }
0x8e: {  	[smem:$0x3FBC] =	sst s2  }
0x8f: {  	_ = 	snop  }
0x90: {  	s2 =	sld [smem:$0x3FD0];
	(tm) =	ssettm $0x1  }
0x91: {  	s18 =	sld [smem:$0x3FFB];
	_ =	sdelay $0x3  }
0x92: {  	_ =	strace s18  }
0x93: {  	s3 =	sld [smem:$0x3FFC];
	_ =	sdelay $0x3  }
0x94: {  	_ =	strace s3  }
0x95: {  	s3 =	sld [smem:$0x3FFD];
	_ =	sdelay $0x3  }
0x96: {  	_ =	strace s3  }
0x97: {  	_ =	strace $0x8FFFFFFF  }
0x98: {  	s19 =	sld [smem:$0x3FDB];
	_ =	sdelay $0x1  }
0x99: {  	s4 =	simm.s32 $_scs_section_size  }
0x9a: {  	s5 =	simm.s32 $_size__tile_overlayer_lowered;
	s6 =	simm.s32 $_tile_overlayer_lowered  }
0x9b: {  	s22 =	simm.s32 $0x1BFF;
	s21 =	sshll.u32 s6, $0x1;
	s3 =	sadd.s32 s4, s19  }
0x9c: {  	s7 =	simm.s32 $0x0;
	s20 =	sshll.u32 s5, $0x1;
	s5 =	sadd.s32 s21, s3  }
0x9d: {  	[timem:s7], [sflag:s22] =	dma.local [hbm:s5], s20  }
0x9e: {  	_ =	swait.ge [sflag:s22], s20  }
0x9f: {  	s4 =	ssub.s32 $0x0, s20;
	[sflag:s22] =	ssyncset.done $0x0  }
0xa0: {  	[sflag:s22] =	ssyncadd.s32 s4;
	_ =	sdelay $0x1  }
0xa1: {  	s23 =	simm.s32 $0x1B8B  }
0xa2: {  	_ =	swait.ge [sflag:s23], $0x1  }
0xa3: {  	[sflag:s23] =	ssyncset.done $0x0  }
0xa4: {  	s25 =	simm.s32 $0x1B8E;
	s24 =	sld [smem:$0x3FFE];
	[sflag:s23] =	ssyncadd.s32 $0xFFFFFFFF  }
0xa5: {  	s26 =	simm.s32 $execute0_lowered;
	[smem:$0x3FD2] =	sst s25  }
0xa6: {  	s5 =	sshll.u32 s26, $0x1;
	_ =	strace $0x80000049;
	[dreg:$0x1] =	wrdreg $0xFFFFFFFF  }
0xa7: {  	s28 =	simm.s32 $_size_execute0_lowered;
	s3 =	sadd.s32 s3, s5;
	[dreg:$0x0] =	wrdreg $0x0  }
0xa8: {  	s5 =	sshll.u32 s28, $0x1;
	[dreg:$0x2] =	wrdreg s3  }
0xa9: {  	[dreg:$0x3] =	wrdreg s5  }
0xaa: {  	[dreg:$0x4] =	wrdreg $0xC0  }
0xab: {  	_ =	task [dreg:s7], $0x5FFFF  }
0xac: {  	[dreg:$0x1] =	wrdreg $0xFFFFFFFF  }
0xad: {  	[dreg:$0x0] =	wrdreg $0x60  }
0xae: {  	[dreg:$0x2] =	wrdreg s2  }
0xaf: {  	[dreg:$0x3] =	wrdreg s24  }
0xb0: {  	[dreg:$0x4] =	wrdreg $0x9A000  }
0xb1: {  	[dreg:$0x5] =	wrdreg $0x9  }
0xb2: {  	_ =	task.clear_ibuf [dreg:s7], $0x6FFFF;
	_ =	strace $0x90000049  }
0xb3: {  	s29 =	simm.s32 $0x9;
	_ =	strace $0x8000004B  }
0xb4: {  	_ =	swait.ge [sflag:s29], $0x1  }
0xb5: {  	[sflag:s29] =	ssyncadd.s32 $0xFFFFFFFF  }
0xb6: {  	_ =	strace $0x9000004B  }
0xb7: {  	_ =	sfence  }
0xb8: {  	s30 =	sld [smem:$0x0];
	_ =	sdelay $0x2  }
0xb9: {  	s31 =	sshll.u32 s1, $0xD;
	s1 =	sshrl.u32 s1, $0x2  }
0xba: {  	s3 =	sand.u32 $0x4000, s31;
	s1 =	sadd.s32 s1, s30  }
0xbb: {  	s0 =	sor.u32 s3, s0;
	s1 =	sshll.u32 s1, $0x11  }
0xbc: {  	s0 =	sor.u32 s1, s0  }
0xbd: {  	s0 =	sadd.s32 $0x8F2B, s0  }
0xbe: {  	[sflag:s0] =	ssyncadd.remote.s32 $0x1  }
0xbf: {  	_ =	sfence.sel $0xFFFF  }
0xc0: {  	[dreg:$0x0] =	wrdreg $0xFFFFFFFF;
	(pc) =	sbr.abs _section_cstart, $3  }
0xc1: {  	[dreg:$0x1] =	wrdreg $0xFFFFFFFF  }
0xc2: {  	_ =	task.clear_ibuf [dreg:s7], $0x2FFFF;
	_ =	strace $0x9FFFFFFF  }
0xc3: {  	(tm) =	ssettm $0x7FFFFFFF  }
tec
execute0_lowered:
.L_overlay_start_1:
0x0: {  	(tag) =	ssettag $0x1  }
0x1: {  	s1 =	rddreg [dreg:$0x0]  }
0x2: {  	s0 =	rddreg [dreg:$0x1]  }
0x3: {  	s2 =	rddreg [dreg:$0x2];
	s3 =	simm.s32 $0x0  }
0x4: {  	s5 =	srdreg.scid;
	s14 =	stileid.u32;
	s20 =	simm.s32 $0x2  }
0x5: {  	s21 =	simm.s32 $0x580;
	s22 =	simm.s32 $0x180;
	s23 =	simm.s32 $0x300  }
0x6: {  	s24 =	simm.s32 $0x3;
	s25 =	simm.s32 $0x120;
	s26 =	simm.s32 $0x1  }
0x7: {  	s28 =	simm.s32 $0x3;
	s29 =	simm.s32 $0x9980;
	s30 =	simm.s32 $0x0  }
0x8: {  	[smem:$0x7FF] =	sst s3;
	s4 =	sadd.s32 $0x7F400, s0;
	s6 =	sadd.s32 $0x89600, s0  }
0x9: {  	s7 =	sadd.s32 $0xB1E00, s0;
	s5 =	sand.u32 $0x1, s5;
	s10 =	smul.u32 $0x50000, s14  }
0xa: {  	_ =	strace $0x8000004A;
	s8 =	sshll.u32 s5, $0x7;
	s9 =	ssub.s32 $0x2, s5  }
0xb: {  	p1 =	seq.s32 s5, $0x1;
	p0 =	seq.s32 s5, $0x0;
	s11 =	sadd.s32 s8, s0  }
0xc: {  	s12 =	sshrl.u32 s9, $0x1;
	s8 =	smul.u32 $0x280, s14;
	s10 =	sshrl.u32 s10, $0x2  }
0xd: {  	s13 =	ssub.s32 s9, s12;
	s9 =	smul.u32 $0x5100, s14;
	s11 =	sadd.s32 $0xB3200, s11  }
0xe: {  	s12 =	smul.u32 $0xA2000, s5;
	[dreg:$0x4] =	wrdreg s11;
	s11 =	sadd.s32 s10, s2  }
0xf: {  	s24 =	simm.s32 @!p0 $0x2;
	s14 =	smul.u32 $0x5000, s5;
	s10 =	sadd.s32 $0x9000, s11  }
0x10: {  	s5 =	simm.s32 $0x54C00;
	[dreg:$0x5] =	wrdreg s10;
	s10 =	simm.s32 $0xB3400  }
0x11: {  	s5 =	simm.s32 @!p1 $0x4C00;
	s16 =	smax.u32 s13, $0x1;
	s10 =	simm.s32 @!p0 $0xDB400  }
0x12: {  	v0 =	vimm.f32 $0.0e+00;
	s15 =	sadd.s32 $0x12000, s11;
	s17 =	sadd.s32 s5, s0;
	s18 =	sadd.s32 s10, s0  }
.LBB2_1:
0x13: {  	s0 =	rddreg [dreg:$0x4];
	s5 =	simm.s32 $0x9580  }
0x14: {  	[tilespmem:s5], [sflag:$0x2] =	stream.linear.gather [hbm4b:s0+s3], $0x400, $0x38;
	[tilespmem:$0x1DA00] =	vst v63  }
0x15: {  	_ =	swait.ge [sflag:s20], $0x400  }
0x16: {  	[sflag:s20] =	ssyncset.done $0x0  }
0x17: {  	s0 =	simm.s32 $0x0;
	s5 =	simm.s32 $0x200;
	[sflag:s20] =	ssyncadd.s32 $0xFFFFFC00  }
.LBB2_2:
0x18: {  	p0 =	sne.s32 s5, $0x23E00;
	[tilespmem:s0+$0x5F0] =	vst v0  }
0x19: {  	[tilespmem:s0+$0x580] =	vst v0  }
0x1a: {  	[tilespmem:s0+$0x590] =	vst v0  }
.Ltmp0:
0x1b: {  	[tilespmem:s0+$0x5A0] =	vst v0;
	(pc) =	sbr.rel @p0 .LBB2_2-.Ltmp0, $4  }
0x1c: {  	[tilespmem:s0+$0x5B0] =	vst v0  }
0x1d: {  	[tilespmem:s0+$0x5C0] =	vst v0  }
0x1e: {  	[tilespmem:s0+$0x5D0] =	vst v0  }
0x1f: {  	[tilespmem:s0+$0x5E0] =	vst v0;
	s0 =	sshra.s32 s5, $0x2;
	s5 =	sadd.s32 $0x200, s5  }
0x20: {  	[tilespmem:s0+$0x5F0] =	vst v0  }
0x21: {  	[tilespmem:s0+$0x580] =	vst v0  }
0x22: {  	[tilespmem:s0+$0x590] =	vst v0  }
0x23: {  	[tilespmem:s0+$0x5A0] =	vst v0  }
0x24: {  	[tilespmem:s0+$0x5B0] =	vst v0  }
0x25: {  	[tilespmem:s0+$0x5C0] =	vst v0  }
0x26: {  	[tilespmem:s0+$0x5D0] =	vst v0  }
0x27: {  	[tilespmem:s0+$0x5E0] =	vst v0  }
0x28: {  	[spmem:s11] =	stream.linear.scatter [tilespmem:s21], [sflag:$0x2], $0x9000, $0x38;
	[tilespmem:$0x1DA00] =	vst v63  }
0x29: {  	_ =	swait.ge [sflag:s20], $0x9000  }
0x2a: {  	[sflag:s20] =	ssyncset.done $0x0  }
0x2b: {  	s31 =	rddreg [dreg:$0x5];
	[sflag:s20] =	ssyncadd.s32 $0xFFFF7000  }
0x2c: {  	[spmem:s31] =	stream.linear.scatter [tilespmem:s21], [sflag:$0x2], $0x9000, $0x38;
	[tilespmem:$0x1DA00] =	vst v63  }
0x2d: {  	_ =	swait.ge [sflag:s20], $0x9000  }
0x2e: {  	[sflag:s20] =	ssyncset.done $0x0  }
0x2f: {  	[sflag:s20] =	ssyncadd.s32 $0xFFFF7000  }
0x30: {  	[spmem:s15] =	stream.linear.scatter [tilespmem:s21], [sflag:$0x2], $0x2000, $0x38;
	[tilespmem:$0x1DA00] =	vst v63  }
0x31: {  	_ =	swait.ge [sflag:s20], $0x2000  }
0x32: {  	[sflag:s20] =	ssyncset.done $0x0  }
0x33: {  	[sflag:s20] =	ssyncadd.s32 $0xFFFFE000  }
0x34: {  	s0 =	simm.s32 $0x0;
	s5 =	simm.s32 $0x0;
	[bflag:$0x0] =	sbarrier.arrive $0xFFFF  }
.LBB2_4:
0x35: {  	s10 =	smul.u32 $0x120, s5;
	_ =	sdelay $0x1  }
0x36: {  	s10 =	sadd.s32 s9, s10  }
0x37: {  	s13 =	sshrl.u32 s10, $0x3  }
0x38: {  	s19 =	sadd.s32 s1, s13  }
0x39: {  	[tilespmem:s0], [sflag:$0x2] =	stream.linear.gather [hbm4b:s19+s0], $0x120, $0x38;
	[tilespmem:$0x1DA00] =	vst v63  }
0x3a: {  	_ =	swait.ge [sflag:s20], $0x120  }
0x3b: {  	[sflag:s20] =	ssyncset.done $0x0  }
0x3c: {  	s10 =	sshll.u32 s10, $0x1;
	s13 =	sadd.s32 s4, s13;
	[sflag:s20] =	ssyncadd.s32 $0xFFFFFEE0  }
0x3d: {  	[tilespmem:s22], [sflag:$0x2] =	stream.linear.gather [hbm4b:s13+s0], $0x120, $0x38;
	[tilespmem:$0x1DA00] =	vst v63  }
0x3e: {  	s10 =	sadd.s32 s12, s10;
	_ =	swait.ge [sflag:s20], $0x120  }
0x3f: {  	s10 =	sshrl.u32 s10, $0x3;
	[sflag:s20] =	ssyncset.done $0x0  }
0x40: {  	s10 =	sadd.s32 s6, s10;
	[sflag:s20] =	ssyncadd.s32 $0xFFFFFEE0  }
0x41: {  	[tilespmem:s23], [sflag:$0x2] =	stream.linear.gather [hbm4b:s10+s0], $0x240, $0x38;
	[tilespmem:$0x1DA00] =	vst v63  }
0x42: {  	_ =	swait.ge [sflag:s20], $0x240  }
0x43: {  	[sflag:s20] =	ssyncset.done $0x0  }
0x44: {  	[sflag:s20] =	ssyncadd.s32 $0xFFFFFDC0  }
0x45: {  	[tilespmem:s21], [sflag:$0x1] =	stream.indirect.gather [hbm4b:s17+s25], $0x80, s0, s25, $0xb8;
	[tilespmem:$0x1DA00] =	vst v63  }
0x46: {  	v1 =	vmov s0;
	_ =	swait.ge [sflag:s26], $0x9000  }
0x47: {  	v2 =	vor.u32 $0x1, v1;
	[sflag:s26] =	ssyncset.done $0x0  }
0x48: {  	s10 =	simm.s32 $0x5C0;
	[sflag:s26] =	ssyncadd.s32 $0xFFFF7000  }
0x49: {  	v3 =	vld [tilespmem:s10+$0xFFFFFFF0]  }
0x4a: {  	v4 =	vld [tilespmem:s10+$0xFFFFFFC0]  }
0x4b: {  	v9 =	vld.idx.msk [tilespmem:v1+s23+$0x0], $0xffff  }
0x4c: {  	v2 =	vld.idx.msk [tilespmem:v2+s23+$0x0], $0xffff  }
0x4d: {  	v6 =	vld [tilespmem:s10+$0x0]  }
0x4e: {  	v7 =	vld [tilespmem:s10+$0xFFFFFFE0]  }
0x4f: {  	v5 =	vld [tilespmem:s10+$0xFFFFFFD0]  }
0x50: {  	v10 =	vld [tilespmem:s10+$0x20]  }
0x51: {  	v1 =	vld [tilespmem:s10+$0x30]  }
0x52: {  	v11 =	vmul.f32 v4, v9;
	v4 =	vmul.f32 v6, v2;
	v6 =	vld [tilespmem:s10+$0x10];
	_ =	sdelay $0x1  }
0x53: {  	v5 =	vmul.f32 v5, v9;
	v8 =	vmul.f32 v3, v9  }
0x54: {  	s19 =	simm.s32 $0x5C0;
	s13 =	simm.s32 $0x2;
	v7 =	vmul.f32 v7, v9;
	v3 =	vmul.f32 v10, v2;
	[tilespmem:s10+$0xFFFFFFC0] =	vst v11  }
.LBB2_5:
0x55: {  	p0 =	sne.s32 s13, $0x23E  }
0x56: {  	[tilespmem:s10+$0xFFFFFFF0] =	vst v8;
	v6 =	vmul.f32 v6, v2;
	v1 =	vmul.f32 v1, v2;
	s19 =	sadd.s32 $0x80, s19;
	s31 =	smov.u32 s13;
	s13 =	sadd.s32 $0x2, s13  }
0x57: {  	[tilespmem:s10+$0xFFFFFFD0] =	vst v5  }
0x58: {  	v2 =	vmov s31;
	v8 =	vld [tilespmem:s19+$0xFFFFFFF0];
	[tilespmem:s10+$0xFFFFFFE0] =	vst v7  }
0x59: {  	v5 =	vor.u32 $0x1, v2;
	v7 =	vld [tilespmem:s19+$0xFFFFFFC0];
	[tilespmem:s10+$0x0] =	vst v4  }
0x5a: {  	v9 =	vld [tilespmem:s19+$0xFFFFFFE0];
	[tilespmem:s10+$0x30] =	vst v1  }
0x5b: {  	v1 =	vld [tilespmem:s19+$0x30];
	[tilespmem:s10+$0x10] =	vst v6  }
0x5c: {  	v4 =	vld [tilespmem:s19+$0xFFFFFFD0];
	[tilespmem:s10+$0x20] =	vst v3;
	s10 =	smov.u32 s19  }
0x5d: {  	v3 =	vld.idx.msk [tilespmem:v2+s23+$0x0], $0xffff  }
0x5e: {  	v2 =	vld.idx.msk [tilespmem:v5+s23+$0x0], $0xffff  }
0x5f: {  	v10 =	vld [tilespmem:s19+$0x0]  }
0x60: {  	v11 =	vld [tilespmem:s19+$0x20]  }
.Ltmp1:
0x61: {  	v6 =	vld [tilespmem:s19+$0x10];
	(pc) =	sbr.rel @p0 .LBB2_5-.Ltmp1, $4  }
0x62: {  	_ = 	snop  }
0x63: {  	v7 =	vmul.f32 v7, v3;
	v5 =	vmul.f32 v4, v3  }
0x64: {  	v8 =	vmul.f32 v8, v3;
	v4 =	vmul.f32 v10, v2  }
0x65: {  	[tilespmem:s19+$0xFFFFFFC0] =	vst v7;
	v7 =	vmul.f32 v9, v3;
	v3 =	vmul.f32 v11, v2  }
0x66: {  	[tilespmem:s10+$0xFFFFFFF0] =	vst v8  }
0x67: {  	[tilespmem:s10+$0xFFFFFFD0] =	vst v5  }
0x68: {  	[tilespmem:s10+$0x0] =	vst v4  }
0x69: {  	v1 =	vmul.f32 v1, v2;
	[tilespmem:s10+$0xFFFFFFE0] =	vst v7  }
0x6a: {  	v2 =	vmul.f32 v6, v2;
	s5 =	sadd.s32 $0x1, s5;
	[tilespmem:s10+$0x20] =	vst v3  }
0x6b: {  	p0 =	sne.s32 s5, $0x48;
	[tilespmem:s10+$0x30] =	vst v1  }
.Ltmp2:
0x6c: {  	[tilespmem:s10+$0x10] =	vst v2;
	(pc) =	sbr.rel @p0 .LBB2_4-.Ltmp2, $4  }
0x6d: {  	[spmem:s2] =	stream.indirect.scatter.add.f32 [tilespmem:s21], [sflag:$0x2], $0x80, s22, s25, $0xb8;
	[tilespmem:$0x1DA00] =	vst v63  }
0x6e: {  	_ =	swait.ge [sflag:s20], $0x9000  }
0x6f: {  	[sflag:s20] =	ssyncset.done $0x0  }
0x70: {  	[sflag:s20] =	ssyncadd.s32 $0xFFFF7000  }
0x71: {  	[bflag:$0x0] =	sbarrier.arrive $0xFFFF;
	s31 =	simm.s32 $0x0;
	s0 =	simm.s32 $0x0  }
.LBB2_8:
0x72: {  	s5 =	sshll.u32 s0, $0x6  }
0x73: {  	s5 =	sadd.s32 s8, s5  }
0x74: {  	s10 =	sshll.u32 s5, $0x7  }
0x75: {  	s10 =	sand.u32 $0x3FFFFF80, s10  }
0x76: {  	s19 =	sshll.u32 s5, $0x1;
	s10 =	sadd.s32 s10, s2  }
0x77: {  	[tilespmem:s21], [sflag:$0x3] =	stream.linear.gather [spmem:s10], $0x2000, $0x38;
	[tilespmem:$0x1DA00] =	vst v63  }
0x78: {  	s10 =	sadd.s32 s14, s19;
	_ =	swait.ge [sflag:s28], $0x2000  }
0x79: {  	s10 =	sshrl.u32 s10, $0x3;
	[sflag:s28] =	ssyncset.done $0x0  }
0x7a: {  	v1 =	vmov s31;
	s10 =	sadd.s32 s7, s10;
	[sflag:s28] =	ssyncadd.s32 $0xFFFFE000  }
0x7b: {  	[tilespmem:s29], [sflag:$0x3] =	stream.linear.gather [hbm4b:s10+s31], $0x80, $0x38;
	[tilespmem:$0x1DA00] =	vst v63  }
0x7c: {  	_ =	swait.ge [sflag:s28], $0x80  }
0x7d: {  	[sflag:s28] =	ssyncset.done $0x0  }
0x7e: {  	[sflag:s28] =	ssyncadd.s32 $0xFFFFFF80  }
0x7f: {  	v2 =	vld.idx.msk [tilespmem:v1+s29+$0x0], $0xffff;
	_ =	sdelay $0x4  }
0x80: {  	v2 =	vadd.f32 $1.000000020e-16, v2;
	_ =	sdelay $0x1  }
0x81: {  	(erf) = vrcp.f32 v2;
	_ =	sdelay $0x3  }
0x82: {  	s19 =	simm.s32 $0x5C0  }
0x83: {  	v2 =	vld [tilespmem:s19+$0xFFFFFFC0];
	_ =	sdelay $0x1  }
0x84: {  	v3 =	vld [tilespmem:$0x9580];
	_ =	sdelay $0x1  }
0x85: {  	v4 =	vpop (erf)  }
0x86: {  	v1 =	vor.u32 $0x1, v1;
	v2 =	vmul.f32 v4, v2;
	_ =	sdelay $0x1  }
0x87: {  	v2 =	vadd.f32 v3, v2;
	_ =	sdelay $0x1  }
0x88: {  	v3 =	vld [tilespmem:s19+$0xFFFFFFD0];
	v2 =	vmax.f32 v2, $0.0e+00  }
0x89: {  	v1 =	vld.idx.msk [tilespmem:v1+s29+$0x0], $0xffff;
	[tilespmem:s19+$0xFFFFFFC0] =	vst v2  }
0x8a: {  	v2 =	vld [tilespmem:$0x9590];
	_ =	sdelay $0x2  }
0x8b: {  	v3 =	vmul.f32 v3, v4;
	_ =	sdelay $0x1  }
0x8c: {  	v2 =	vadd.f32 v2, v3;
	_ =	sdelay $0x1  }
0x8d: {  	v3 =	vld [tilespmem:s19+$0xFFFFFFE0];
	v2 =	vmax.f32 v2, $0.0e+00  }
0x8e: {  	[tilespmem:s19+$0xFFFFFFD0] =	vst v2  }
0x8f: {  	v2 =	vld [tilespmem:$0x95A0];
	_ =	sdelay $0x2  }
0x90: {  	v3 =	vmul.f32 v3, v4;
	_ =	sdelay $0x1  }
0x91: {  	v2 =	vadd.f32 v2, v3;
	_ =	sdelay $0x1  }
0x92: {  	v3 =	vld [tilespmem:s19+$0xFFFFFFF0];
	v2 =	vmax.f32 v2, $0.0e+00  }
0x93: {  	[tilespmem:s19+$0xFFFFFFE0] =	vst v2  }
0x94: {  	v1 =	vadd.f32 $1.000000020e-16, v1;
	v2 =	vld [tilespmem:$0x95B0];
	_ =	sdelay $0x1  }
0x95: {  	(erf) = vrcp.f32 v1  }
0x96: {  	v1 =	vmul.f32 v3, v4;
	_ =	sdelay $0x1  }
0x97: {  	v1 =	vadd.f32 v2, v1;
	_ =	sdelay $0x1  }
0x98: {  	v2 =	vld [tilespmem:s19+$0x0];
	v1 =	vmax.f32 v1, $0.0e+00  }
0x99: {  	[tilespmem:s19+$0xFFFFFFF0] =	vst v1  }
0x9a: {  	v1 =	vld [tilespmem:$0x95C0];
	_ =	sdelay $0x1  }
0x9b: {  	v3 =	vpop (erf)  }
0x9c: {  	v2 =	vmul.f32 v2, v3;
	_ =	sdelay $0x1  }
0x9d: {  	v1 =	vadd.f32 v1, v2;
	_ =	sdelay $0x1  }
0x9e: {  	v2 =	vld [tilespmem:s19+$0x10];
	v1 =	vmax.f32 v1, $0.0e+00  }
0x9f: {  	[tilespmem:s19+$0x0] =	vst v1  }
0xa0: {  	v1 =	vld [tilespmem:$0x95D0];
	_ =	sdelay $0x2  }
0xa1: {  	v2 =	vmul.f32 v2, v3;
	_ =	sdelay $0x1  }
0xa2: {  	v1 =	vadd.f32 v1, v2;
	_ =	sdelay $0x1  }
0xa3: {  	v2 =	vld [tilespmem:s19+$0x20];
	v1 =	vmax.f32 v1, $0.0e+00  }
0xa4: {  	[tilespmem:s19+$0x10] =	vst v1  }
0xa5: {  	v1 =	vld [tilespmem:$0x95E0];
	_ =	sdelay $0x2  }
0xa6: {  	v2 =	vmul.f32 v2, v3;
	_ =	sdelay $0x1  }
0xa7: {  	v1 =	vadd.f32 v1, v2;
	_ =	sdelay $0x1  }
0xa8: {  	v2 =	vld [tilespmem:s19+$0x30];
	v1 =	vmax.f32 v1, $0.0e+00  }
0xa9: {  	[tilespmem:s19+$0x20] =	vst v1  }
0xaa: {  	v1 =	vld [tilespmem:$0x95F0];
	_ =	sdelay $0x2  }
0xab: {  	v2 =	vmul.f32 v2, v3  }
0xac: {  	s13 =	simm.s32 $0x2  }
0xad: {  	v3 =	vadd.f32 v1, v2;
	v2 =	vmov s13;
	_ =	sdelay $0x1  }
0xae: {  	s10 =	simm.s32 $0x4;
	v1 =	vor.u32 $0x1, v2;
	v3 =	vmax.f32 v3, $0.0e+00  }
.LBB2_9:
0xaf: {  	p0 =	sne.s32 s10, $0x7E  }
0xb0: {  	[tilespmem:s19+$0x30] =	vst v3;
	s19 =	sadd.s32 $0x80, s19;
	s13 =	smov.u32 s10;
	s10 =	sadd.s32 $0x2, s10  }
0xb1: {  	v2 =	vld.idx.msk [tilespmem:v2+s29+$0x0], $0xffff;
	_ =	sdelay $0x5  }
0xb2: {  	v2 =	vadd.f32 $1.000000020e-16, v2;
	_ =	sdelay $0x1  }
0xb3: {  	(erf) = vrcp.f32 v2;
	_ =	sdelay $0x4  }
0xb4: {  	v2 =	vld [tilespmem:s19+$0xFFFFFFC0];
	_ =	sdelay $0x1  }
0xb5: {  	v3 =	vld [tilespmem:$0x9580];
	_ =	sdelay $0x1  }
0xb6: {  	v4 =	vpop (erf)  }
0xb7: {  	v2 =	vmul.f32 v4, v2;
	_ =	sdelay $0x1  }
0xb8: {  	v2 =	vadd.f32 v3, v2  }
0xb9: {  	v3 =	vld [tilespmem:s19+$0xFFFFFFD0]  }
0xba: {  	v1 =	vld.idx.msk [tilespmem:v1+s29+$0x0], $0xffff;
	v2 =	vmax.f32 v2, $0.0e+00  }
0xbb: {  	[tilespmem:s19+$0xFFFFFFC0] =	vst v2  }
0xbc: {  	v2 =	vld [tilespmem:$0x9590];
	_ =	sdelay $0x2  }
0xbd: {  	v3 =	vmul.f32 v3, v4  }
0xbe: {  	v1 =	vadd.f32 $1.000000020e-16, v1  }
0xbf: {  	v2 =	vadd.f32 v2, v3  }
0xc0: {  	(erf) = vrcp.f32 v1  }
0xc1: {  	v1 =	vmax.f32 v2, $0.0e+00;
	v2 =	vld [tilespmem:s19+$0xFFFFFFE0]  }
0xc2: {  	[tilespmem:s19+$0xFFFFFFD0] =	vst v1  }
0xc3: {  	v1 =	vld [tilespmem:$0x95A0];
	_ =	sdelay $0x2  }
0xc4: {  	v3 =	vmul.f32 v2, v4;
	_ =	sdelay $0x1  }
0xc5: {  	v1 =	vadd.f32 v1, v3  }
0xc6: {  	v2 =	vpop (erf)  }
0xc7: {  	v1 =	vmax.f32 v1, $0.0e+00;
	v3 =	vld [tilespmem:s19+$0xFFFFFFF0]  }
0xc8: {  	[tilespmem:s19+$0xFFFFFFE0] =	vst v1  }
0xc9: {  	v1 =	vld [tilespmem:$0x95B0];
	_ =	sdelay $0x2  }
0xca: {  	v3 =	vmul.f32 v3, v4;
	_ =	sdelay $0x1  }
0xcb: {  	v1 =	vadd.f32 v1, v3;
	_ =	sdelay $0x1  }
0xcc: {  	v1 =	vmax.f32 v1, $0.0e+00;
	v3 =	vld [tilespmem:s19+$0x0]  }
0xcd: {  	[tilespmem:s19+$0xFFFFFFF0] =	vst v1  }
0xce: {  	v1 =	vld [tilespmem:$0x95C0];
	_ =	sdelay $0x2  }
0xcf: {  	v3 =	vmul.f32 v3, v2;
	_ =	sdelay $0x1  }
0xd0: {  	v1 =	vadd.f32 v1, v3;
	_ =	sdelay $0x1  }
0xd1: {  	v1 =	vmax.f32 v1, $0.0e+00;
	v3 =	vld [tilespmem:s19+$0x10]  }
0xd2: {  	[tilespmem:s19+$0x0] =	vst v1  }
0xd3: {  	v1 =	vld [tilespmem:$0x95D0];
	_ =	sdelay $0x2  }
0xd4: {  	v3 =	vmul.f32 v3, v2;
	_ =	sdelay $0x1  }
0xd5: {  	v1 =	vadd.f32 v1, v3;
	_ =	sdelay $0x1  }
0xd6: {  	v1 =	vmax.f32 v1, $0.0e+00;
	v3 =	vld [tilespmem:s19+$0x20]  }
0xd7: {  	[tilespmem:s19+$0x10] =	vst v1  }
0xd8: {  	v1 =	vld [tilespmem:$0x95E0];
	_ =	sdelay $0x2  }
0xd9: {  	v3 =	vmul.f32 v3, v2;
	_ =	sdelay $0x1  }
0xda: {  	v1 =	vadd.f32 v1, v3;
	_ =	sdelay $0x1  }
0xdb: {  	v1 =	vmax.f32 v1, $0.0e+00;
	v3 =	vld [tilespmem:s19+$0x30]  }
0xdc: {  	[tilespmem:s19+$0x20] =	vst v1  }
0xdd: {  	v4 =	vld [tilespmem:$0x95F0];
	_ =	sdelay $0x2  }
.Ltmp3:
0xde: {  	v3 =	vmul.f32 v3, v2;
	(pc) =	sbr.rel @p0 .LBB2_9-.Ltmp3, $3  }
0xdf: {  	v2 =	vmov s13  }
0xe0: {  	v1 =	vor.u32 $0x1, v2;
	v3 =	vadd.f32 v4, v3;
	_ =	sdelay $0x1  }
0xe1: {  	v3 =	vmax.f32 v3, $0.0e+00  }
0xe2: {  	_ =	sdelay $0x2  }
0xe3: {  	[tilespmem:s19+$0x30] =	vst v3  }
0xe4: {  	v2 =	vld.idx.msk [tilespmem:v2+s29+$0x0], $0xffff;
	_ =	sdelay $0x4  }
0xe5: {  	v2 =	vadd.f32 $1.000000020e-16, v2;
	_ =	sdelay $0x1  }
0xe6: {  	(erf) = vrcp.f32 v2;
	_ =	sdelay $0x3  }
0xe7: {  	s10 =	sadd.s32 $0x80, s19  }
0xe8: {  	v2 =	vld [tilespmem:s10+$0xFFFFFFC0];
	_ =	sdelay $0x1  }
0xe9: {  	v3 =	vld [tilespmem:$0x9580];
	_ =	sdelay $0x1  }
0xea: {  	v4 =	vpop (erf)  }
0xeb: {  	v2 =	vmul.f32 v4, v2;
	_ =	sdelay $0x1  }
0xec: {  	v2 =	vadd.f32 v3, v2;
	_ =	sdelay $0x1  }
0xed: {  	v3 =	vld [tilespmem:s10+$0xFFFFFFD0];
	v2 =	vmax.f32 v2, $0.0e+00  }
0xee: {  	v1 =	vld.idx.msk [tilespmem:v1+s29+$0x0], $0xffff;
	[tilespmem:s10+$0xFFFFFFC0] =	vst v2  }
0xef: {  	v2 =	vld [tilespmem:$0x9590];
	_ =	sdelay $0x2  }
0xf0: {  	v3 =	vmul.f32 v3, v4;
	_ =	sdelay $0x1  }
0xf1: {  	v2 =	vadd.f32 v2, v3;
	_ =	sdelay $0x1  }
0xf2: {  	v3 =	vld [tilespmem:s10+$0xFFFFFFE0];
	v2 =	vmax.f32 v2, $0.0e+00  }
0xf3: {  	[tilespmem:s10+$0xFFFFFFD0] =	vst v2  }
0xf4: {  	v2 =	vld [tilespmem:$0x95A0];
	_ =	sdelay $0x2  }
0xf5: {  	v3 =	vmul.f32 v3, v4;
	_ =	sdelay $0x1  }
0xf6: {  	v2 =	vadd.f32 v2, v3;
	_ =	sdelay $0x1  }
0xf7: {  	v3 =	vld [tilespmem:s10+$0xFFFFFFF0];
	v2 =	vmax.f32 v2, $0.0e+00  }
0xf8: {  	[tilespmem:s10+$0xFFFFFFE0] =	vst v2  }
0xf9: {  	v1 =	vadd.f32 $1.000000020e-16, v1;
	v2 =	vld [tilespmem:$0x95B0];
	_ =	sdelay $0x1  }
0xfa: {  	(erf) = vrcp.f32 v1  }
0xfb: {  	v1 =	vmul.f32 v3, v4;
	_ =	sdelay $0x1  }
0xfc: {  	v1 =	vadd.f32 v2, v1;
	_ =	sdelay $0x1  }
0xfd: {  	v2 =	vld [tilespmem:s10+$0x0];
	v1 =	vmax.f32 v1, $0.0e+00  }
0xfe: {  	[tilespmem:s10+$0xFFFFFFF0] =	vst v1  }
0xff: {  	v1 =	vld [tilespmem:$0x95C0];
	_ =	sdelay $0x1  }
0x100: {  	v3 =	vpop (erf)  }
0x101: {  	v2 =	vmul.f32 v2, v3;
	_ =	sdelay $0x1  }
0x102: {  	v1 =	vadd.f32 v1, v2;
	_ =	sdelay $0x1  }
0x103: {  	v2 =	vld [tilespmem:s10+$0x10];
	v1 =	vmax.f32 v1, $0.0e+00  }
0x104: {  	[tilespmem:s10+$0x0] =	vst v1  }
0x105: {  	v1 =	vld [tilespmem:$0x95D0];
	_ =	sdelay $0x2  }
0x106: {  	v2 =	vmul.f32 v2, v3;
	_ =	sdelay $0x1  }
0x107: {  	v1 =	vadd.f32 v1, v2;
	_ =	sdelay $0x1  }
0x108: {  	v2 =	vld [tilespmem:s10+$0x20];
	v1 =	vmax.f32 v1, $0.0e+00  }
0x109: {  	[tilespmem:s10+$0x10] =	vst v1  }
0x10a: {  	v1 =	vld [tilespmem:$0x95E0];
	_ =	sdelay $0x2  }
0x10b: {  	v2 =	vmul.f32 v2, v3;
	_ =	sdelay $0x1  }
0x10c: {  	v1 =	vadd.f32 v1, v2;
	_ =	sdelay $0x1  }
0x10d: {  	v2 =	vld [tilespmem:s10+$0x30];
	v1 =	vmax.f32 v1, $0.0e+00  }
0x10e: {  	[tilespmem:s10+$0x20] =	vst v1  }
0x10f: {  	v1 =	vld [tilespmem:$0x95F0];
	_ =	sdelay $0x2  }
0x110: {  	v2 =	vmul.f32 v2, v3;
	_ =	sdelay $0x1  }
0x111: {  	v1 =	vadd.f32 v1, v2  }
0x112: {  	s0 =	sadd.s32 $0x1, s0  }
0x113: {  	s5 =	sshll.u32 s5, $0x4;
	p0 =	sne.s32 s0, $0xA;
	v1 =	vmax.f32 v1, $0.0e+00  }
.Ltmp4:
0x114: {  	s5 =	sadd.s32 s18, s5;
	[tilespmem:s10+$0x30] =	vst v1;
	(pc) =	sbr.rel @p0 .LBB2_8-.Ltmp4, $4  }
0x115: {  	[hbm4b:s5+s3] =	stream.linear.scatter [tilespmem:s21], [sflag:s24], $0x2000, $0x38;
	[tilespmem:$0x1DA00] =	vst v63  }
0x116: {  	_ =	swait.ge [sflag:s24], $0x2000  }
0x117: {  	[sflag:s24] =	ssyncset.done $0x0  }
0x118: {  	[sflag:s24] =	ssyncadd.s32 $0xFFFFE000  }
0x119: {  	s30 =	sadd.s32 $0x1, s30  }
0x11a: {  	p0 =	sne.s32 s30, s16  }
.Ltmp5:
0x11b: {  	_ = 	snop;
	(pc) =	sbr.rel @p0 .LBB2_1-.Ltmp5, $1  }
0x11c: {  	_ =	sdelay $0x3  }
0x11d: {  	_ =	sfence.sel $0x180000  }
0x11e: {  	[bflag:$0x0] =	sbarrier.arrive $0xFFFF  }
0x11f: {  	_ =	strace $0x9000004A  }
0x120: {  	s0 =	stileid.u32;
	[bflag:$0x2] =	sbarrier.arrive $0xFFFF  }
0x121: {  	p0 =	sne.s32 s0, $0x0;
	s0 =	rddreg [dreg:$0x3]  }
0x122: {  	s0 =	sadd.s32 @!p0 $0x100000, s0  }
0x123: {  	[sflag:s0] =	ssyncadd.tile.s32 @!p0 $0x1;
	_ =	shalt  }
.Lfunc_end2:
_tile_overlayer_lowered:
.L_overlay_start_2:
0x124: {  	(tag) =	ssettag $0x2  }
0x125: {  	s0 =	rddreg [dreg:$0x0];
	s2 =	stileid.u32  }
0x126: {  	s1 =	rddreg [dreg:$0x1];
	p0 =	sne.s32 s2, $0x0  }
0x127: {  	s3 =	rddreg [dreg:$0x2];
	[bflag:$0x3] =	sbarrier.arrive $0xFFFF;
	s2 =	simm.s32 @!p0 $0x1C02  }
0x128: {  	[timem:s3], [sflag:s2] =	dma.local @!p0 [hbm:s0], s1  }
0x129: {  	s0 =	simm.s32 @!p0 $0x2  }
0x12a: {  	_ =	swait.ge @!p0 [sflag:s0], s1  }
0x12b: {  	s1 =	ssub.s32 @!p0 $0x0, s1;
	[sflag:s0] =	ssyncset.done @!p0 $0x0  }
0x12c: {  	[sflag:s0] =	ssyncadd.s32 @!p0 s1  }
0x12d: {  	[bflag:$0x3] =	sbarrier.arrive $0xFFFF  }
0x12e: {  	_ =	shalt  }

// kernel: kernel.14.cloned.1.call-start
scs
__scs_entry_jumppad:
0x0: {  	(pc) =	sbr.rel $0x88, $3  }
0x1: {  	(tag) =	ssettag $0x0;
	lr =	simm.s32 $0x1  }
0x2: {  	[smem:$0x3F95] =	sst lr;
	_ =	strace $0xD0000000  }
0x3: {  	_ = 	snop  }
0x4: {  	_ = 	snop  }
0x5: {  	_ = 	snop  }
0x6: {  	_ = 	snop  }
0x7: {  	_ = 	snop  }
__scs_overlays_trampoline_lowered:
0x8: {  	[smem:$0x3FA4] =	sst s0  }
0x9: {  	[smem:$0x3FA5] =	sst s1  }
0xa: {  	[smem:$0x3FA6] =	sst s2  }
0xb: {  	[smem:$0x3FA7] =	sst s3  }
0xc: {  	[smem:$0x3FA8] =	sst s4  }
0xd: {  	[smem:$0x3FA9] =	sst s5  }
0xe: {  	[smem:$0x3FAA] =	sst s6  }
0xf: {  	[smem:$0x3FAB] =	sst s7  }
0x10: {  	[smem:$0x3FAC] =	sst s8  }
0x11: {  	[smem:$0x3FAD] =	sst s9;
	s0 =	simm.s32 @!p0 $0x0  }
0x12: {  	s1 =	sld [smem:$0x3F93];
	s0 =	simm.s32 @p0 $0x1  }
0x13: {  	[smem:$0x3FAE] =	sst s0;
	s0 =	simm.s32 @!p1 $0x0  }
0x14: {  	s2 =	sld [smem:$0x3F92];
	s0 =	simm.s32 @p1 $0x1  }
0x15: {  	[smem:$0x3FAF] =	sst s0;
	s0 =	simm.s32 @!p2 $0x0  }
0x16: {  	s3 =	sld [smem:$0x3FDB];
	s0 =	simm.s32 @p2 $0x1  }
0x17: {  	s4 =	simm.s32 $0x1BF5;
	[smem:$0x3FB1] =	sst s0  }
0x18: {  	s0 =	sld [smem:$0x3F94];
	_ =	swait.ge [sflag:s4], $0x0  }
0x19: {  	s7 =	sld [smem:$0x3F95]  }
0x1a: {  	s8 =	sadd.s32 $0xFFFFE003, lr  }
0x1b: {  	s9 =	sadd.s32 $0xFFFFFEF7, lr;
	s5 =	simm.s32 $0xFFFFFFFF;
	p2 =	slt.u32 s8, $0xFFFFF086  }
0x1c: {  	p1 =	slt.u32 s9, $0xF7A;
	s5 =	simm.s32 @!p2 $0x0  }
0x1d: {  	s5 =	simm.s32 @p1 $0x1;
	p0 =	seq.s32 s7, s2  }
0x1e: {  	s7 =	smul.u32 @!p0 $0xF7A, s2;
	p2 =	seq.s32 @!p0 s5, $0x0  }
0x1f: {  	s9 =	smul.u32 $0xF7A, s1;
	s8 =	simm.s32 @!p0 $0x1BF5;
	p2 =	por !p2, p0  }
0x20: {  	[sflag:s8] =	ssyncset.s32 @!p0 $0xFFFFF086;
	s6 =	sadd.s32 @!p0 s3, s7;
	s7 =	simm.s32 @!p0 $0x108  }
0x21: {  	s3 =	sadd.s32 s3, s9;
	s6 =	sadd.s32 @!p0 $0x88, s6;
	s7 =	simm.s32 @p2 $0x1082  }
0x22: {  	[simem:s7], [sflag:s8] =	dma.local @!p0 [hbm:s6], $0xF7A  }
0x23: {  	s9 =	sor.u32 $0xD0000000, s2;
	s6 =	simm.s32 $0x108;
	_ =	swait.ge @!p0 [sflag:s8], $0x0  }
0x24: {  	s3 =	sadd.s32 $0x88, s3;
	s6 =	simm.s32 @!p1 $0x1082;
	[sflag:s4] =	ssyncset.s32 $0xFFFFF086  }
0x25: {  	[simem:s6], [sflag:s4] =	dma.local [hbm:s3], $0xF7A  }
0x26: {  	[smem:$0x3F95] =	sst s1;
	(tag) =	ssettag s2;
	_ =	strace s9  }
0x27: {  	s1 =	sld [smem:$0x3FA5]  }
0x28: {  	s2 =	sld [smem:$0x3FA6]  }
0x29: {  	s4 =	sld [smem:$0x3FA8]  }
0x2a: {  	p0 =	seq.s32 s5, $0x0;
	s5 =	sld [smem:$0x3FA9]  }
0x2b: {  	s6 =	sld [smem:$0x3FAA]  }
0x2c: {  	s7 =	sld [smem:$0x3FAB]  }
0x2d: {  	s3 =	simm.s32 $0x108;
	s8 =	sld [smem:$0x3FAC]  }
0x2e: {  	s3 =	simm.s32 @!p0 $0x1082;
	s9 =	sld [smem:$0x3FAD]  }
0x2f: {  	lr =	sadd.s32 s0, s3;
	s0 =	sld [smem:$0x3FA4]  }
0x30: {  	s3 =	sld [smem:$0x3FA7]  }
0x31: {  	[smem:$0x3FB0] =	sst s10  }
0x32: {  	s10 =	sld [smem:$0x3FAE];
	_ =	sdelay $0x3  }
0x33: {  	p0 =	seq.s32 s10, $0x1;
	s10 =	sld [smem:$0x3FB0];
	_ =	sdelay $0x3  }
0x34: {  	[smem:$0x3FB0] =	sst s10  }
0x35: {  	s10 =	sld [smem:$0x3FAF];
	_ =	sdelay $0x3  }
0x36: {  	p1 =	seq.s32 s10, $0x1;
	s10 =	sld [smem:$0x3FB0];
	_ =	sdelay $0x3  }
0x37: {  	[smem:$0x3FB0] =	sst s10  }
0x38: {  	s10 =	sld [smem:$0x3FB1]  }
0x39: {  	_ = 	snop;
	(pc) =	sbr.ind lr, $3  }
0x3a: {  	_ = 	snop  }
0x3b: {  	_ = 	snop  }
0x3c: {  	p2 =	seq.s32 s10, $0x1;
	s10 =	sld [smem:$0x3FB0]  }
0x3d: {  	_ =	shalt  }
0x3e: {  	_ =	shalt  }
0x3f: {  	_ =	shalt  }
0x40: {  	_ =	shalt  }
0x41: {  	_ =	shalt  }
0x42: {  	_ =	shalt  }
0x43: {  	_ =	shalt  }
0x44: {  	_ =	shalt  }
0x45: {  	_ =	shalt  }
0x46: {  	_ =	shalt  }
0x47: {  	_ =	shalt  }
0x48: {  	_ =	shalt  }
0x49: {  	_ =	shalt  }
0x4a: {  	_ =	shalt  }
0x4b: {  	_ =	shalt  }
0x4c: {  	_ =	shalt  }
0x4d: {  	_ =	shalt  }
0x4e: {  	_ =	shalt  }
0x4f: {  	_ =	shalt  }
0x50: {  	_ =	shalt  }
0x51: {  	_ =	shalt  }
0x52: {  	_ =	shalt  }
0x53: {  	_ =	shalt  }
0x54: {  	_ =	shalt  }
0x55: {  	_ =	shalt  }
0x56: {  	_ =	shalt  }
0x57: {  	_ =	shalt  }
0x58: {  	_ =	shalt  }
0x59: {  	_ =	shalt  }
0x5a: {  	_ =	shalt  }
0x5b: {  	_ =	shalt  }
0x5c: {  	_ =	shalt  }
0x5d: {  	_ =	shalt  }
0x5e: {  	_ =	shalt  }
0x5f: {  	_ =	shalt  }
0x60: {  	_ =	shalt  }
0x61: {  	_ =	shalt  }
0x62: {  	_ =	shalt  }
0x63: {  	_ =	shalt  }
0x64: {  	_ =	shalt  }
0x65: {  	_ =	shalt  }
0x66: {  	_ =	shalt  }
0x67: {  	_ =	shalt  }
0x68: {  	_ =	shalt  }
0x69: {  	_ =	shalt  }
0x6a: {  	_ =	shalt  }
0x6b: {  	_ =	shalt  }
0x6c: {  	_ =	shalt  }
0x6d: {  	_ =	shalt  }
0x6e: {  	_ =	shalt  }
0x6f: {  	_ =	shalt  }
0x70: {  	_ =	shalt  }
0x71: {  	_ =	shalt  }
0x72: {  	_ =	shalt  }
0x73: {  	_ =	shalt  }
0x74: {  	_ =	shalt  }
0x75: {  	_ =	shalt  }
0x76: {  	_ =	shalt  }
0x77: {  	_ =	shalt  }
0x78: {  	_ =	shalt  }
0x79: {  	_ =	shalt  }
0x7a: {  	_ =	shalt  }
0x7b: {  	_ =	shalt  }
0x7c: {  	_ =	shalt  }
0x7d: {  	_ =	shalt  }
0x7e: {  	_ =	shalt  }
0x7f: {  	_ =	shalt  }
0x80: {  	_ =	shalt  }
0x81: {  	_ =	shalt  }
0x82: {  	_ =	shalt  }
0x83: {  	_ =	shalt  }
0x84: {  	_ =	shalt  }
0x85: {  	_ =	shalt  }
0x86: {  	_ =	shalt  }
0x87: {  	_ =	shalt  }
.Lfunc_end0:
.L_simem_size_0:
called_computation.2_lowered:
.L_overlay_start_0:
0x88: {  	s2 =	sld [smem:$0x3FD9]  }
0x89: {  	s3 =	sld [smem:$0x3FFE];
	_ =	sdelay $0x1  }
0x8a: {  	s1 =	srdreg.scid  }
0x8b: {  	s0 =	sand.u32 $0x1, s1  }
0x8c: {  	s17 =	sshll.u32 s0, $0xA;
	s2 =	sadd.s32 s3, s2  }
0x8d: {  	s2 =	sadd.s32 s2, s17  }
0x8e: {  	[smem:$0x3FBC] =	sst s2  }
0x8f: {  	_ = 	snop  }
0x90: {  	s2 =	sld [smem:$0x3FD0];
	(tm) =	ssettm $0x1  }
0x91: {  	s18 =	sld [smem:$0x3FFB];
	_ =	sdelay $0x3  }
0x92: {  	_ =	strace s18  }
0x93: {  	s3 =	sld [smem:$0x3FFC];
	_ =	sdelay $0x3  }
0x94: {  	_ =	strace s3  }
0x95: {  	s3 =	sld [smem:$0x3FFD];
	_ =	sdelay $0x3  }
0x96: {  	_ =	strace s3  }
0x97: {  	_ =	strace $0x8FFFFFFF  }
0x98: {  	s19 =	sld [smem:$0x3FDB];
	_ =	sdelay $0x1  }
0x99: {  	s4 =	simm.s32 $_scs_section_size  }
0x9a: {  	s5 =	simm.s32 $_size__tile_overlayer_lowered;
	s6 =	simm.s32 $_tile_overlayer_lowered  }
0x9b: {  	s22 =	simm.s32 $0x1BFF;
	s21 =	sshll.u32 s6, $0x1;
	s3 =	sadd.s32 s4, s19  }
0x9c: {  	s7 =	simm.s32 $0x0;
	s20 =	sshll.u32 s5, $0x1;
	s5 =	sadd.s32 s21, s3  }
0x9d: {  	[timem:s7], [sflag:s22] =	dma.local [hbm:s5], s20  }
0x9e: {  	_ =	swait.ge [sflag:s22], s20  }
0x9f: {  	s4 =	ssub.s32 $0x0, s20;
	[sflag:s22] =	ssyncset.done $0x0  }
0xa0: {  	[sflag:s22] =	ssyncadd.s32 s4;
	_ =	sdelay $0x1  }
0xa1: {  	s23 =	simm.s32 $0x1B8B  }
0xa2: {  	_ =	swait.ge [sflag:s23], $0x1  }
0xa3: {  	[sflag:s23] =	ssyncset.done $0x0  }
0xa4: {  	s25 =	simm.s32 $0x1B8E;
	s24 =	sld [smem:$0x3FFE];
	[sflag:s23] =	ssyncadd.s32 $0xFFFFFFFF  }
0xa5: {  	s26 =	simm.s32 $execute0_lowered;
	[smem:$0x3FD2] =	sst s25  }
0xa6: {  	s5 =	sshll.u32 s26, $0x1;
	_ =	strace $0x8000004C;
	[dreg:$0x1] =	wrdreg $0xFFFFFFFF  }
0xa7: {  	s28 =	simm.s32 $_size_execute0_lowered;
	s3 =	sadd.s32 s3, s5;
	[dreg:$0x0] =	wrdreg $0x0  }
0xa8: {  	s5 =	sshll.u32 s28, $0x1;
	[dreg:$0x2] =	wrdreg s3  }
0xa9: {  	[dreg:$0x3] =	wrdreg s5  }
0xaa: {  	[dreg:$0x4] =	wrdreg $0xC0  }
0xab: {  	_ =	task [dreg:s7], $0x5FFFF  }
0xac: {  	[dreg:$0x1] =	wrdreg $0xFFFFFFFF  }
0xad: {  	[dreg:$0x0] =	wrdreg $0x60  }
0xae: {  	[dreg:$0x2] =	wrdreg s2  }
0xaf: {  	[dreg:$0x3] =	wrdreg s24  }
0xb0: {  	[dreg:$0x4] =	wrdreg $0xB3000  }
0xb1: {  	[dreg:$0x5] =	wrdreg $0x9  }
0xb2: {  	_ =	task.clear_ibuf [dreg:s7], $0x6FFFF;
	_ =	strace $0x9000004C  }
0xb3: {  	s29 =	simm.s32 $0x9;
	_ =	strace $0x8000004E  }
0xb4: {  	_ =	swait.ge [sflag:s29], $0x1  }
0xb5: {  	[sflag:s29] =	ssyncadd.s32 $0xFFFFFFFF  }
0xb6: {  	_ =	strace $0x9000004E  }
0xb7: {  	_ =	sfence  }
0xb8: {  	s30 =	sld [smem:$0x0];
	_ =	sdelay $0x2  }
0xb9: {  	s31 =	sshll.u32 s1, $0xD;
	s1 =	sshrl.u32 s1, $0x2  }
0xba: {  	s3 =	sand.u32 $0x4000, s31;
	s1 =	sadd.s32 s1, s30  }
0xbb: {  	s0 =	sor.u32 s3, s0;
	s1 =	sshll.u32 s1, $0x11  }
0xbc: {  	s0 =	sor.u32 s1, s0  }
0xbd: {  	s0 =	sadd.s32 $0x8F2B, s0  }
0xbe: {  	[sflag:s0] =	ssyncadd.remote.s32 $0x1  }
0xbf: {  	_ =	sfence.sel $0xFFFF  }
0xc0: {  	[dreg:$0x0] =	wrdreg $0xFFFFFFFF;
	(pc) =	sbr.abs _section_cstart, $3  }
0xc1: {  	[dreg:$0x1] =	wrdreg $0xFFFFFFFF  }
0xc2: {  	_ =	task.clear_ibuf [dreg:s7], $0x2FFFF;
	_ =	strace $0x9FFFFFFF  }
0xc3: {  	(tm) =	ssettm $0x7FFFFFFF  }
tec
execute0_lowered:
.L_overlay_start_1:
0x0: {  	(tag) =	ssettag $0x1  }
0x1: {  	s1 =	rddreg [dreg:$0x0]  }
0x2: {  	s12 =	rddreg [dreg:$0x1]  }
0x3: {  	s3 =	rddreg [dreg:$0x2]  }
0x4: {  	s0 =	rddreg [dreg:$0x3]  }
0x5: {  	s5 =	srdreg.scid;
	s2 =	stileid.u32  }
0x6: {  	s4 =	simm.s32 $0x0;
	s14 =	simm.s32 $0x56000;
	s15 =	simm.s32 $0xAE00  }
0x7: {  	s16 =	simm.s32 $0xA500;
	s17 =	simm.s32 $0xA980;
	s18 =	simm.s32 $0x480  }
0x8: {  	s19 =	simm.s32 $0x0;
	s9 =	sand.u32 $0x1, s5;
	s7 =	smul.u32 $0x500, s2  }
0x9: {  	[smem:$0x7FF] =	sst s4;
	s5 =	sadd.s32 $0x7F400, s12;
	s6 =	smul.u32 $0x5000, s9  }
0xa: {  	_ =	strace $0x8000004D;
	s10 =	ssub.s32 $0x2, s9;
	p0 =	seq.s32 s9, $0x1  }
0xb: {  	s9 =	smul.u32 $0xA2000, s9;
	s11 =	sshrl.u32 s10, $0x1;
	s14 =	simm.s32 @!p0 $0x54C00  }
0xc: {  	v0 =	vlaneseq.u32;
	s8 =	sadd.s32 s7, s6;
	s6 =	sadd.s32 $0x89600, s12;
	s11 =	ssub.s32 s10, s11  }
0xd: {  	v0 =	vmul.u32 $0x2, v0;
	s7 =	sadd.s32 s7, s3;
	s8 =	sshrl.u32 s8, $0x3;
	s11 =	smax.u32 s11, $0x1  }
0xe: {  	s13 =	sadd.s32 s8, s12;
	s8 =	smul.u32 $0x5100, s2;
	s12 =	sadd.s32 s14, s12  }
0xf: {  	v1 =	vimm.f32 $0.0e+00;
	v2 =	vor.u32 $0x1, v0;
	s14 =	simm.s32 $0x1;
	s10 =	sadd.s32 $0x57400, s13;
	s13 =	simm.s32 $0x500  }
.LBB2_1:
0x10: {  	[tilespmem:s13], [sflag:$0x1] =	stream.linear.gather [hbm4b:s12+s4], $0xA000, $0x38;
	[tilespmem:$0xB800] =	vst v63  }
0x11: {  	_ =	swait.ge [sflag:s14], $0xA000  }
0x12: {  	[sflag:s14] =	ssyncset.done $0x0  }
0x13: {  	s20 =	simm.s32 $0x40;
	s21 =	simm.s32 $0x0;
	[sflag:s14] =	ssyncadd.s32 $0xFFFF6000  }
.LBB2_2:
0x14: {  	p0 =	sne.s32 s20, $0x13C0;
	[tilespmem:s21+$0xAE00] =	vst v1;
	s21 =	smov.u32 s20;
	s20 =	sadd.s32 $0x40, s20  }
.Ltmp0:
0x15: {  	(pc) =	sbr.rel @p0 .LBB2_2-.Ltmp0, $2  }
0x16: {  	_ =	sdelay $0x2  }
0x17: {  	s21 =	sshra.s32 s21, $0x2  }
0x18: {  	[tilespmem:s21+$0xAE00] =	vst v1  }
0x19: {  	[spmem:s7] =	stream.linear.scatter [tilespmem:s15], [sflag:$0x1], $0x500, $0x38;
	[tilespmem:$0xB800] =	vst v63  }
0x1a: {  	_ =	swait.ge [sflag:s14], $0x500  }
0x1b: {  	[sflag:s14] =	ssyncset.done $0x0  }
0x1c: {  	[sflag:s14] =	ssyncadd.s32 $0xFFFFFB00  }
0x1d: {  	s20 =	simm.s32 $0x0;
	s21 =	simm.s32 $0x0;
	[bflag:$0x0] =	sbarrier.arrive $0xFFFF  }
.LBB2_4:
0x1e: {  	s22 =	smul.u32 $0x240, s21;
	_ =	sdelay $0x1  }
0x1f: {  	s22 =	sadd.s32 s8, s22  }
0x20: {  	s23 =	sshrl.u32 s22, $0x3  }
0x21: {  	s24 =	sadd.s32 s1, s23  }
0x22: {  	[tilespmem:s20], [sflag:$0x1] =	stream.linear.gather [hbm4b:s24+s20], $0x240, $0x38;
	[tilespmem:$0xB800] =	vst v63  }
0x23: {  	_ =	swait.ge [sflag:s14], $0x240  }
0x24: {  	[sflag:s14] =	ssyncset.done $0x0  }
0x25: {  	s31 =	sadd.s32 s5, s23;
	s23 =	simm.s32 $0x280;
	[sflag:s14] =	ssyncadd.s32 $0xFFFFFDC0  }
0x26: {  	[tilespmem:s23], [sflag:$0x1] =	stream.linear.gather [hbm4b:s31+s20], $0x240, $0x38;
	[tilespmem:$0xB800] =	vst v63  }
0x27: {  	_ =	swait.ge [sflag:s14], $0x240  }
0x28: {  	[sflag:s14] =	ssyncset.done $0x0  }
0x29: {  	[sflag:s14] =	ssyncadd.s32 $0xFFFFFDC0  }
0x2a: {  	v4 =	vld [tilespmem:s20+$0x0]  }
0x2b: {  	v3 =	vld [tilespmem:s23+$0x0];
	_ =	sdelay $0x4  }
0x2c: {  	v4 =	vshll.u32 v4, $0x2;
	v5 =	vshll.u32 v3, $0x2  }
0x2d: {  	v6 =	vor.u32 $0x2, v5;
	_ =	sdelay $0x3  }
0x2e: {  	v7 =	vld.idx.msk [tilespmem:v4+s13+$0x0], $0xffff  }
0x2f: {  	v6 =	vld.idx.msk [tilespmem:v6+s13+$0x0], $0xffff;
	_ =	sdelay $0x2  }
0x30: {  	v5 =	vor.u32 $0x3, v5  }
0x31: {  	v4 =	vor.u32 $0x1, v4  }
0x32: {  	v6 =	vadd.f32 v6, v7;
	_ =	sdelay $0x1  }
0x33: {  	v7 =	vmul.f32 $2.000000030e-01, v6  }
0x34: {  	v5 =	vld.idx.msk [tilespmem:v5+s13+$0x0], $0xffff  }
0x35: {  	v4 =	vld.idx.msk [tilespmem:v4+s13+$0x0], $0xffff;
	v6 =	vmax.f32 v6, v7  }
0x36: {  	v6 =	vmul.f32 $1.442695020e+00, v6;
	_ =	sdelay $0x1  }
0x37: {  	(erf) = vpow2.f32 v6;
	_ =	sdelay $0x1  }
0x38: {  	v5 =	vadd.f32 v5, v4;
	_ =	sdelay $0x1  }
0x39: {  	v6 =	vmul.f32 $2.000000030e-01, v5;
	_ =	sdelay $0x1  }
0x3a: {  	v5 =	vmax.f32 v5, v6  }
0x3b: {  	v5 =	vmul.f32 $1.442695020e+00, v5;
	_ =	sdelay $0x1  }
0x3c: {  	v6 =	vpop (erf);
	(erf) = vpow2.f32 v5;
	_ =	sdelay $0x2  }
0x3d: {  	v4 =	vor.u32 s20, v0;
	_ =	sdelay $0x1  }
0x3e: {  	v5 =	vor.u32 s20, v2;
	_ =	sdelay $0x2  }
0x3f: {  	s25 =	simm.s32 $0x0;
	s24 =	simm.s32 $0x20;
	[tilespmem:v4+s16+$0x0] =	vst.idx.msk $0xffff, v6  }
.LBB2_5:
0x40: {  	p0 =	sne.s32 s24, $0x460;
	s25 =	sadd.s32 $0x10, s25;
	s23 =	sadd.s32 $0x10, s23;
	v6 =	vpop (erf)  }
0x41: {  	v3 =	vshll.u32 v3, $0x1;
	s26 =	smov.u32 s24;
	s24 =	sadd.s32 $0x20, s24;
	[tilespmem:v5+s16+$0x0] =	vst.idx.msk $0xffff, v6  }
0x42: {  	[tilespmem:v4+s17+$0x0] =	vst.idx.msk $0xffff, v3;
	v3 =	vor.u32 $0x1, v3  }
0x43: {  	[tilespmem:v5+s17+$0x0] =	vst.idx.msk $0xffff, v3  }
0x44: {  	v4 =	vld [tilespmem:s25+$0x0]  }
0x45: {  	v3 =	vld [tilespmem:s23+$0x0];
	_ =	sdelay $0x3  }
0x46: {  	v4 =	vshll.u32 v4, $0x2  }
0x47: {  	v5 =	vshll.u32 v3, $0x2;
	v6 =	vor.u32 $0x1, v4  }
0x48: {  	v7 =	vor.u32 $0x2, v5;
	v5 =	vor.u32 $0x3, v5;
	_ =	sdelay $0x3  }
0x49: {  	v4 =	vld.idx.msk [tilespmem:v4+s13+$0x0], $0xffff  }
0x4a: {  	v7 =	vld.idx.msk [tilespmem:v7+s13+$0x0], $0xffff  }
0x4b: {  	v6 =	vld.idx.msk [tilespmem:v6+s13+$0x0], $0xffff  }
0x4c: {  	v5 =	vld.idx.msk [tilespmem:v5+s13+$0x0], $0xffff;
	_ =	sdelay $0x3  }
0x4d: {  	v4 =	vadd.f32 v7, v4;
	_ =	sdelay $0x1  }
0x4e: {  	v5 =	vadd.f32 v5, v6;
	v6 =	vmul.f32 $2.000000030e-01, v4;
	_ =	sdelay $0x1  }
0x4f: {  	v4 =	vmax.f32 v4, v6;
	v6 =	vmul.f32 $2.000000030e-01, v5  }
0x50: {  	v4 =	vmul.f32 $1.442695020e+00, v4  }
0x51: {  	v5 =	vmax.f32 v5, v6  }
0x52: {  	v5 =	vmul.f32 $1.442695020e+00, v5;
	(erf) = vpow2.f32 v4;
	_ =	sdelay $0x1  }
0x53: {  	(erf) = vpow2.f32 v5;
	_ =	sdelay $0x2  }
0x54: {  	v4 =	vor.u32 s26, v0  }
.Ltmp1:
0x55: {  	(pc) =	sbr.rel @p0 .LBB2_5-.Ltmp1, $3  }
0x56: {  	v5 =	vor.u32 s26, v2;
	_ =	sdelay $0x1  }
0x57: {  	v6 =	vpop (erf)  }
0x58: {  	[tilespmem:v4+s16+$0x0] =	vst.idx.msk $0xffff, v6  }
0x59: {  	_ =	sdelay $0x2  }
0x5a: {  	v6 =	vpop (erf)  }
0x5b: {  	v3 =	vshll.u32 v3, $0x1;
	[tilespmem:v5+s16+$0x0] =	vst.idx.msk $0xffff, v6  }
0x5c: {  	[tilespmem:v4+s17+$0x0] =	vst.idx.msk $0xffff, v3;
	v3 =	vor.u32 $0x1, v3  }
0x5d: {  	s22 =	sshll.u32 s22, $0x1;
	[tilespmem:v5+s17+$0x0] =	vst.idx.msk $0xffff, v3  }
0x5e: {  	[spmem:s3] =	stream.indirect.scatter.add.f32 [tilespmem:s16], [sflag:$0x1], $0x1, s17, s18, $0xb8;
	[tilespmem:$0xB800] =	vst v63  }
0x5f: {  	s21 =	sadd.s32 $0x1, s21;
	s22 =	sadd.s32 s9, s22;
	_ =	swait.ge [sflag:s14], $0x480  }
0x60: {  	p0 =	sne.s32 s21, $0x24;
	s22 =	sshrl.u32 s22, $0x3;
	[sflag:s14] =	ssyncset.done $0x0  }
.Ltmp2:
0x61: {  	s22 =	sadd.s32 s6, s22;
	[sflag:s14] =	ssyncadd.s32 $0xFFFFFB80;
	(pc) =	sbr.rel @p0 .LBB2_4-.Ltmp2, $4  }
0x62: {  	[hbm4b:s22+s4] =	stream.linear.scatter [tilespmem:s16], [sflag:$0x1], $0x480, $0x38;
	[tilespmem:$0xB800] =	vst v63  }
0x63: {  	_ =	swait.ge [sflag:s14], $0x480  }
0x64: {  	[sflag:s14] =	ssyncset.done $0x0  }
0x65: {  	[sflag:s14] =	ssyncadd.s32 $0xFFFFFB80  }
0x66: {  	[bflag:$0x0] =	sbarrier.arrive $0xFFFF  }
0x67: {  	[tilespmem:s15], [sflag:$0x1] =	stream.linear.gather [spmem:s7], $0x500, $0x38;
	[tilespmem:$0xB800] =	vst v63  }
0x68: {  	s19 =	sadd.s32 $0x1, s19;
	_ =	swait.ge [sflag:s14], $0x500  }
0x69: {  	p0 =	sne.s32 s19, s11;
	[sflag:s14] =	ssyncset.done $0x0  }
.Ltmp3:
0x6a: {  	[sflag:s14] =	ssyncadd.s32 $0xFFFFFB00;
	(pc) =	sbr.rel @p0 .LBB2_1-.Ltmp3, $4  }
0x6b: {  	[hbm4b:s10+s4] =	stream.linear.scatter [tilespmem:s15], [sflag:$0x1], $0x500, $0x38;
	[tilespmem:$0xB800] =	vst v63  }
0x6c: {  	_ =	swait.ge [sflag:s14], $0x500  }
0x6d: {  	[sflag:s14] =	ssyncset.done $0x0  }
0x6e: {  	[sflag:s14] =	ssyncadd.s32 $0xFFFFFB00  }
0x6f: {  	_ =	sfence.sel $0x180000  }
0x70: {  	[bflag:$0x0] =	sbarrier.arrive $0xFFFF  }
0x71: {  	p0 =	sne.s32 s2, $0x0;
	_ =	strace $0x9000004D  }
0x72: {  	s0 =	sadd.s32 @!p0 $0x100000, s0;
	[bflag:$0x2] =	sbarrier.arrive $0xFFFF  }
0x73: {  	[sflag:s0] =	ssyncadd.tile.s32 @!p0 $0x1;
	_ =	shalt  }
.Lfunc_end2:
_tile_overlayer_lowered:
.L_overlay_start_2:
0x74: {  	(tag) =	ssettag $0x2  }
0x75: {  	s0 =	rddreg [dreg:$0x0];
	s2 =	stileid.u32  }
0x76: {  	s1 =	rddreg [dreg:$0x1];
	p0 =	sne.s32 s2, $0x0  }
0x77: {  	s3 =	rddreg [dreg:$0x2];
	[bflag:$0x3] =	sbarrier.arrive $0xFFFF;
	s2 =	simm.s32 @!p0 $0x1C01  }
0x78: {  	[timem:s3], [sflag:s2] =	dma.local @!p0 [hbm:s0], s1  }
0x79: {  	s0 =	simm.s32 @!p0 $0x1  }
0x7a: {  	_ =	swait.ge @!p0 [sflag:s0], s1  }
0x7b: {  	s1 =	ssub.s32 @!p0 $0x0, s1;
	[sflag:s0] =	ssyncset.done @!p0 $0x0  }
0x7c: {  	[sflag:s0] =	ssyncadd.s32 @!p0 s1  }
0x7d: {  	[bflag:$0x3] =	sbarrier.arrive $0xFFFF  }
0x7e: {  	_ =	shalt  }

// kernel: kernel.17.cloned.1.call-start
scs
__scs_entry_jumppad:
0x0: {  	(pc) =	sbr.rel $0x88, $3  }
0x1: {  	(tag) =	ssettag $0x0;
	lr =	simm.s32 $0x1  }
0x2: {  	[smem:$0x3F95] =	sst lr;
	_ =	strace $0xD0000000  }
0x3: {  	_ = 	snop  }
0x4: {  	_ = 	snop  }
0x5: {  	_ = 	snop  }
0x6: {  	_ = 	snop  }
0x7: {  	_ = 	snop  }
__scs_overlays_trampoline_lowered:
0x8: {  	[smem:$0x3FA4] =	sst s0  }
0x9: {  	[smem:$0x3FA5] =	sst s1  }
0xa: {  	[smem:$0x3FA6] =	sst s2  }
0xb: {  	[smem:$0x3FA7] =	sst s3  }
0xc: {  	[smem:$0x3FA8] =	sst s4  }
0xd: {  	[smem:$0x3FA9] =	sst s5  }
0xe: {  	[smem:$0x3FAA] =	sst s6  }
0xf: {  	[smem:$0x3FAB] =	sst s7  }
0x10: {  	[smem:$0x3FAC] =	sst s8  }
0x11: {  	[smem:$0x3FAD] =	sst s9;
	s0 =	simm.s32 @!p0 $0x0  }
0x12: {  	s1 =	sld [smem:$0x3F93];
	s0 =	simm.s32 @p0 $0x1  }
0x13: {  	[smem:$0x3FAE] =	sst s0;
	s0 =	simm.s32 @!p1 $0x0  }
0x14: {  	s2 =	sld [smem:$0x3F92];
	s0 =	simm.s32 @p1 $0x1  }
0x15: {  	[smem:$0x3FAF] =	sst s0;
	s0 =	simm.s32 @!p2 $0x0  }
0x16: {  	s3 =	sld [smem:$0x3FDB];
	s0 =	simm.s32 @p2 $0x1  }
0x17: {  	s4 =	simm.s32 $0x1BF5;
	[smem:$0x3FB1] =	sst s0  }
0x18: {  	s0 =	sld [smem:$0x3F94];
	_ =	swait.ge [sflag:s4], $0x0  }
0x19: {  	s7 =	sld [smem:$0x3F95]  }
0x1a: {  	s8 =	sadd.s32 $0xFFFFE003, lr  }
0x1b: {  	s9 =	sadd.s32 $0xFFFFFEF7, lr;
	s5 =	simm.s32 $0xFFFFFFFF;
	p2 =	slt.u32 s8, $0xFFFFF086  }
0x1c: {  	p1 =	slt.u32 s9, $0xF7A;
	s5 =	simm.s32 @!p2 $0x0  }
0x1d: {  	s5 =	simm.s32 @p1 $0x1;
	p0 =	seq.s32 s7, s2  }
0x1e: {  	s7 =	smul.u32 @!p0 $0xF7A, s2;
	p2 =	seq.s32 @!p0 s5, $0x0  }
0x1f: {  	s9 =	smul.u32 $0xF7A, s1;
	s8 =	simm.s32 @!p0 $0x1BF5;
	p2 =	por !p2, p0  }
0x20: {  	[sflag:s8] =	ssyncset.s32 @!p0 $0xFFFFF086;
	s6 =	sadd.s32 @!p0 s3, s7;
	s7 =	simm.s32 @!p0 $0x108  }
0x21: {  	s3 =	sadd.s32 s3, s9;
	s6 =	sadd.s32 @!p0 $0x88, s6;
	s7 =	simm.s32 @p2 $0x1082  }
0x22: {  	[simem:s7], [sflag:s8] =	dma.local @!p0 [hbm:s6], $0xF7A  }
0x23: {  	s9 =	sor.u32 $0xD0000000, s2;
	s6 =	simm.s32 $0x108;
	_ =	swait.ge @!p0 [sflag:s8], $0x0  }
0x24: {  	s3 =	sadd.s32 $0x88, s3;
	s6 =	simm.s32 @!p1 $0x1082;
	[sflag:s4] =	ssyncset.s32 $0xFFFFF086  }
0x25: {  	[simem:s6], [sflag:s4] =	dma.local [hbm:s3], $0xF7A  }
0x26: {  	[smem:$0x3F95] =	sst s1;
	(tag) =	ssettag s2;
	_ =	strace s9  }
0x27: {  	s1 =	sld [smem:$0x3FA5]  }
0x28: {  	s2 =	sld [smem:$0x3FA6]  }
0x29: {  	s4 =	sld [smem:$0x3FA8]  }
0x2a: {  	p0 =	seq.s32 s5, $0x0;
	s5 =	sld [smem:$0x3FA9]  }
0x2b: {  	s6 =	sld [smem:$0x3FAA]  }
0x2c: {  	s7 =	sld [smem:$0x3FAB]  }
0x2d: {  	s3 =	simm.s32 $0x108;
	s8 =	sld [smem:$0x3FAC]  }
0x2e: {  	s3 =	simm.s32 @!p0 $0x1082;
	s9 =	sld [smem:$0x3FAD]  }
0x2f: {  	lr =	sadd.s32 s0, s3;
	s0 =	sld [smem:$0x3FA4]  }
0x30: {  	s3 =	sld [smem:$0x3FA7]  }
0x31: {  	[smem:$0x3FB0] =	sst s10  }
0x32: {  	s10 =	sld [smem:$0x3FAE];
	_ =	sdelay $0x3  }
0x33: {  	p0 =	seq.s32 s10, $0x1;
	s10 =	sld [smem:$0x3FB0];
	_ =	sdelay $0x3  }
0x34: {  	[smem:$0x3FB0] =	sst s10  }
0x35: {  	s10 =	sld [smem:$0x3FAF];
	_ =	sdelay $0x3  }
0x36: {  	p1 =	seq.s32 s10, $0x1;
	s10 =	sld [smem:$0x3FB0];
	_ =	sdelay $0x3  }
0x37: {  	[smem:$0x3FB0] =	sst s10  }
0x38: {  	s10 =	sld [smem:$0x3FB1]  }
0x39: {  	_ = 	snop;
	(pc) =	sbr.ind lr, $3  }
0x3a: {  	_ = 	snop  }
0x3b: {  	_ = 	snop  }
0x3c: {  	p2 =	seq.s32 s10, $0x1;
	s10 =	sld [smem:$0x3FB0]  }
0x3d: {  	_ =	shalt  }
0x3e: {  	_ =	shalt  }
0x3f: {  	_ =	shalt  }
0x40: {  	_ =	shalt  }
0x41: {  	_ =	shalt  }
0x42: {  	_ =	shalt  }
0x43: {  	_ =	shalt  }
0x44: {  	_ =	shalt  }
0x45: {  	_ =	shalt  }
0x46: {  	_ =	shalt  }
0x47: {  	_ =	shalt  }
0x48: {  	_ =	shalt  }
0x49: {  	_ =	shalt  }
0x4a: {  	_ =	shalt  }
0x4b: {  	_ =	shalt  }
0x4c: {  	_ =	shalt  }
0x4d: {  	_ =	shalt  }
0x4e: {  	_ =	shalt  }
0x4f: {  	_ =	shalt  }
0x50: {  	_ =	shalt  }
0x51: {  	_ =	shalt  }
0x52: {  	_ =	shalt  }
0x53: {  	_ =	shalt  }
0x54: {  	_ =	shalt  }
0x55: {  	_ =	shalt  }
0x56: {  	_ =	shalt  }
0x57: {  	_ =	shalt  }
0x58: {  	_ =	shalt  }
0x59: {  	_ =	shalt  }
0x5a: {  	_ =	shalt  }
0x5b: {  	_ =	shalt  }
0x5c: {  	_ =	shalt  }
0x5d: {  	_ =	shalt  }
0x5e: {  	_ =	shalt  }
0x5f: {  	_ =	shalt  }
0x60: {  	_ =	shalt  }
0x61: {  	_ =	shalt  }
0x62: {  	_ =	shalt  }
0x63: {  	_ =	shalt  }
0x64: {  	_ =	shalt  }
0x65: {  	_ =	shalt  }
0x66: {  	_ =	shalt  }
0x67: {  	_ =	shalt  }
0x68: {  	_ =	shalt  }
0x69: {  	_ =	shalt  }
0x6a: {  	_ =	shalt  }
0x6b: {  	_ =	shalt  }
0x6c: {  	_ =	shalt  }
0x6d: {  	_ =	shalt  }
0x6e: {  	_ =	shalt  }
0x6f: {  	_ =	shalt  }
0x70: {  	_ =	shalt  }
0x71: {  	_ =	shalt  }
0x72: {  	_ =	shalt  }
0x73: {  	_ =	shalt  }
0x74: {  	_ =	shalt  }
0x75: {  	_ =	shalt  }
0x76: {  	_ =	shalt  }
0x77: {  	_ =	shalt  }
0x78: {  	_ =	shalt  }
0x79: {  	_ =	shalt  }
0x7a: {  	_ =	shalt  }
0x7b: {  	_ =	shalt  }
0x7c: {  	_ =	shalt  }
0x7d: {  	_ =	shalt  }
0x7e: {  	_ =	shalt  }
0x7f: {  	_ =	shalt  }
0x80: {  	_ =	shalt  }
0x81: {  	_ =	shalt  }
0x82: {  	_ =	shalt  }
0x83: {  	_ =	shalt  }
0x84: {  	_ =	shalt  }
0x85: {  	_ =	shalt  }
0x86: {  	_ =	shalt  }
0x87: {  	_ =	shalt  }
.Lfunc_end0:
.L_simem_size_0:
called_computation.3_lowered:
.L_overlay_start_0:
0x88: {  	s2 =	sld [smem:$0x3FD9]  }
0x89: {  	s3 =	sld [smem:$0x3FFE];
	_ =	sdelay $0x1  }
0x8a: {  	s1 =	srdreg.scid  }
0x8b: {  	s0 =	sand.u32 $0x1, s1  }
0x8c: {  	s17 =	sshll.u32 s0, $0xA;
	s2 =	sadd.s32 s3, s2  }
0x8d: {  	s2 =	sadd.s32 s2, s17  }
0x8e: {  	[smem:$0x3FBC] =	sst s2  }
0x8f: {  	_ = 	snop  }
0x90: {  	s2 =	sld [smem:$0x3FD0];
	(tm) =	ssettm $0x1  }
0x91: {  	s18 =	sld [smem:$0x3FFB];
	_ =	sdelay $0x3  }
0x92: {  	_ =	strace s18  }
0x93: {  	s3 =	sld [smem:$0x3FFC];
	_ =	sdelay $0x3  }
0x94: {  	_ =	strace s3  }
0x95: {  	s3 =	sld [smem:$0x3FFD];
	_ =	sdelay $0x3  }
0x96: {  	_ =	strace s3  }
0x97: {  	_ =	strace $0x8FFFFFFF  }
0x98: {  	s19 =	sld [smem:$0x3FDB];
	_ =	sdelay $0x1  }
0x99: {  	s4 =	simm.s32 $_scs_section_size  }
0x9a: {  	s5 =	simm.s32 $_size__tile_overlayer_lowered;
	s6 =	simm.s32 $_tile_overlayer_lowered  }
0x9b: {  	s22 =	simm.s32 $0x1BFF;
	s21 =	sshll.u32 s6, $0x1;
	s3 =	sadd.s32 s4, s19  }
0x9c: {  	s7 =	simm.s32 $0x0;
	s20 =	sshll.u32 s5, $0x1;
	s5 =	sadd.s32 s21, s3  }
0x9d: {  	[timem:s7], [sflag:s22] =	dma.local [hbm:s5], s20  }
0x9e: {  	_ =	swait.ge [sflag:s22], s20  }
0x9f: {  	s4 =	ssub.s32 $0x0, s20;
	[sflag:s22] =	ssyncset.done $0x0  }
0xa0: {  	[sflag:s22] =	ssyncadd.s32 s4;
	_ =	sdelay $0x1  }
0xa1: {  	s23 =	simm.s32 $0x1B8B  }
0xa2: {  	_ =	swait.ge [sflag:s23], $0x1  }
0xa3: {  	[sflag:s23] =	ssyncset.done $0x0  }
0xa4: {  	s25 =	simm.s32 $0x1B8E;
	s24 =	sld [smem:$0x3FFE];
	[sflag:s23] =	ssyncadd.s32 $0xFFFFFFFF  }
0xa5: {  	s26 =	simm.s32 $execute0_lowered;
	[smem:$0x3FD2] =	sst s25  }
0xa6: {  	s5 =	sshll.u32 s26, $0x1;
	_ =	strace $0x8000004F;
	[dreg:$0x1] =	wrdreg $0xFFFFFFFF  }
0xa7: {  	s28 =	simm.s32 $_size_execute0_lowered;
	s3 =	sadd.s32 s3, s5;
	[dreg:$0x0] =	wrdreg $0x0  }
0xa8: {  	s5 =	sshll.u32 s28, $0x1;
	[dreg:$0x2] =	wrdreg s3  }
0xa9: {  	[dreg:$0x3] =	wrdreg s5  }
0xaa: {  	[dreg:$0x4] =	wrdreg $0xC0  }
0xab: {  	_ =	task [dreg:s7], $0x5FFFF  }
0xac: {  	[dreg:$0x1] =	wrdreg $0xFFFFFFFF  }
0xad: {  	[dreg:$0x0] =	wrdreg $0x60  }
0xae: {  	[dreg:$0x2] =	wrdreg s2  }
0xaf: {  	[dreg:$0x3] =	wrdreg s24  }
0xb0: {  	[dreg:$0x4] =	wrdreg $0x98000  }
0xb1: {  	[dreg:$0x5] =	wrdreg $0x9  }
0xb2: {  	_ =	task.clear_ibuf [dreg:s7], $0x6FFFF;
	_ =	strace $0x9000004F  }
0xb3: {  	s29 =	simm.s32 $0x9;
	_ =	strace $0x80000051  }
0xb4: {  	_ =	swait.ge [sflag:s29], $0x1  }
0xb5: {  	[sflag:s29] =	ssyncadd.s32 $0xFFFFFFFF  }
0xb6: {  	_ =	strace $0x90000051  }
0xb7: {  	_ =	sfence  }
0xb8: {  	s30 =	sld [smem:$0x0];
	_ =	sdelay $0x2  }
0xb9: {  	s31 =	sshll.u32 s1, $0xD;
	s1 =	sshrl.u32 s1, $0x2  }
0xba: {  	s3 =	sand.u32 $0x4000, s31;
	s1 =	sadd.s32 s1, s30  }
0xbb: {  	s0 =	sor.u32 s3, s0;
	s1 =	sshll.u32 s1, $0x11  }
0xbc: {  	s0 =	sor.u32 s1, s0  }
0xbd: {  	s0 =	sadd.s32 $0x8F2B, s0  }
0xbe: {  	[sflag:s0] =	ssyncadd.remote.s32 $0x1  }
0xbf: {  	_ =	sfence.sel $0xFFFF  }
0xc0: {  	[dreg:$0x0] =	wrdreg $0xFFFFFFFF;
	(pc) =	sbr.abs _section_cstart, $3  }
0xc1: {  	[dreg:$0x1] =	wrdreg $0xFFFFFFFF  }
0xc2: {  	_ =	task.clear_ibuf [dreg:s7], $0x2FFFF;
	_ =	strace $0x9FFFFFFF  }
0xc3: {  	(tm) =	ssettm $0x7FFFFFFF  }
tec
execute0_lowered:
.L_overlay_start_1:
0x0: {  	(tag) =	ssettag $0x1  }
0x1: {  	s1 =	rddreg [dreg:$0x0]  }
0x2: {  	s0 =	srdreg.scid;
	s19 =	stileid.u32  }
0x3: {  	s3 =	rddreg [dreg:$0x1];
	s2 =	simm.s32 $0x0;
	s0 =	sand.u32 $0x1, s0  }
0x4: {  	s4 =	smul.u32 $0x280, s19;
	[smem:$0x7FF] =	sst s2;
	s7 =	sadd.s32 $0xB1E00, s3  }
0x5: {  	s5 =	ssub.s32 $0x2, s0;
	s6 =	smul.u32 $0x2800, s0;
	s0 =	sshll.u32 s0, $0x4  }
0x6: {  	s8 =	sshrl.u32 s5, $0x1;
	s9 =	sor.u32 $0x40, s4;
	s11 =	sadd.s32 $0x80, s4  }
0x7: {  	s20 =	sadd.s32 $0x180, s4;
	s21 =	sadd.s32 $0x1C0, s4;
	s29 =	sadd.s32 $0x200, s4  }
0x8: {  	s0 =	sor.u32 s19, s0;
	s5 =	ssub.s32 s5, s8;
	s26 =	sadd.s32 s6, s4  }
0x9: {  	s10 =	sadd.s32 s6, s9;
	s12 =	sadd.s32 s6, s11;
	s18 =	sadd.s32 s6, s20  }
0xa: {  	s22 =	sadd.s32 s6, s21;
	s24 =	sadd.s32 s6, s29;
	s8 =	sshll.u32 s26, $0x4  }
0xb: {  	s10 =	sshll.u32 s10, $0x4;
	s13 =	sshll.u32 s12, $0x4;
	s8 =	sadd.s32 s7, s8  }
0xc: {  	s23 =	sshll.u32 s22, $0x4;
	[dreg:$0x4] =	wrdreg s8;
	s8 =	sadd.s32 s7, s10  }
0xd: {  	s25 =	sshll.u32 s24, $0x4;
	s10 =	sadd.s32 $0xC0, s4;
	[dreg:$0x5] =	wrdreg s8  }
0xe: {  	s8 =	sadd.s32 s7, s13;
	s14 =	sadd.s32 s6, s10;
	s13 =	sadd.s32 $0x100, s4  }
0xf: {  	s10 =	sshll.u32 s10, $0x7;
	[dreg:$0x6] =	wrdreg s8;
	s8 =	sshll.u32 s14, $0x4  }
0x10: {  	s12 =	sadd.s32 s6, s13;
	s14 =	sadd.s32 $0x140, s4;
	s4 =	sadd.s32 $0x240, s4  }
0x11: {  	s8 =	sadd.s32 s7, s8;
	s15 =	sshll.u32 s12, $0x4;
	s16 =	sadd.s32 s6, s14  }
0x12: {  	s6 =	sadd.s32 s6, s4;
	s12 =	rddreg [dreg:$0x2];
	s22 =	sshll.u32 s4, $0x7  }
0x13: {  	s4 =	simm.s32 $0x180;
	[dreg:$0x7] =	wrdreg s8;
	s8 =	sadd.s32 s7, s15  }
0x14: {  	s17 =	sshll.u32 s16, $0x4;
	s15 =	smul.u32 $0x50000, s19;
	s6 =	sshll.u32 s6, $0x4  }
0x15: {  	s16 =	sadd.s32 $0x4C00, s3;
	s19 =	smul.u32 $0x2880, s0;
	s30 =	sadd.s32 s22, s12  }
0x16: {  	[dreg:$0x8] =	wrdreg s8;
	s8 =	sadd.s32 s7, s17;
	s6 =	sadd.s32 s7, s6  }
0x17: {  	s17 =	sadd.s32 $0x89600, s3;
	[dreg:$0x9] =	wrdreg s8;
	s8 =	sshll.u32 s18, $0x4  }
0x18: {  	[dreg:$0xd] =	wrdreg s6;
	s26 =	sshrl.u32 s15, $0x2;
	s15 =	sadd.s32 $0x7F400, s3  }
0x19: {  	s3 =	simm.s32 $0x2;
	s6 =	simm.s32 $0x580;
	s8 =	sadd.s32 s7, s8  }
0x1a: {  	s18 =	sadd.s32 s26, s12;
	[dreg:$0xa] =	wrdreg s8;
	s8 =	sadd.s32 s7, s23  }
0x1b: {  	s23 =	sadd.s32 s10, s12;
	s31 =	sadd.s32 $0x9000, s18;
	[dreg:$0xb] =	wrdreg s8  }
0x1c: {  	s8 =	sadd.s32 s7, s25;
	s7 =	smax.u32 s5, $0x1;
	s5 =	simm.s32 $0x300  }
0x1d: {  	[dreg:$0xc] =	wrdreg s8;
	s8 =	sshll.u32 s9, $0x7;
	s9 =	sshll.u32 s11, $0x7  }
0x1e: {  	s11 =	sshll.u32 s13, $0x7;
	s13 =	sshll.u32 s14, $0x7;
	s14 =	sshll.u32 s20, $0x7  }
0x1f: {  	s20 =	sshll.u32 s21, $0x7;
	s21 =	sshll.u32 s29, $0x7;
	_ =	strace $0x80000050  }
0x20: {  	[dreg:$0xe] =	wrdreg s7;
	s0 =	sadd.s32 s8, s12;
	s24 =	sadd.s32 s11, s12  }
0x21: {  	s25 =	sadd.s32 s13, s12;
	s26 =	sadd.s32 s14, s12;
	s28 =	sadd.s32 s20, s12  }
0x22: {  	s29 =	sadd.s32 s21, s12;
	s11 =	sadd.s32 $0x12000, s18;
	s7 =	simm.s32 $0x120  }
0x23: {  	s8 =	simm.s32 $0x1;
	[dreg:$0xf] =	wrdreg s0;
	s0 =	sadd.s32 s9, s12  }
0x24: {  	v0 =	vimm.f32 $0.0e+00;
	s9 =	simm.s32 $0x0;
	[dreg:$0x10] =	wrdreg s0;
	s0 =	simm.s32 $0x800  }
.LBB2_1:
0x25: {  	s10 =	simm.s32 $0x0;
	s13 =	simm.s32 $0x200  }
.LBB2_2:
0x26: {  	p0 =	sne.s32 s13, $0x23E00;
	[tilespmem:s10+$0x870] =	vst v0  }
0x27: {  	[tilespmem:s10+$0x800] =	vst v0  }
0x28: {  	[tilespmem:s10+$0x810] =	vst v0  }
.Ltmp0:
0x29: {  	[tilespmem:s10+$0x820] =	vst v0;
	(pc) =	sbr.rel @p0 .LBB2_2-.Ltmp0, $4  }
0x2a: {  	[tilespmem:s10+$0x830] =	vst v0  }
0x2b: {  	[tilespmem:s10+$0x840] =	vst v0  }
0x2c: {  	[tilespmem:s10+$0x850] =	vst v0  }
0x2d: {  	[tilespmem:s10+$0x860] =	vst v0;
	s10 =	sshra.s32 s13, $0x2;
	s13 =	sadd.s32 $0x200, s13  }
0x2e: {  	[tilespmem:s10+$0x870] =	vst v0  }
0x2f: {  	[tilespmem:s10+$0x800] =	vst v0  }
0x30: {  	[tilespmem:s10+$0x810] =	vst v0  }
0x31: {  	[tilespmem:s10+$0x820] =	vst v0  }
0x32: {  	[tilespmem:s10+$0x830] =	vst v0  }
0x33: {  	[tilespmem:s10+$0x840] =	vst v0  }
0x34: {  	[tilespmem:s10+$0x850] =	vst v0  }
0x35: {  	[tilespmem:s10+$0x860] =	vst v0  }
0x36: {  	[spmem:s18] =	stream.linear.scatter [tilespmem:s0], [sflag:$0x2], $0x9000, $0x38;
	[tilespmem:$0x1D800] =	vst v63  }
0x37: {  	_ =	swait.ge [sflag:s3], $0x9000  }
0x38: {  	[sflag:s3] =	ssyncset.done $0x0  }
0x39: {  	[sflag:s3] =	ssyncadd.s32 $0xFFFF7000  }
0x3a: {  	[spmem:s31] =	stream.linear.scatter [tilespmem:s0], [sflag:$0x2], $0x9000, $0x38;
	[tilespmem:$0x1D800] =	vst v63  }
0x3b: {  	_ =	swait.ge [sflag:s3], $0x9000  }
0x3c: {  	[sflag:s3] =	ssyncset.done $0x0  }
0x3d: {  	[sflag:s3] =	ssyncadd.s32 $0xFFFF7000  }
0x3e: {  	[spmem:s11] =	stream.linear.scatter [tilespmem:s0], [sflag:$0x2], $0x2000, $0x38;
	[tilespmem:$0x1D800] =	vst v63  }
0x3f: {  	_ =	swait.ge [sflag:s3], $0x2000  }
0x40: {  	[sflag:s3] =	ssyncset.done $0x0  }
0x41: {  	[sflag:s3] =	ssyncadd.s32 $0xFFFFE000  }
0x42: {  	s10 =	simm.s32 $0x0;
	s13 =	simm.s32 $0x0;
	[bflag:$0x0] =	sbarrier.arrive $0xFFFF  }
.LBB2_4:
0x43: {  	s14 =	smul.u32 $0x120, s13;
	_ =	sdelay $0x1  }
0x44: {  	s14 =	sadd.s32 s19, s14  }
0x45: {  	s20 =	sshrl.u32 s14, $0x3  }
0x46: {  	s21 =	sadd.s32 s1, s20  }
0x47: {  	[tilespmem:s10], [sflag:$0x2] =	stream.linear.gather [hbm4b:s21+s10], $0x120, $0x38;
	[tilespmem:$0x1D800] =	vst v63  }
0x48: {  	_ =	swait.ge [sflag:s3], $0x120  }
0x49: {  	[sflag:s3] =	ssyncset.done $0x0  }
0x4a: {  	s20 =	sadd.s32 s15, s20;
	[sflag:s3] =	ssyncadd.s32 $0xFFFFFEE0  }
0x4b: {  	[tilespmem:s4], [sflag:$0x2] =	stream.linear.gather [hbm4b:s20+s10], $0x120, $0x38;
	[tilespmem:$0x1D800] =	vst v63  }
0x4c: {  	_ =	swait.ge [sflag:s3], $0x120  }
0x4d: {  	s14 =	sshrl.u32 s14, $0x2;
	[sflag:s3] =	ssyncset.done $0x0  }
0x4e: {  	s22 =	sadd.s32 s17, s14;
	[sflag:s3] =	ssyncadd.s32 $0xFFFFFEE0  }
0x4f: {  	[tilespmem:s5], [sflag:$0x2] =	stream.linear.gather [hbm4b:s22+s10], $0x240, $0x38;
	[tilespmem:$0x1D800] =	vst v63  }
0x50: {  	s14 =	sand.u32 $0x1FFFFFFF, s14;
	_ =	swait.ge [sflag:s3], $0x240  }
0x51: {  	s14 =	sadd.s32 s17, s14;
	[sflag:s3] =	ssyncset.done $0x0  }
0x52: {  	s14 =	sadd.s32 $0x14400, s14;
	[sflag:s3] =	ssyncadd.s32 $0xFFFFFDC0  }
0x53: {  	[tilespmem:s6], [sflag:$0x2] =	stream.linear.gather [hbm4b:s14+s10], $0x240, $0x38;
	[tilespmem:$0x1D800] =	vst v63  }
0x54: {  	_ =	swait.ge [sflag:s3], $0x240  }
0x55: {  	[sflag:s3] =	ssyncset.done $0x0  }
0x56: {  	[sflag:s3] =	ssyncadd.s32 $0xFFFFFDC0  }
0x57: {  	[tilespmem:s0], [sflag:$0x1] =	stream.indirect.gather [hbm4b:s16+s7], $0x80, s10, s7, $0xb8;
	[tilespmem:$0x1D800] =	vst v63  }
0x58: {  	_ =	swait.ge [sflag:s8], $0x9000  }
0x59: {  	[sflag:s8] =	ssyncset.done $0x0  }
0x5a: {  	s14 =	simm.s32 $0x840;
	[sflag:s8] =	ssyncadd.s32 $0xFFFF7000  }
0x5b: {  	v1 =	vmov s10;
	v3 =	vld [tilespmem:s14+$0xFFFFFFF0]  }
0x5c: {  	v2 =	vld [tilespmem:s14+$0xFFFFFFC0]  }
0x5d: {  	v5 =	vld [tilespmem:s14+$0x0]  }
0x5e: {  	v4 =	vor.u32 $0x1, v1;
	v7 =	vld [tilespmem:s14+$0xFFFFFFE0]  }
0x5f: {  	v6 =	vld [tilespmem:s14+$0xFFFFFFD0]  }
0x60: {  	v8 =	vld.idx.msk [tilespmem:v1+s5+$0x0], $0xffff  }
0x61: {  	v10 =	vld.idx.msk [tilespmem:v1+s6+$0x0], $0xffff  }
0x62: {  	v9 =	vld [tilespmem:s14+$0x10]  }
0x63: {  	v11 =	vld.idx.msk [tilespmem:v4+s5+$0x0], $0xffff  }
0x64: {  	v1 =	vld [tilespmem:s14+$0x20]  }
0x65: {  	v4 =	vld.idx.msk [tilespmem:v4+s6+$0x0], $0xffff;
	v12 =	vmul.f32 v2, v8  }
0x66: {  	v8 =	vmul.f32 v6, v8;
	v6 =	vmul.f32 v5, v10;
	v5 =	vld [tilespmem:s14+$0x30];
	_ =	sdelay $0x2  }
0x67: {  	v2 =	vmul.f32 v9, v10  }
0x68: {  	s21 =	simm.s32 $0x8C0;
	s20 =	simm.s32 $0x2;
	v7 =	vmul.f32 v7, v11;
	v3 =	vmul.f32 v3, v11;
	[tilespmem:s14+$0xFFFFFFC0] =	vst v12  }
.LBB2_5:
0x69: {  	v9 =	vld [tilespmem:s21+$0xFFFFFFF0];
	p0 =	sne.s32 s20, $0x23E;
	[tilespmem:s14+$0xFFFFFFD0] =	vst v8;
	v1 =	vmul.f32 v1, v4;
	v4 =	vmul.f32 v5, v4;
	s22 =	smov.u32 s20;
	s20 =	sadd.s32 $0x2, s20  }
0x6a: {  	v8 =	vld [tilespmem:s21+$0xFFFFFFC0];
	[tilespmem:s14+$0x0] =	vst v6  }
0x6b: {  	v5 =	vmov s22;
	v6 =	vld [tilespmem:s21+$0x0];
	[tilespmem:s14+$0xFFFFFFE0] =	vst v7  }
0x6c: {  	v7 =	vor.u32 $0x1, v5;
	v10 =	vld [tilespmem:s21+$0xFFFFFFE0];
	[tilespmem:s14+$0x10] =	vst v2  }
0x6d: {  	v2 =	vld [tilespmem:s21+$0xFFFFFFD0];
	[tilespmem:s14+$0x20] =	vst v1  }
0x6e: {  	v1 =	vld [tilespmem:s21+$0x20];
	[tilespmem:s14+$0xFFFFFFF0] =	vst v3  }
0x6f: {  	v3 =	vld [tilespmem:s21+$0x10];
	[tilespmem:s14+$0x30] =	vst v4;
	s14 =	smov.u32 s21  }
0x70: {  	v11 =	vld.idx.msk [tilespmem:v5+s5+$0x0], $0xffff  }
0x71: {  	v12 =	vld.idx.msk [tilespmem:v5+s6+$0x0], $0xffff  }
0x72: {  	v13 =	vld.idx.msk [tilespmem:v7+s5+$0x0], $0xffff  }
0x73: {  	v4 =	vld.idx.msk [tilespmem:v7+s6+$0x0], $0xffff  }
.Ltmp1:
0x74: {  	v5 =	vld [tilespmem:s21+$0x30];
	(pc) =	sbr.rel @p0 .LBB2_5-.Ltmp1, $4  }
0x75: {  	_ = 	snop  }
0x76: {  	v7 =	vmul.f32 v8, v11;
	v8 =	vmul.f32 v2, v11  }
0x77: {  	v6 =	vmul.f32 v6, v12;
	v2 =	vmul.f32 v3, v12  }
0x78: {  	s21 =	sadd.s32 $0x80, s21;
	v3 =	vmul.f32 v9, v13;
	[tilespmem:s14+$0xFFFFFFC0] =	vst v7;
	v7 =	vmul.f32 v10, v13  }
0x79: {  	[tilespmem:s14+$0xFFFFFFD0] =	vst v8  }
0x7a: {  	[tilespmem:s14+$0x0] =	vst v6  }
0x7b: {  	[tilespmem:s14+$0x10] =	vst v2  }
0x7c: {  	v1 =	vmul.f32 v1, v4;
	[tilespmem:s14+$0xFFFFFFE0] =	vst v7  }
0x7d: {  	v2 =	vmul.f32 v5, v4;
	s13 =	sadd.s32 $0x1, s13;
	[tilespmem:s14+$0xFFFFFFF0] =	vst v3  }
0x7e: {  	p0 =	sne.s32 s13, $0x24;
	[tilespmem:s14+$0x20] =	vst v1  }
.Ltmp2:
0x7f: {  	[tilespmem:s14+$0x30] =	vst v2;
	(pc) =	sbr.rel @p0 .LBB2_4-.Ltmp2, $4  }
0x80: {  	[spmem:s12] =	stream.indirect.scatter.add.f32 [tilespmem:s0], [sflag:$0x2], $0x80, s4, s7, $0xb8;
	[tilespmem:$0x1D800] =	vst v63  }
0x81: {  	_ =	swait.ge [sflag:s3], $0x9000  }
0x82: {  	[sflag:s3] =	ssyncset.done $0x0  }
0x83: {  	[sflag:s3] =	ssyncadd.s32 $0xFFFF7000  }
0x84: {  	[bflag:$0x0] =	sbarrier.arrive $0xFFFF  }
0x85: {  	[tilespmem:s0], [sflag:$0x2] =	stream.linear.gather [spmem:s18], $0x2000, $0x38;
	[tilespmem:$0x1D800] =	vst v63  }
0x86: {  	_ =	swait.ge [sflag:s3], $0x2000  }
0x87: {  	[sflag:s3] =	ssyncset.done $0x0  }
0x88: {  	s10 =	rddreg [dreg:$0x4];
	[sflag:s3] =	ssyncadd.s32 $0xFFFFE000  }
0x89: {  	[hbm4b:s10+s2] =	stream.linear.scatter [tilespmem:s0], [sflag:$0x2], $0x2000, $0x38;
	[tilespmem:$0x1D800] =	vst v63  }
0x8a: {  	_ =	swait.ge [sflag:s3], $0x2000  }
0x8b: {  	[sflag:s3] =	ssyncset.done $0x0  }
0x8c: {  	s21 =	rddreg [dreg:$0xf];
	[sflag:s3] =	ssyncadd.s32 $0xFFFFE000  }
0x8d: {  	[tilespmem:s0], [sflag:$0x2] =	stream.linear.gather [spmem:s21], $0x2000, $0x38;
	[tilespmem:$0x1D800] =	vst v63  }
0x8e: {  	_ =	swait.ge [sflag:s3], $0x2000  }
0x8f: {  	[sflag:s3] =	ssyncset.done $0x0  }
0x90: {  	s22 =	rddreg [dreg:$0x5];
	[sflag:s3] =	ssyncadd.s32 $0xFFFFE000  }
0x91: {  	[hbm4b:s22+s2] =	stream.linear.scatter [tilespmem:s0], [sflag:$0x2], $0x2000, $0x38;
	[tilespmem:$0x1D800] =	vst v63  }
0x92: {  	_ =	swait.ge [sflag:s3], $0x2000  }
0x93: {  	[sflag:s3] =	ssyncset.done $0x0  }
0x94: {  	s13 =	rddreg [dreg:$0x10];
	[sflag:s3] =	ssyncadd.s32 $0xFFFFE000  }
0x95: {  	[tilespmem:s0], [sflag:$0x2] =	stream.linear.gather [spmem:s13], $0x2000, $0x38;
	[tilespmem:$0x1D800] =	vst v63  }
0x96: {  	_ =	swait.ge [sflag:s3], $0x2000  }
0x97: {  	[sflag:s3] =	ssyncset.done $0x0  }
0x98: {  	s14 =	rddreg [dreg:$0x6];
	[sflag:s3] =	ssyncadd.s32 $0xFFFFE000  }
0x99: {  	[hbm4b:s14+s2] =	stream.linear.scatter [tilespmem:s0], [sflag:$0x2], $0x2000, $0x38;
	[tilespmem:$0x1D800] =	vst v63  }
0x9a: {  	_ =	swait.ge [sflag:s3], $0x2000  }
0x9b: {  	[sflag:s3] =	ssyncset.done $0x0  }
0x9c: {  	[sflag:s3] =	ssyncadd.s32 $0xFFFFE000  }
0x9d: {  	[tilespmem:s0], [sflag:$0x2] =	stream.linear.gather [spmem:s23], $0x2000, $0x38;
	[tilespmem:$0x1D800] =	vst v63  }
0x9e: {  	_ =	swait.ge [sflag:s3], $0x2000  }
0x9f: {  	[sflag:s3] =	ssyncset.done $0x0  }
0xa0: {  	s20 =	rddreg [dreg:$0x7];
	[sflag:s3] =	ssyncadd.s32 $0xFFFFE000  }
0xa1: {  	[hbm4b:s20+s2] =	stream.linear.scatter [tilespmem:s0], [sflag:$0x2], $0x2000, $0x38;
	[tilespmem:$0x1D800] =	vst v63  }
0xa2: {  	_ =	swait.ge [sflag:s3], $0x2000  }
0xa3: {  	[sflag:s3] =	ssyncset.done $0x0  }
0xa4: {  	[sflag:s3] =	ssyncadd.s32 $0xFFFFE000  }
0xa5: {  	[tilespmem:s0], [sflag:$0x2] =	stream.linear.gather [spmem:s24], $0x2000, $0x38;
	[tilespmem:$0x1D800] =	vst v63  }
0xa6: {  	_ =	swait.ge [sflag:s3], $0x2000  }
0xa7: {  	[sflag:s3] =	ssyncset.done $0x0  }
0xa8: {  	s21 =	rddreg [dreg:$0x8];
	[sflag:s3] =	ssyncadd.s32 $0xFFFFE000  }
0xa9: {  	[hbm4b:s21+s2] =	stream.linear.scatter [tilespmem:s0], [sflag:$0x2], $0x2000, $0x38;
	[tilespmem:$0x1D800] =	vst v63  }
0xaa: {  	_ =	swait.ge [sflag:s3], $0x2000  }
0xab: {  	[sflag:s3] =	ssyncset.done $0x0  }
0xac: {  	[sflag:s3] =	ssyncadd.s32 $0xFFFFE000  }
0xad: {  	[tilespmem:s0], [sflag:$0x2] =	stream.linear.gather [spmem:s25], $0x2000, $0x38;
	[tilespmem:$0x1D800] =	vst v63  }
0xae: {  	_ =	swait.ge [sflag:s3], $0x2000  }
0xaf: {  	[sflag:s3] =	ssyncset.done $0x0  }
0xb0: {  	s22 =	rddreg [dreg:$0x9];
	[sflag:s3] =	ssyncadd.s32 $0xFFFFE000  }
0xb1: {  	[hbm4b:s22+s2] =	stream.linear.scatter [tilespmem:s0], [sflag:$0x2], $0x2000, $0x38;
	[tilespmem:$0x1D800] =	vst v63  }
0xb2: {  	_ =	swait.ge [sflag:s3], $0x2000  }
0xb3: {  	[sflag:s3] =	ssyncset.done $0x0  }
0xb4: {  	[sflag:s3] =	ssyncadd.s32 $0xFFFFE000  }
0xb5: {  	[tilespmem:s0], [sflag:$0x2] =	stream.linear.gather [spmem:s26], $0x2000, $0x38;
	[tilespmem:$0x1D800] =	vst v63  }
0xb6: {  	_ =	swait.ge [sflag:s3], $0x2000  }
0xb7: {  	[sflag:s3] =	ssyncset.done $0x0  }
0xb8: {  	s13 =	rddreg [dreg:$0xa];
	[sflag:s3] =	ssyncadd.s32 $0xFFFFE000  }
0xb9: {  	[hbm4b:s13+s2] =	stream.linear.scatter [tilespmem:s0], [sflag:$0x2], $0x2000, $0x38;
	[tilespmem:$0x1D800] =	vst v63  }
0xba: {  	_ =	swait.ge [sflag:s3], $0x2000  }
0xbb: {  	[sflag:s3] =	ssyncset.done $0x0  }
0xbc: {  	[sflag:s3] =	ssyncadd.s32 $0xFFFFE000  }
0xbd: {  	[tilespmem:s0], [sflag:$0x2] =	stream.linear.gather [spmem:s28], $0x2000, $0x38;
	[tilespmem:$0x1D800] =	vst v63  }
0xbe: {  	_ =	swait.ge [sflag:s3], $0x2000  }
0xbf: {  	[sflag:s3] =	ssyncset.done $0x0  }
0xc0: {  	s14 =	rddreg [dreg:$0xb];
	[sflag:s3] =	ssyncadd.s32 $0xFFFFE000  }
0xc1: {  	[hbm4b:s14+s2] =	stream.linear.scatter [tilespmem:s0], [sflag:$0x2], $0x2000, $0x38;
	[tilespmem:$0x1D800] =	vst v63  }
0xc2: {  	_ =	swait.ge [sflag:s3], $0x2000  }
0xc3: {  	[sflag:s3] =	ssyncset.done $0x0  }
0xc4: {  	[sflag:s3] =	ssyncadd.s32 $0xFFFFE000  }
0xc5: {  	[tilespmem:s0], [sflag:$0x2] =	stream.linear.gather [spmem:s29], $0x2000, $0x38;
	[tilespmem:$0x1D800] =	vst v63  }
0xc6: {  	_ =	swait.ge [sflag:s3], $0x2000  }
0xc7: {  	[sflag:s3] =	ssyncset.done $0x0  }
0xc8: {  	s20 =	rddreg [dreg:$0xc];
	[sflag:s3] =	ssyncadd.s32 $0xFFFFE000  }
0xc9: {  	[hbm4b:s20+s2] =	stream.linear.scatter [tilespmem:s0], [sflag:$0x2], $0x2000, $0x38;
	[tilespmem:$0x1D800] =	vst v63  }
0xca: {  	_ =	swait.ge [sflag:s3], $0x2000  }
0xcb: {  	[sflag:s3] =	ssyncset.done $0x0  }
0xcc: {  	[sflag:s3] =	ssyncadd.s32 $0xFFFFE000  }
0xcd: {  	[tilespmem:s0], [sflag:$0x2] =	stream.linear.gather [spmem:s30], $0x2000, $0x38;
	[tilespmem:$0x1D800] =	vst v63  }
0xce: {  	_ =	swait.ge [sflag:s3], $0x2000  }
0xcf: {  	[sflag:s3] =	ssyncset.done $0x0  }
0xd0: {  	s21 =	rddreg [dreg:$0xd];
	[sflag:s3] =	ssyncadd.s32 $0xFFFFE000  }
0xd1: {  	[hbm4b:s21+s2] =	stream.linear.scatter [tilespmem:s0], [sflag:$0x2], $0x2000, $0x38;
	[tilespmem:$0x1D800] =	vst v63  }
0xd2: {  	_ =	swait.ge [sflag:s3], $0x2000  }
0xd3: {  	s9 =	sadd.s32 $0x1, s9;
	s22 =	rddreg [dreg:$0xe]  }
0xd4: {  	p0 =	sne.s32 s9, s22  }
.Ltmp3:
0xd5: {  	_ = 	snop;
	(pc) =	sbr.rel @p0 .LBB2_1-.Ltmp3, $3  }
0xd6: {  	_ =	sdelay $0x1  }
0xd7: {  	[sflag:s3] =	ssyncset.done $0x0  }
0xd8: {  	[sflag:s3] =	ssyncadd.s32 $0xFFFFE000  }
0xd9: {  	_ =	sfence.sel $0x180000  }
0xda: {  	[bflag:$0x0] =	sbarrier.arrive $0xFFFF  }
0xdb: {  	_ =	strace $0x90000050  }
0xdc: {  	s0 =	stileid.u32;
	[bflag:$0x2] =	sbarrier.arrive $0xFFFF  }
0xdd: {  	p0 =	sne.s32 s0, $0x0;
	s0 =	rddreg [dreg:$0x3]  }
0xde: {  	s0 =	sadd.s32 @!p0 $0x100000, s0  }
0xdf: {  	[sflag:s0] =	ssyncadd.tile.s32 @!p0 $0x1;
	_ =	shalt  }
.Lfunc_end2:
_tile_overlayer_lowered:
.L_overlay_start_2:
0xe0: {  	(tag) =	ssettag $0x2  }
0xe1: {  	s0 =	rddreg [dreg:$0x0];
	s2 =	stileid.u32  }
0xe2: {  	s1 =	rddreg [dreg:$0x1];
	p0 =	sne.s32 s2, $0x0  }
0xe3: {  	s3 =	rddreg [dreg:$0x2];
	[bflag:$0x3] =	sbarrier.arrive $0xFFFF;
	s2 =	simm.s32 @!p0 $0x1C02  }
0xe4: {  	[timem:s3], [sflag:s2] =	dma.local @!p0 [hbm:s0], s1  }
0xe5: {  	s0 =	simm.s32 @!p0 $0x2  }
0xe6: {  	_ =	swait.ge @!p0 [sflag:s0], s1  }
0xe7: {  	s1 =	ssub.s32 @!p0 $0x0, s1;
	[sflag:s0] =	ssyncset.done @!p0 $0x0  }
0xe8: {  	[sflag:s0] =	ssyncadd.s32 @!p0 s1  }
0xe9: {  	[bflag:$0x3] =	sbarrier.arrive $0xFFFF  }
0xea: {  	_ =	shalt  }

// kernel: kernel.8.cloned.1.call-start
scs
__scs_entry_jumppad:
0x0: {  	(pc) =	sbr.rel $0x88, $3  }
0x1: {  	(tag) =	ssettag $0x0;
	lr =	simm.s32 $0x1  }
0x2: {  	[smem:$0x3F95] =	sst lr;
	_ =	strace $0xD0000000  }
0x3: {  	_ = 	snop  }
0x4: {  	_ = 	snop  }
0x5: {  	_ = 	snop  }
0x6: {  	_ = 	snop  }
0x7: {  	_ = 	snop  }
__scs_overlays_trampoline_lowered:
0x8: {  	[smem:$0x3FA4] =	sst s0  }
0x9: {  	[smem:$0x3FA5] =	sst s1  }
0xa: {  	[smem:$0x3FA6] =	sst s2  }
0xb: {  	[smem:$0x3FA7] =	sst s3  }
0xc: {  	[smem:$0x3FA8] =	sst s4  }
0xd: {  	[smem:$0x3FA9] =	sst s5  }
0xe: {  	[smem:$0x3FAA] =	sst s6  }
0xf: {  	[smem:$0x3FAB] =	sst s7  }
0x10: {  	[smem:$0x3FAC] =	sst s8  }
0x11: {  	[smem:$0x3FAD] =	sst s9;
	s0 =	simm.s32 @!p0 $0x0  }
0x12: {  	s1 =	sld [smem:$0x3F93];
	s0 =	simm.s32 @p0 $0x1  }
0x13: {  	[smem:$0x3FAE] =	sst s0;
	s0 =	simm.s32 @!p1 $0x0  }
0x14: {  	s2 =	sld [smem:$0x3F92];
	s0 =	simm.s32 @p1 $0x1  }
0x15: {  	[smem:$0x3FAF] =	sst s0;
	s0 =	simm.s32 @!p2 $0x0  }
0x16: {  	s3 =	sld [smem:$0x3FDB];
	s0 =	simm.s32 @p2 $0x1  }
0x17: {  	s4 =	simm.s32 $0x1BF5;
	[smem:$0x3FB1] =	sst s0  }
0x18: {  	s0 =	sld [smem:$0x3F94];
	_ =	swait.ge [sflag:s4], $0x0  }
0x19: {  	s7 =	sld [smem:$0x3F95]  }
0x1a: {  	s8 =	sadd.s32 $0xFFFFE003, lr  }
0x1b: {  	s9 =	sadd.s32 $0xFFFFFEF7, lr;
	s5 =	simm.s32 $0xFFFFFFFF;
	p2 =	slt.u32 s8, $0xFFFFF086  }
0x1c: {  	p1 =	slt.u32 s9, $0xF7A;
	s5 =	simm.s32 @!p2 $0x0  }
0x1d: {  	s5 =	simm.s32 @p1 $0x1;
	p0 =	seq.s32 s7, s2  }
0x1e: {  	s7 =	smul.u32 @!p0 $0xF7A, s2;
	p2 =	seq.s32 @!p0 s5, $0x0  }
0x1f: {  	s9 =	smul.u32 $0xF7A, s1;
	s8 =	simm.s32 @!p0 $0x1BF5;
	p2 =	por !p2, p0  }
0x20: {  	[sflag:s8] =	ssyncset.s32 @!p0 $0xFFFFF086;
	s6 =	sadd.s32 @!p0 s3, s7;
	s7 =	simm.s32 @!p0 $0x108  }
0x21: {  	s3 =	sadd.s32 s3, s9;
	s6 =	sadd.s32 @!p0 $0x88, s6;
	s7 =	simm.s32 @p2 $0x1082  }
0x22: {  	[simem:s7], [sflag:s8] =	dma.local @!p0 [hbm:s6], $0xF7A  }
0x23: {  	s9 =	sor.u32 $0xD0000000, s2;
	s6 =	simm.s32 $0x108;
	_ =	swait.ge @!p0 [sflag:s8], $0x0  }
0x24: {  	s3 =	sadd.s32 $0x88, s3;
	s6 =	simm.s32 @!p1 $0x1082;
	[sflag:s4] =	ssyncset.s32 $0xFFFFF086  }
0x25: {  	[simem:s6], [sflag:s4] =	dma.local [hbm:s3], $0xF7A  }
0x26: {  	[smem:$0x3F95] =	sst s1;
	(tag) =	ssettag s2;
	_ =	strace s9  }
0x27: {  	s1 =	sld [smem:$0x3FA5]  }
0x28: {  	s2 =	sld [smem:$0x3FA6]  }
0x29: {  	s4 =	sld [smem:$0x3FA8]  }
0x2a: {  	p0 =	seq.s32 s5, $0x0;
	s5 =	sld [smem:$0x3FA9]  }
0x2b: {  	s6 =	sld [smem:$0x3FAA]  }
0x2c: {  	s7 =	sld [smem:$0x3FAB]  }
0x2d: {  	s3 =	simm.s32 $0x108;
	s8 =	sld [smem:$0x3FAC]  }
0x2e: {  	s3 =	simm.s32 @!p0 $0x1082;
	s9 =	sld [smem:$0x3FAD]  }
0x2f: {  	lr =	sadd.s32 s0, s3;
	s0 =	sld [smem:$0x3FA4]  }
0x30: {  	s3 =	sld [smem:$0x3FA7]  }
0x31: {  	[smem:$0x3FB0] =	sst s10  }
0x32: {  	s10 =	sld [smem:$0x3FAE];
	_ =	sdelay $0x3  }
0x33: {  	p0 =	seq.s32 s10, $0x1;
	s10 =	sld [smem:$0x3FB0];
	_ =	sdelay $0x3  }
0x34: {  	[smem:$0x3FB0] =	sst s10  }
0x35: {  	s10 =	sld [smem:$0x3FAF];
	_ =	sdelay $0x3  }
0x36: {  	p1 =	seq.s32 s10, $0x1;
	s10 =	sld [smem:$0x3FB0];
	_ =	sdelay $0x3  }
0x37: {  	[smem:$0x3FB0] =	sst s10  }
0x38: {  	s10 =	sld [smem:$0x3FB1]  }
0x39: {  	_ = 	snop;
	(pc) =	sbr.ind lr, $3  }
0x3a: {  	_ = 	snop  }
0x3b: {  	_ = 	snop  }
0x3c: {  	p2 =	seq.s32 s10, $0x1;
	s10 =	sld [smem:$0x3FB0]  }
0x3d: {  	_ =	shalt  }
0x3e: {  	_ =	shalt  }
0x3f: {  	_ =	shalt  }
0x40: {  	_ =	shalt  }
0x41: {  	_ =	shalt  }
0x42: {  	_ =	shalt  }
0x43: {  	_ =	shalt  }
0x44: {  	_ =	shalt  }
0x45: {  	_ =	shalt  }
0x46: {  	_ =	shalt  }
0x47: {  	_ =	shalt  }
0x48: {  	_ =	shalt  }
0x49: {  	_ =	shalt  }
0x4a: {  	_ =	shalt  }
0x4b: {  	_ =	shalt  }
0x4c: {  	_ =	shalt  }
0x4d: {  	_ =	shalt  }
0x4e: {  	_ =	shalt  }
0x4f: {  	_ =	shalt  }
0x50: {  	_ =	shalt  }
0x51: {  	_ =	shalt  }
0x52: {  	_ =	shalt  }
0x53: {  	_ =	shalt  }
0x54: {  	_ =	shalt  }
0x55: {  	_ =	shalt  }
0x56: {  	_ =	shalt  }
0x57: {  	_ =	shalt  }
0x58: {  	_ =	shalt  }
0x59: {  	_ =	shalt  }
0x5a: {  	_ =	shalt  }
0x5b: {  	_ =	shalt  }
0x5c: {  	_ =	shalt  }
0x5d: {  	_ =	shalt  }
0x5e: {  	_ =	shalt  }
0x5f: {  	_ =	shalt  }
0x60: {  	_ =	shalt  }
0x61: {  	_ =	shalt  }
0x62: {  	_ =	shalt  }
0x63: {  	_ =	shalt  }
0x64: {  	_ =	shalt  }
0x65: {  	_ =	shalt  }
0x66: {  	_ =	shalt  }
0x67: {  	_ =	shalt  }
0x68: {  	_ =	shalt  }
0x69: {  	_ =	shalt  }
0x6a: {  	_ =	shalt  }
0x6b: {  	_ =	shalt  }
0x6c: {  	_ =	shalt  }
0x6d: {  	_ =	shalt  }
0x6e: {  	_ =	shalt  }
0x6f: {  	_ =	shalt  }
0x70: {  	_ =	shalt  }
0x71: {  	_ =	shalt  }
0x72: {  	_ =	shalt  }
0x73: {  	_ =	shalt  }
0x74: {  	_ =	shalt  }
0x75: {  	_ =	shalt  }
0x76: {  	_ =	shalt  }
0x77: {  	_ =	shalt  }
0x78: {  	_ =	shalt  }
0x79: {  	_ =	shalt  }
0x7a: {  	_ =	shalt  }
0x7b: {  	_ =	shalt  }
0x7c: {  	_ =	shalt  }
0x7d: {  	_ =	shalt  }
0x7e: {  	_ =	shalt  }
0x7f: {  	_ =	shalt  }
0x80: {  	_ =	shalt  }
0x81: {  	_ =	shalt  }
0x82: {  	_ =	shalt  }
0x83: {  	_ =	shalt  }
0x84: {  	_ =	shalt  }
0x85: {  	_ =	shalt  }
0x86: {  	_ =	shalt  }
0x87: {  	_ =	shalt  }
.Lfunc_end0:
.L_simem_size_0:
called_computation_lowered:
.L_overlay_start_0:
0x88: {  	s2 =	sld [smem:$0x3FD9]  }
0x89: {  	s3 =	sld [smem:$0x3FFE];
	_ =	sdelay $0x1  }
0x8a: {  	s1 =	srdreg.scid  }
0x8b: {  	s0 =	sand.u32 $0x1, s1  }
0x8c: {  	s17 =	sshll.u32 s0, $0xA;
	s2 =	sadd.s32 s3, s2  }
0x8d: {  	s2 =	sadd.s32 s2, s17  }
0x8e: {  	[smem:$0x3FBC] =	sst s2  }
0x8f: {  	_ = 	snop  }
0x90: {  	s2 =	sld [smem:$0x3FD0];
	(tm) =	ssettm $0x1  }
0x91: {  	s18 =	sld [smem:$0x3FFB];
	_ =	sdelay $0x3  }
0x92: {  	_ =	strace s18  }
0x93: {  	s3 =	sld [smem:$0x3FFC];
	_ =	sdelay $0x3  }
0x94: {  	_ =	strace s3  }
0x95: {  	s3 =	sld [smem:$0x3FFD];
	_ =	sdelay $0x3  }
0x96: {  	_ =	strace s3  }
0x97: {  	_ =	strace $0x8FFFFFFF  }
0x98: {  	s19 =	sld [smem:$0x3FDB];
	_ =	sdelay $0x1  }
0x99: {  	s4 =	simm.s32 $_scs_section_size  }
0x9a: {  	s5 =	simm.s32 $_size__tile_overlayer_lowered;
	s6 =	simm.s32 $_tile_overlayer_lowered  }
0x9b: {  	s22 =	simm.s32 $0x1BFF;
	s21 =	sshll.u32 s6, $0x1;
	s3 =	sadd.s32 s4, s19  }
0x9c: {  	s7 =	simm.s32 $0x0;
	s20 =	sshll.u32 s5, $0x1;
	s5 =	sadd.s32 s21, s3  }
0x9d: {  	[timem:s7], [sflag:s22] =	dma.local [hbm:s5], s20  }
0x9e: {  	_ =	swait.ge [sflag:s22], s20  }
0x9f: {  	s4 =	ssub.s32 $0x0, s20;
	[sflag:s22] =	ssyncset.done $0x0  }
0xa0: {  	[sflag:s22] =	ssyncadd.s32 s4;
	_ =	sdelay $0x1  }
0xa1: {  	s23 =	simm.s32 $0x1B8B  }
0xa2: {  	_ =	swait.ge [sflag:s23], $0x1  }
0xa3: {  	[sflag:s23] =	ssyncset.done $0x0  }
0xa4: {  	s25 =	simm.s32 $0x1B8E;
	s24 =	sld [smem:$0x3FFE];
	[sflag:s23] =	ssyncadd.s32 $0xFFFFFFFF  }
0xa5: {  	s26 =	simm.s32 $execute0_lowered;
	[smem:$0x3FD2] =	sst s25  }
0xa6: {  	s5 =	sshll.u32 s26, $0x1;
	_ =	strace $0x80000046;
	[dreg:$0x1] =	wrdreg $0xFFFFFFFF  }
0xa7: {  	s28 =	simm.s32 $_size_execute0_lowered;
	s3 =	sadd.s32 s3, s5;
	[dreg:$0x0] =	wrdreg $0x0  }
0xa8: {  	s5 =	sshll.u32 s28, $0x1;
	[dreg:$0x2] =	wrdreg s3  }
0xa9: {  	[dreg:$0x3] =	wrdreg s5  }
0xaa: {  	[dreg:$0x4] =	wrdreg $0xC0  }
0xab: {  	_ =	task [dreg:s7], $0x5FFFF  }
0xac: {  	[dreg:$0x1] =	wrdreg $0xFFFFFFFF  }
0xad: {  	[dreg:$0x0] =	wrdreg $0x60  }
0xae: {  	[dreg:$0x2] =	wrdreg s2  }
0xaf: {  	[dreg:$0x3] =	wrdreg s24  }
0xb0: {  	[dreg:$0x4] =	wrdreg $0xB3000  }
0xb1: {  	[dreg:$0x5] =	wrdreg $0x9  }
0xb2: {  	_ =	task.clear_ibuf [dreg:s7], $0x6FFFF;
	_ =	strace $0x90000046  }
0xb3: {  	s29 =	simm.s32 $0x9;
	_ =	strace $0x80000048  }
0xb4: {  	_ =	swait.ge [sflag:s29], $0x1  }
0xb5: {  	[sflag:s29] =	ssyncadd.s32 $0xFFFFFFFF  }
0xb6: {  	_ =	strace $0x90000048  }
0xb7: {  	_ =	sfence  }
0xb8: {  	s30 =	sld [smem:$0x0];
	_ =	sdelay $0x2  }
0xb9: {  	s31 =	sshll.u32 s1, $0xD;
	s1 =	sshrl.u32 s1, $0x2  }
0xba: {  	s3 =	sand.u32 $0x4000, s31;
	s1 =	sadd.s32 s1, s30  }
0xbb: {  	s0 =	sor.u32 s3, s0;
	s1 =	sshll.u32 s1, $0x11  }
0xbc: {  	s0 =	sor.u32 s1, s0  }
0xbd: {  	s0 =	sadd.s32 $0x8F2B, s0  }
0xbe: {  	[sflag:s0] =	ssyncadd.remote.s32 $0x1  }
0xbf: {  	_ =	sfence.sel $0xFFFF  }
0xc0: {  	[dreg:$0x0] =	wrdreg $0xFFFFFFFF;
	(pc) =	sbr.abs _section_cstart, $3  }
0xc1: {  	[dreg:$0x1] =	wrdreg $0xFFFFFFFF  }
0xc2: {  	_ =	task.clear_ibuf [dreg:s7], $0x2FFFF;
	_ =	strace $0x9FFFFFFF  }
0xc3: {  	(tm) =	ssettm $0x7FFFFFFF  }
tec
execute0_lowered:
.L_overlay_start_1:
0x0: {  	(tag) =	ssettag $0x1  }
0x1: {  	s1 =	rddreg [dreg:$0x0]  }
0x2: {  	s12 =	rddreg [dreg:$0x1]  }
0x3: {  	s3 =	rddreg [dreg:$0x2]  }
0x4: {  	s0 =	rddreg [dreg:$0x3]  }
0x5: {  	s5 =	srdreg.scid;
	s2 =	stileid.u32  }
0x6: {  	s4 =	simm.s32 $0x0;
	s14 =	simm.s32 $0x7E000;
	s15 =	simm.s32 $0xAE00  }
0x7: {  	s16 =	simm.s32 $0xA500;
	s17 =	simm.s32 $0xA980;
	s18 =	simm.s32 $0x480  }
0x8: {  	s19 =	simm.s32 $0x0;
	s9 =	sand.u32 $0x1, s5;
	s7 =	smul.u32 $0x500, s2  }
0x9: {  	[smem:$0x7FF] =	sst s4;
	s5 =	sadd.s32 $0x7F400, s12;
	s6 =	smul.u32 $0x5000, s9  }
0xa: {  	_ =	strace $0x80000047;
	s10 =	ssub.s32 $0x2, s9;
	p0 =	seq.s32 s9, $0x1  }
0xb: {  	s9 =	smul.u32 $0xA2000, s9;
	s11 =	sshrl.u32 s10, $0x1;
	s14 =	simm.s32 @!p0 $0x7CC00  }
0xc: {  	v0 =	vlaneseq.u32;
	s8 =	sadd.s32 s7, s6;
	s6 =	sadd.s32 $0x89600, s12;
	s11 =	ssub.s32 s10, s11  }
0xd: {  	v0 =	vmul.u32 $0x2, v0;
	s7 =	sadd.s32 s7, s3;
	s8 =	sshrl.u32 s8, $0x3;
	s11 =	smax.u32 s11, $0x1  }
0xe: {  	s13 =	sadd.s32 s8, s12;
	s8 =	smul.u32 $0x5100, s2;
	s12 =	sadd.s32 s14, s12  }
0xf: {  	v1 =	vimm.f32 $0.0e+00;
	v2 =	vor.u32 $0x1, v0;
	s14 =	simm.s32 $0x1;
	s10 =	sadd.s32 $0xB1E00, s13;
	s13 =	simm.s32 $0x500  }
.LBB2_1:
0x10: {  	[tilespmem:s13], [sflag:$0x1] =	stream.linear.gather [hbm4b:s12+s4], $0xA000, $0x38;
	[tilespmem:$0xB800] =	vst v63  }
0x11: {  	_ =	swait.ge [sflag:s14], $0xA000  }
0x12: {  	[sflag:s14] =	ssyncset.done $0x0  }
0x13: {  	s20 =	simm.s32 $0x40;
	s21 =	simm.s32 $0x0;
	[sflag:s14] =	ssyncadd.s32 $0xFFFF6000  }
.LBB2_2:
0x14: {  	p0 =	sne.s32 s20, $0x13C0;
	[tilespmem:s21+$0xAE00] =	vst v1;
	s21 =	smov.u32 s20;
	s20 =	sadd.s32 $0x40, s20  }
.Ltmp0:
0x15: {  	(pc) =	sbr.rel @p0 .LBB2_2-.Ltmp0, $2  }
0x16: {  	_ =	sdelay $0x2  }
0x17: {  	s21 =	sshra.s32 s21, $0x2  }
0x18: {  	[tilespmem:s21+$0xAE00] =	vst v1  }
0x19: {  	[spmem:s7] =	stream.linear.scatter [tilespmem:s15], [sflag:$0x1], $0x500, $0x38;
	[tilespmem:$0xB800] =	vst v63  }
0x1a: {  	_ =	swait.ge [sflag:s14], $0x500  }
0x1b: {  	[sflag:s14] =	ssyncset.done $0x0  }
0x1c: {  	[sflag:s14] =	ssyncadd.s32 $0xFFFFFB00  }
0x1d: {  	s20 =	simm.s32 $0x0;
	s21 =	simm.s32 $0x0;
	[bflag:$0x0] =	sbarrier.arrive $0xFFFF  }
.LBB2_4:
0x1e: {  	s22 =	smul.u32 $0x240, s21;
	_ =	sdelay $0x1  }
0x1f: {  	s22 =	sadd.s32 s8, s22  }
0x20: {  	s23 =	sshrl.u32 s22, $0x3  }
0x21: {  	s24 =	sadd.s32 s1, s23  }
0x22: {  	[tilespmem:s20], [sflag:$0x1] =	stream.linear.gather [hbm4b:s24+s20], $0x240, $0x38;
	[tilespmem:$0xB800] =	vst v63  }
0x23: {  	_ =	swait.ge [sflag:s14], $0x240  }
0x24: {  	[sflag:s14] =	ssyncset.done $0x0  }
0x25: {  	s31 =	sadd.s32 s5, s23;
	s23 =	simm.s32 $0x280;
	[sflag:s14] =	ssyncadd.s32 $0xFFFFFDC0  }
0x26: {  	[tilespmem:s23], [sflag:$0x1] =	stream.linear.gather [hbm4b:s31+s20], $0x240, $0x38;
	[tilespmem:$0xB800] =	vst v63  }
0x27: {  	_ =	swait.ge [sflag:s14], $0x240  }
0x28: {  	[sflag:s14] =	ssyncset.done $0x0  }
0x29: {  	[sflag:s14] =	ssyncadd.s32 $0xFFFFFDC0  }
0x2a: {  	v4 =	vld [tilespmem:s20+$0x0]  }
0x2b: {  	v3 =	vld [tilespmem:s23+$0x0];
	_ =	sdelay $0x4  }
0x2c: {  	v4 =	vshll.u32 v4, $0x2;
	v5 =	vshll.u32 v3, $0x2  }
0x2d: {  	v6 =	vor.u32 $0x2, v5;
	_ =	sdelay $0x3  }
0x2e: {  	v7 =	vld.idx.msk [tilespmem:v4+s13+$0x0], $0xffff  }
0x2f: {  	v6 =	vld.idx.msk [tilespmem:v6+s13+$0x0], $0xffff;
	_ =	sdelay $0x2  }
0x30: {  	v5 =	vor.u32 $0x3, v5  }
0x31: {  	v4 =	vor.u32 $0x1, v4  }
0x32: {  	v6 =	vadd.f32 v6, v7;
	_ =	sdelay $0x1  }
0x33: {  	v7 =	vmul.f32 $2.000000030e-01, v6  }
0x34: {  	v5 =	vld.idx.msk [tilespmem:v5+s13+$0x0], $0xffff  }
0x35: {  	v4 =	vld.idx.msk [tilespmem:v4+s13+$0x0], $0xffff;
	v6 =	vmax.f32 v6, v7  }
0x36: {  	v6 =	vmul.f32 $1.442695020e+00, v6;
	_ =	sdelay $0x1  }
0x37: {  	(erf) = vpow2.f32 v6;
	_ =	sdelay $0x1  }
0x38: {  	v5 =	vadd.f32 v5, v4;
	_ =	sdelay $0x1  }
0x39: {  	v6 =	vmul.f32 $2.000000030e-01, v5;
	_ =	sdelay $0x1  }
0x3a: {  	v5 =	vmax.f32 v5, v6  }
0x3b: {  	v5 =	vmul.f32 $1.442695020e+00, v5;
	_ =	sdelay $0x1  }
0x3c: {  	v6 =	vpop (erf);
	(erf) = vpow2.f32 v5;
	_ =	sdelay $0x2  }
0x3d: {  	v4 =	vor.u32 s20, v0;
	_ =	sdelay $0x1  }
0x3e: {  	v5 =	vor.u32 s20, v2;
	_ =	sdelay $0x2  }
0x3f: {  	s25 =	simm.s32 $0x0;
	s24 =	simm.s32 $0x20;
	[tilespmem:v4+s16+$0x0] =	vst.idx.msk $0xffff, v6  }
.LBB2_5:
0x40: {  	p0 =	sne.s32 s24, $0x460;
	s25 =	sadd.s32 $0x10, s25;
	s23 =	sadd.s32 $0x10, s23;
	v6 =	vpop (erf)  }
0x41: {  	v3 =	vshll.u32 v3, $0x1;
	s26 =	smov.u32 s24;
	s24 =	sadd.s32 $0x20, s24;
	[tilespmem:v5+s16+$0x0] =	vst.idx.msk $0xffff, v6  }
0x42: {  	[tilespmem:v4+s17+$0x0] =	vst.idx.msk $0xffff, v3;
	v3 =	vor.u32 $0x1, v3  }
0x43: {  	[tilespmem:v5+s17+$0x0] =	vst.idx.msk $0xffff, v3  }
0x44: {  	v4 =	vld [tilespmem:s25+$0x0]  }
0x45: {  	v3 =	vld [tilespmem:s23+$0x0];
	_ =	sdelay $0x3  }
0x46: {  	v4 =	vshll.u32 v4, $0x2  }
0x47: {  	v5 =	vshll.u32 v3, $0x2;
	v6 =	vor.u32 $0x1, v4  }
0x48: {  	v7 =	vor.u32 $0x2, v5;
	v5 =	vor.u32 $0x3, v5;
	_ =	sdelay $0x3  }
0x49: {  	v4 =	vld.idx.msk [tilespmem:v4+s13+$0x0], $0xffff  }
0x4a: {  	v7 =	vld.idx.msk [tilespmem:v7+s13+$0x0], $0xffff  }
0x4b: {  	v6 =	vld.idx.msk [tilespmem:v6+s13+$0x0], $0xffff  }
0x4c: {  	v5 =	vld.idx.msk [tilespmem:v5+s13+$0x0], $0xffff;
	_ =	sdelay $0x3  }
0x4d: {  	v4 =	vadd.f32 v7, v4;
	_ =	sdelay $0x1  }
0x4e: {  	v5 =	vadd.f32 v5, v6;
	v6 =	vmul.f32 $2.000000030e-01, v4;
	_ =	sdelay $0x1  }
0x4f: {  	v4 =	vmax.f32 v4, v6;
	v6 =	vmul.f32 $2.000000030e-01, v5  }
0x50: {  	v4 =	vmul.f32 $1.442695020e+00, v4  }
0x51: {  	v5 =	vmax.f32 v5, v6  }
0x52: {  	v5 =	vmul.f32 $1.442695020e+00, v5;
	(erf) = vpow2.f32 v4;
	_ =	sdelay $0x1  }
0x53: {  	(erf) = vpow2.f32 v5;
	_ =	sdelay $0x2  }
0x54: {  	v4 =	vor.u32 s26, v0  }
.Ltmp1:
0x55: {  	(pc) =	sbr.rel @p0 .LBB2_5-.Ltmp1, $3  }
0x56: {  	v5 =	vor.u32 s26, v2;
	_ =	sdelay $0x1  }
0x57: {  	v6 =	vpop (erf)  }
0x58: {  	[tilespmem:v4+s16+$0x0] =	vst.idx.msk $0xffff, v6  }
0x59: {  	_ =	sdelay $0x2  }
0x5a: {  	v6 =	vpop (erf)  }
0x5b: {  	v3 =	vshll.u32 v3, $0x1;
	[tilespmem:v5+s16+$0x0] =	vst.idx.msk $0xffff, v6  }
0x5c: {  	[tilespmem:v4+s17+$0x0] =	vst.idx.msk $0xffff, v3;
	v3 =	vor.u32 $0x1, v3  }
0x5d: {  	s22 =	sshll.u32 s22, $0x1;
	[tilespmem:v5+s17+$0x0] =	vst.idx.msk $0xffff, v3  }
0x5e: {  	[spmem:s3] =	stream.indirect.scatter.add.f32 [tilespmem:s16], [sflag:$0x1], $0x1, s17, s18, $0xb8;
	[tilespmem:$0xB800] =	vst v63  }
0x5f: {  	s21 =	sadd.s32 $0x1, s21;
	s22 =	sadd.s32 s9, s22;
	_ =	swait.ge [sflag:s14], $0x480  }
0x60: {  	p0 =	sne.s32 s21, $0x24;
	s22 =	sshrl.u32 s22, $0x3;
	[sflag:s14] =	ssyncset.done $0x0  }
.Ltmp2:
0x61: {  	s22 =	sadd.s32 s6, s22;
	[sflag:s14] =	ssyncadd.s32 $0xFFFFFB80;
	(pc) =	sbr.rel @p0 .LBB2_4-.Ltmp2, $4  }
0x62: {  	[hbm4b:s22+s4] =	stream.linear.scatter [tilespmem:s16], [sflag:$0x1], $0x480, $0x38;
	[tilespmem:$0xB800] =	vst v63  }
0x63: {  	_ =	swait.ge [sflag:s14], $0x480  }
0x64: {  	[sflag:s14] =	ssyncset.done $0x0  }
0x65: {  	[sflag:s14] =	ssyncadd.s32 $0xFFFFFB80  }
0x66: {  	[bflag:$0x0] =	sbarrier.arrive $0xFFFF  }
0x67: {  	[tilespmem:s15], [sflag:$0x1] =	stream.linear.gather [spmem:s7], $0x500, $0x38;
	[tilespmem:$0xB800] =	vst v63  }
0x68: {  	s19 =	sadd.s32 $0x1, s19;
	_ =	swait.ge [sflag:s14], $0x500  }
0x69: {  	p0 =	sne.s32 s19, s11;
	[sflag:s14] =	ssyncset.done $0x0  }
.Ltmp3:
0x6a: {  	[sflag:s14] =	ssyncadd.s32 $0xFFFFFB00;
	(pc) =	sbr.rel @p0 .LBB2_1-.Ltmp3, $4  }
0x6b: {  	[hbm4b:s10+s4] =	stream.linear.scatter [tilespmem:s15], [sflag:$0x1], $0x500, $0x38;
	[tilespmem:$0xB800] =	vst v63  }
0x6c: {  	_ =	swait.ge [sflag:s14], $0x500  }
0x6d: {  	[sflag:s14] =	ssyncset.done $0x0  }
0x6e: {  	[sflag:s14] =	ssyncadd.s32 $0xFFFFFB00  }
0x6f: {  	_ =	sfence.sel $0x180000  }
0x70: {  	[bflag:$0x0] =	sbarrier.arrive $0xFFFF  }
0x71: {  	p0 =	sne.s32 s2, $0x0;
	_ =	strace $0x90000047  }
0x72: {  	s0 =	sadd.s32 @!p0 $0x100000, s0;
	[bflag:$0x2] =	sbarrier.arrive $0xFFFF  }
0x73: {  	[sflag:s0] =	ssyncadd.tile.s32 @!p0 $0x1;
	_ =	shalt  }
.Lfunc_end2:
_tile_overlayer_lowered:
.L_overlay_start_2:
0x74: {  	(tag) =	ssettag $0x2  }
0x75: {  	s0 =	rddreg [dreg:$0x0];
	s2 =	stileid.u32  }
0x76: {  	s1 =	rddreg [dreg:$0x1];
	p0 =	sne.s32 s2, $0x0  }
0x77: {  	s3 =	rddreg [dreg:$0x2];
	[bflag:$0x3] =	sbarrier.arrive $0xFFFF;
	s2 =	simm.s32 @!p0 $0x1C01  }
0x78: {  	[timem:s3], [sflag:s2] =	dma.local @!p0 [hbm:s0], s1  }
0x79: {  	s0 =	simm.s32 @!p0 $0x1  }
0x7a: {  	_ =	swait.ge @!p0 [sflag:s0], s1  }
0x7b: {  	s1 =	ssub.s32 @!p0 $0x0, s1;
	[sflag:s0] =	ssyncset.done @!p0 $0x0  }
0x7c: {  	[sflag:s0] =	ssyncadd.s32 @!p0 s1  }
0x7d: {  	[bflag:$0x3] =	sbarrier.arrive $0xFFFF  }
0x7e: {  	_ =	shalt  }

</sc_bundles>
